<compile_context>
chip_gen: v7x
topology: tpu7x:2x2x1
jax: 0.10.2.dev20260603
libtpu: 0.0.44.dev20260713+nightly
codegen_flags: <defaults>
</compile_context>

<pallas_src>
import jax
import jax.numpy as jnp
from jax import lax
from jax.experimental import pallas as pl
from jax.experimental.pallas import tpu as pltpu
from jax.experimental.pallas import tpu_sc as plsc

NUM_FACTORS = 32
BATCH = 16384
NC = 2
NS = 16
L = 16
NW = NC * NS
B_PER_W = BATCH // NW
CHUNK = 128
NCHUNK = B_PER_W // CHUNK
NGROUP = B_PER_W // L
PACK = 128 // NUM_FACTORS
N4 = 249856
NMAIN = PACK * N4
NTAIL = (1000000 - NMAIN) // PACK
PC = 7808
PGRID = N4 // PC
HCHUNK = 2
HB = HCHUNK * CHUNK
HGROUP = HB // L
STAGE = HB + NTAIL


def _pack_body(x0_ref, x1_ref, x2_ref, x3_ref, o_ref):
    o_ref[...] = jnp.concatenate(
        [x0_ref[...].T, x1_ref[...].T, x2_ref[...].T, x3_ref[...].T], axis=1)


_pack = pl.pallas_call(
    _pack_body,
    grid=(PGRID,),
    in_specs=[
        pl.BlockSpec((NUM_FACTORS, PC), lambda i, s=s: (0, s * (N4 // PC) + i))
        for s in range(PACK)
    ],
    out_specs=pl.BlockSpec((PC, 128), lambda i: (i, 0)),
    out_shape=jax.ShapeDtypeStruct((N4, 128), jnp.float32),
)


def _gmf_body(uidx_hbm, iidx_hbm, utab_hbm, itab_hbm, utail_hbm, itail_hbm,
              w_hbm, b_hbm, out_hbm,
              uidx_v, iidx_v, qu_v, qi_v, ulines_v, ilines_v, w_v, b_v,
              out_v, sem):
    wid = lax.axis_index("s") * NC + lax.axis_index("c")
    base = wid * B_PER_W

    for j in range(NCHUNK):
        pltpu.sync_copy(uidx_hbm.at[pl.ds(base + j * CHUNK, CHUNK)], uidx_v.at[j])
        pltpu.sync_copy(iidx_hbm.at[pl.ds(base + j * CHUNK, CHUNK)], iidx_v.at[j])
    pltpu.sync_copy(w_hbm, w_v)
    pltpu.sync_copy(b_hbm, b_v)
    pltpu.sync_copy(utail_hbm, ulines_v.at[pl.ds(HB, NTAIL)])
    pltpu.sync_copy(itail_hbm, ilines_v.at[pl.ds(HB, NTAIL)])

    def quarter(v):
        return ((v >= N4).astype(jnp.int32) + (v >= 2 * N4).astype(jnp.int32)
                + (v >= 3 * N4).astype(jnp.int32))

    def qprep(g, carry):
        sl = pl.ds(g * L, L)
        for (src, dst) in ((uidx_v, qu_v), (iidx_v, qi_v)):
            v = src[g // (CHUNK // L), pl.ds((g % (CHUNK // L)) * L, L)]
            dst[sl] = jnp.minimum(v - quarter(v) * N4, N4 - 1)
        return carry

    lax.fori_loop(0, NGROUP, qprep, 0)

    ws = [w_v[pl.ds(f * L, L)] for f in range(NUM_FACTORS)]
    bias = b_v[...]
    lane = lax.iota(jnp.int32, L)

    for h in range(2):
        copies = []
        for jj in range(HCHUNK):
            j = h * HCHUNK + jj
            dst = pl.ds(jj * CHUNK, CHUNK)
            copies.append(pltpu.async_copy(
                utab_hbm.at[qu_v.at[pl.ds(j * CHUNK, CHUNK)]],
                ulines_v.at[dst], sem))
            copies.append(pltpu.async_copy(
                itab_hbm.at[qi_v.at[pl.ds(j * CHUNK, CHUNK)]],
                ilines_v.at[dst], sem))
        for c in copies:
            c.wait()

        def group(g, carry):
            gg = h * HGROUP + g
            ci, cs = gg // (CHUNK // L), pl.ds((gg % (CHUNK // L)) * L, L)
            local = g * L + lane
            acc = jnp.zeros((L,), jnp.float32)
            for (idxv, lines) in ((uidx_v, ulines_v), (iidx_v, ilines_v)):
                tid = idxv[ci, cs]
                tail = tid >= PACK * N4
                toff = tid - PACK * N4
                row = jnp.where(tail, HB + lax.shift_right_logical(toff, 2),
                                local)
                sub = jnp.where(tail, (toff & (PACK - 1)) * NUM_FACTORS,
                                quarter(tid) * NUM_FACTORS)
                if lines is ulines_v:
                    urow, su = row, sub
                else:
                    irow, si = row, sub
            for f in range(NUM_FACTORS):
                u = plsc.load_gather(ulines_v, [urow, su + f])
                it = plsc.load_gather(ilines_v, [irow, si + f])
                acc = acc + u * it * ws[f]
            x = acc + bias
            out_v[pl.ds(gg * L, L)] = 1.0 / (1.0 + jnp.exp(-x))
            return carry

        lax.fori_loop(0, HGROUP, group, 0)

    pltpu.sync_copy(out_v, out_hbm.at[pl.ds(base, B_PER_W)])


_gmf = pl.kernel(
    _gmf_body,
    out_type=jax.ShapeDtypeStruct((BATCH,), jnp.float32),
    mesh=plsc.VectorSubcoreMesh(core_axis_name="c", subcore_axis_name="s",
                                num_cores=NC, num_subcores=NS),
    compiler_params=pltpu.CompilerParams(needs_layout_passes=False),
    scratch_types=[
        pltpu.VMEM((NCHUNK, CHUNK), jnp.int32),
        pltpu.VMEM((NCHUNK, CHUNK), jnp.int32),
        pltpu.VMEM((B_PER_W,), jnp.int32),
        pltpu.VMEM((B_PER_W,), jnp.int32),
        pltpu.VMEM((STAGE, 128), jnp.float32),
        pltpu.VMEM((STAGE, 128), jnp.float32),
        pltpu.VMEM((NUM_FACTORS * L,), jnp.float32),
        pltpu.VMEM((L,), jnp.float32),
        pltpu.VMEM((B_PER_W,), jnp.float32),
        pltpu.SemaphoreType.DMA,
    ],
)


def kernel(user_indices, item_indices, user_table, item_table, affine_w, affine_b):
    uidx = user_indices.astype(jnp.int32)
    iidx = item_indices.astype(jnp.int32)
    ut_t = user_table.T
    it_t = item_table.T
    ut_p = _pack(ut_t, ut_t, ut_t, ut_t)
    it_p = _pack(it_t, it_t, it_t, it_t)
    u_tail = user_table[NMAIN:].reshape(NTAIL, 128)
    i_tail = item_table[NMAIN:].reshape(NTAIL, 128)
    w_b = jnp.broadcast_to(affine_w.reshape(NUM_FACTORS, 1),
                           (NUM_FACTORS, L)).reshape(NUM_FACTORS * L)
    b_b = jnp.broadcast_to(affine_b.reshape(1), (L,))
    return _gmf(uidx, iidx, ut_p, it_p, u_tail, i_tail, w_b, b_b)

# --- scband reference (transcript-rebuilt; emitter-appended) ---
"""Pipeline reference for scband-gmf-72954314490001 (READ-ONLY COPY).

The authoritative reference and input builder live on the scoring server;
editing this copy changes nothing except your own understanding.
"""

import jax, jax.numpy as jnp
import numpy as np

NUM_USERS = 1000000
NUM_ITEMS = 1000000
NUM_FACTORS = 32
BATCH = 16384


def setup_inputs(seed: int = 0) -> dict:
    key = jax.random.key(seed)
    k1, k2, k3, k4, k5, k6 = jax.random.split(key, 6)
    user_indices = jax.random.randint(k1, (BATCH,), 0, NUM_USERS, dtype=jnp.int64 if jax.config.jax_enable_x64 else jnp.int32)
    item_indices = jax.random.randint(k2, (BATCH,), 0, NUM_ITEMS, dtype=jnp.int64 if jax.config.jax_enable_x64 else jnp.int32)
    user_table = jax.random.normal(k3, (NUM_USERS, NUM_FACTORS), dtype=jnp.float32)
    item_table = jax.random.normal(k4, (NUM_ITEMS, NUM_FACTORS), dtype=jnp.float32)
    # nn.Linear(32, 1): weight [1, 32], bias [1]
    bound = 1.0 / np.sqrt(NUM_FACTORS)
    affine_w = jax.random.uniform(k5, (1, NUM_FACTORS), minval=-bound, maxval=bound, dtype=jnp.float32)
    affine_b = jax.random.uniform(k6, (1,), minval=-bound, maxval=bound, dtype=jnp.float32)
    return {
        "user_indices": user_indices,
        "item_indices": item_indices,
        "user_table": user_table,
        "item_table": item_table,
        "affine_w": affine_w,
        "affine_b": affine_b,
    }


def reference(user_indices, item_indices, user_table, item_table, affine_w, affine_b):
    # embedding lookups (SparseCore gather)
    user_embedding = jnp.take(user_table, user_indices, axis=0)  # [B, F]
    item_embedding = jnp.take(item_table, item_indices, axis=0)  # [B, F]
    element_product = user_embedding * item_embedding             # [B, F]
    logits = element_product @ affine_w.T + affine_b              # [B, 1]
    rating = jax.nn.sigmoid(logits)
    return jnp.squeeze(rating)                                    # [B]

if __name__ == "__main__":
    import jax
    _d = setup_inputs()
    print(jax.jit(kernel)(*tuple(_d.values())))

</pallas_src>

<mosaic_0001>
#map = affine_map<(d0, d1) -> (0)>
#map1 = affine_map<(d0, d1) -> (0, 0)>
module attributes {stable_mosaic.version = 14 : i64} {
  func.func @_gmf_body(%arg0: i32, %arg1: i32, %arg2: memref<16384xi32, #tpu.memory_space<hbm>>, %arg3: memref<16384xi32, #tpu.memory_space<hbm>>, %arg4: memref<249856x128xf32, #tpu.memory_space<hbm>>, %arg5: memref<249856x128xf32, #tpu.memory_space<hbm>>, %arg6: memref<144x128xf32, #tpu.memory_space<hbm>>, %arg7: memref<144x128xf32, #tpu.memory_space<hbm>>, %arg8: memref<512xf32, #tpu.memory_space<hbm>>, %arg9: memref<16xf32, #tpu.memory_space<hbm>>, %arg10: memref<16384xf32, #tpu.memory_space<hbm>>, %arg11: memref<4x128xi32, #tpu.memory_space<vmem>>, %arg12: memref<4x128xi32, #tpu.memory_space<vmem>>, %arg13: memref<512xi32, #tpu.memory_space<vmem>>, %arg14: memref<512xi32, #tpu.memory_space<vmem>>, %arg15: memref<400x128xf32, #tpu.memory_space<vmem>>, %arg16: memref<400x128xf32, #tpu.memory_space<vmem>>, %arg17: memref<512xf32, #tpu.memory_space<vmem>>, %arg18: memref<16xf32, #tpu.memory_space<vmem>>, %arg19: memref<512xf32, #tpu.memory_space<vmem>>, %arg20: memref<!tpu.dma_semaphore, #tpu.memory_space<semaphore_mem>>) attributes {dimension_semantics = [#tpu.dimension_semantics<core_parallel>, #tpu.dimension_semantics<subcore_parallel>], iteration_bounds = array<i64: 2, 16>, scalar_prefetch = 0 : i64, scratch_operands = 10 : i64, tpu.core_type = #tpu.core_type<sc_vector_subcore>, window_params = [{transform_indices = #map}, {transform_indices = #map}, {transform_indices = #map1}, {transform_indices = #map1}, {transform_indices = #map1}, {transform_indices = #map1}, {transform_indices = #map}, {transform_indices = #map}, {transform_indices = #map}]} {
    %mul3A = arith.constant 2 : i32
    %mul3A_0 = arith.muli %arg1, %mul3A : i32
    %add3A = arith.addi %mul3A_0, %arg0 : i32
    %mul3A_1 = arith.constant 512 : i32
    %mul3A_2 = arith.muli %add3A, %mul3A_1 : i32
    %add3A_3 = arith.constant 0 : i32
    %add3A_4 = arith.addi %mul3A_2, %add3A_3 : i32
    %run_scoped3A = arith.constant 0 : i32
    "tpu.region"() ({
      %run_scoped3A_234 = tpu.sem_alloc : memref<!tpu.dma_semaphore, #tpu.memory_space<semaphore_mem>>
      %dma_start3A_235 = arith.constant 0 : i32
      %dma_start3A_236 = tpu.memref_slice %arg11[%run_scoped3A, %dma_start3A_235] : memref<4x128xi32, #tpu.memory_space<vmem>> -> memref<1x128xi32, #tpu.memory_space<vmem>>
      %dma_start3A_237 = tpu.memref_squeeze %dma_start3A_236 : memref<1x128xi32, #tpu.memory_space<vmem>> -> memref<128xi32, #tpu.memory_space<vmem>>
      %dma_start3A_238 = tpu.memref_slice %arg2[%add3A_4] : memref<16384xi32, #tpu.memory_space<hbm>> -> memref<128xi32, #tpu.memory_space<hbm>>
      %dma_start3A_239 = arith.constant 0 : i32
      %dma_start3A_240 = tpu.memref_slice %arg11[%run_scoped3A, %dma_start3A_239] : memref<4x128xi32, #tpu.memory_space<vmem>> -> memref<1x128xi32, #tpu.memory_space<vmem>>
      %dma_start3A_241 = tpu.memref_squeeze %dma_start3A_240 : memref<1x128xi32, #tpu.memory_space<vmem>> -> memref<128xi32, #tpu.memory_space<vmem>>
      %dma_start3A_242 = tpu.memref_slice %arg2[%add3A_4] : memref<16384xi32, #tpu.memory_space<hbm>> -> memref<128xi32, #tpu.memory_space<hbm>>
      tpu.enqueue_dma source(%dma_start3A_242 : memref<128xi32, #tpu.memory_space<hbm>>) target(%dma_start3A_241 : memref<128xi32, #tpu.memory_space<vmem>>) target_semaphore(%run_scoped3A_234 : memref<!tpu.dma_semaphore, #tpu.memory_space<semaphore_mem>>)
      %dma_wait3A_243 = arith.constant 0 : i32
      %dma_wait3A_244 = tpu.memref_slice %arg11[%run_scoped3A, %dma_wait3A_243] : memref<4x128xi32, #tpu.memory_space<vmem>> -> memref<1x128xi32, #tpu.memory_space<vmem>>
      %dma_wait3A_245 = tpu.memref_squeeze %dma_wait3A_244 : memref<1x128xi32, #tpu.memory_space<vmem>> -> memref<128xi32, #tpu.memory_space<vmem>>
      %dma_wait3A_246 = tpu.memref_slice %arg2[%add3A_4] : memref<16384xi32, #tpu.memory_space<hbm>> -> memref<128xi32, #tpu.memory_space<hbm>>
      %dma_wait3A_247 = arith.constant 0 : i32
      %dma_wait3A_248 = tpu.memref_slice %arg11[%run_scoped3A, %dma_wait3A_247] : memref<4x128xi32, #tpu.memory_space<vmem>> -> memref<1x128xi32, #tpu.memory_space<vmem>>
      %dma_wait3A_249 = tpu.memref_squeeze %dma_wait3A_248 : memref<1x128xi32, #tpu.memory_space<vmem>> -> memref<128xi32, #tpu.memory_space<vmem>>
      %dma_wait3A_250 = tpu.memref_slice %arg2[%add3A_4] : memref<16384xi32, #tpu.memory_space<hbm>> -> memref<128xi32, #tpu.memory_space<hbm>>
      tpu.wait_dma2 semaphore(%run_scoped3A_234 : memref<!tpu.dma_semaphore, #tpu.memory_space<semaphore_mem>>) src(%dma_wait3A_250 : memref<128xi32, #tpu.memory_space<hbm>>) dst(%dma_wait3A_249 : memref<128xi32, #tpu.memory_space<vmem>>)
      tpu.yield
    }) : () -> ()
    %add3A_5 = arith.constant 0 : i32
    %add3A_6 = arith.addi %mul3A_2, %add3A_5 : i32
    %run_scoped3A_7 = arith.constant 0 : i32
    "tpu.region"() ({
      %run_scoped3A_234 = tpu.sem_alloc : memref<!tpu.dma_semaphore, #tpu.memory_space<semaphore_mem>>
      %dma_start3A_235 = arith.constant 0 : i32
      %dma_start3A_236 = tpu.memref_slice %arg12[%run_scoped3A_7, %dma_start3A_235] : memref<4x128xi32, #tpu.memory_space<vmem>> -> memref<1x128xi32, #tpu.memory_space<vmem>>
      %dma_start3A_237 = tpu.memref_squeeze %dma_start3A_236 : memref<1x128xi32, #tpu.memory_space<vmem>> -> memref<128xi32, #tpu.memory_space<vmem>>
      %dma_start3A_238 = tpu.memref_slice %arg3[%add3A_6] : memref<16384xi32, #tpu.memory_space<hbm>> -> memref<128xi32, #tpu.memory_space<hbm>>
      %dma_start3A_239 = arith.constant 0 : i32
      %dma_start3A_240 = tpu.memref_slice %arg12[%run_scoped3A_7, %dma_start3A_239] : memref<4x128xi32, #tpu.memory_space<vmem>> -> memref<1x128xi32, #tpu.memory_space<vmem>>
      %dma_start3A_241 = tpu.memref_squeeze %dma_start3A_240 : memref<1x128xi32, #tpu.memory_space<vmem>> -> memref<128xi32, #tpu.memory_space<vmem>>
      %dma_start3A_242 = tpu.memref_slice %arg3[%add3A_6] : memref<16384xi32, #tpu.memory_space<hbm>> -> memref<128xi32, #tpu.memory_space<hbm>>
      tpu.enqueue_dma source(%dma_start3A_242 : memref<128xi32, #tpu.memory_space<hbm>>) target(%dma_start3A_241 : memref<128xi32, #tpu.memory_space<vmem>>) target_semaphore(%run_scoped3A_234 : memref<!tpu.dma_semaphore, #tpu.memory_space<semaphore_mem>>)
      %dma_wait3A_243 = arith.constant 0 : i32
      %dma_wait3A_244 = tpu.memref_slice %arg12[%run_scoped3A_7, %dma_wait3A_243] : memref<4x128xi32, #tpu.memory_space<vmem>> -> memref<1x128xi32, #tpu.memory_space<vmem>>
      %dma_wait3A_245 = tpu.memref_squeeze %dma_wait3A_244 : memref<1x128xi32, #tpu.memory_space<vmem>> -> memref<128xi32, #tpu.memory_space<vmem>>
      %dma_wait3A_246 = tpu.memref_slice %arg3[%add3A_6] : memref<16384xi32, #tpu.memory_space<hbm>> -> memref<128xi32, #tpu.memory_space<hbm>>
      %dma_wait3A_247 = arith.constant 0 : i32
      %dma_wait3A_248 = tpu.memref_slice %arg12[%run_scoped3A_7, %dma_wait3A_247] : memref<4x128xi32, #tpu.memory_space<vmem>> -> memref<1x128xi32, #tpu.memory_space<vmem>>
      %dma_wait3A_249 = tpu.memref_squeeze %dma_wait3A_248 : memref<1x128xi32, #tpu.memory_space<vmem>> -> memref<128xi32, #tpu.memory_space<vmem>>
      %dma_wait3A_250 = tpu.memref_slice %arg3[%add3A_6] : memref<16384xi32, #tpu.memory_space<hbm>> -> memref<128xi32, #tpu.memory_space<hbm>>
      tpu.wait_dma2 semaphore(%run_scoped3A_234 : memref<!tpu.dma_semaphore, #tpu.memory_space<semaphore_mem>>) src(%dma_wait3A_250 : memref<128xi32, #tpu.memory_space<hbm>>) dst(%dma_wait3A_249 : memref<128xi32, #tpu.memory_space<vmem>>)
      tpu.yield
    }) : () -> ()
    %add3A_8 = arith.constant 128 : i32
    %add3A_9 = arith.addi %mul3A_2, %add3A_8 : i32
    %run_scoped3A_10 = arith.constant 1 : i32
    "tpu.region"() ({
      %run_scoped3A_234 = tpu.sem_alloc : memref<!tpu.dma_semaphore, #tpu.memory_space<semaphore_mem>>
      %dma_start3A_235 = arith.constant 0 : i32
      %dma_start3A_236 = tpu.memref_slice %arg11[%run_scoped3A_10, %dma_start3A_235] : memref<4x128xi32, #tpu.memory_space<vmem>> -> memref<1x128xi32, #tpu.memory_space<vmem>>
      %dma_start3A_237 = tpu.memref_squeeze %dma_start3A_236 : memref<1x128xi32, #tpu.memory_space<vmem>> -> memref<128xi32, #tpu.memory_space<vmem>>
      %dma_start3A_238 = tpu.memref_slice %arg2[%add3A_9] : memref<16384xi32, #tpu.memory_space<hbm>> -> memref<128xi32, #tpu.memory_space<hbm>>
      %dma_start3A_239 = arith.constant 0 : i32
      %dma_start3A_240 = tpu.memref_slice %arg11[%run_scoped3A_10, %dma_start3A_239] : memref<4x128xi32, #tpu.memory_space<vmem>> -> memref<1x128xi32, #tpu.memory_space<vmem>>
      %dma_start3A_241 = tpu.memref_squeeze %dma_start3A_240 : memref<1x128xi32, #tpu.memory_space<vmem>> -> memref<128xi32, #tpu.memory_space<vmem>>
      %dma_start3A_242 = tpu.memref_slice %arg2[%add3A_9] : memref<16384xi32, #tpu.memory_space<hbm>> -> memref<128xi32, #tpu.memory_space<hbm>>
      tpu.enqueue_dma source(%dma_start3A_242 : memref<128xi32, #tpu.memory_space<hbm>>) target(%dma_start3A_241 : memref<128xi32, #tpu.memory_space<vmem>>) target_semaphore(%run_scoped3A_234 : memref<!tpu.dma_semaphore, #tpu.memory_space<semaphore_mem>>)
      %dma_wait3A_243 = arith.constant 0 : i32
      %dma_wait3A_244 = tpu.memref_slice %arg11[%run_scoped3A_10, %dma_wait3A_243] : memref<4x128xi32, #tpu.memory_space<vmem>> -> memref<1x128xi32, #tpu.memory_space<vmem>>
      %dma_wait3A_245 = tpu.memref_squeeze %dma_wait3A_244 : memref<1x128xi32, #tpu.memory_space<vmem>> -> memref<128xi32, #tpu.memory_space<vmem>>
      %dma_wait3A_246 = tpu.memref_slice %arg2[%add3A_9] : memref<16384xi32, #tpu.memory_space<hbm>> -> memref<128xi32, #tpu.memory_space<hbm>>
      %dma_wait3A_247 = arith.constant 0 : i32
      %dma_wait3A_248 = tpu.memref_slice %arg11[%run_scoped3A_10, %dma_wait3A_247] : memref<4x128xi32, #tpu.memory_space<vmem>> -> memref<1x128xi32, #tpu.memory_space<vmem>>
      %dma_wait3A_249 = tpu.memref_squeeze %dma_wait3A_248 : memref<1x128xi32, #tpu.memory_space<vmem>> -> memref<128xi32, #tpu.memory_space<vmem>>
      %dma_wait3A_250 = tpu.memref_slice %arg2[%add3A_9] : memref<16384xi32, #tpu.memory_space<hbm>> -> memref<128xi32, #tpu.memory_space<hbm>>
      tpu.wait_dma2 semaphore(%run_scoped3A_234 : memref<!tpu.dma_semaphore, #tpu.memory_space<semaphore_mem>>) src(%dma_wait3A_250 : memref<128xi32, #tpu.memory_space<hbm>>) dst(%dma_wait3A_249 : memref<128xi32, #tpu.memory_space<vmem>>)
      tpu.yield
    }) : () -> ()
    %add3A_11 = arith.constant 128 : i32
    %add3A_12 = arith.addi %mul3A_2, %add3A_11 : i32
    %run_scoped3A_13 = arith.constant 1 : i32
    "tpu.region"() ({
      %run_scoped3A_234 = tpu.sem_alloc : memref<!tpu.dma_semaphore, #tpu.memory_space<semaphore_mem>>
      %dma_start3A_235 = arith.constant 0 : i32
      %dma_start3A_236 = tpu.memref_slice %arg12[%run_scoped3A_13, %dma_start3A_235] : memref<4x128xi32, #tpu.memory_space<vmem>> -> memref<1x128xi32, #tpu.memory_space<vmem>>
      %dma_start3A_237 = tpu.memref_squeeze %dma_start3A_236 : memref<1x128xi32, #tpu.memory_space<vmem>> -> memref<128xi32, #tpu.memory_space<vmem>>
      %dma_start3A_238 = tpu.memref_slice %arg3[%add3A_12] : memref<16384xi32, #tpu.memory_space<hbm>> -> memref<128xi32, #tpu.memory_space<hbm>>
      %dma_start3A_239 = arith.constant 0 : i32
      %dma_start3A_240 = tpu.memref_slice %arg12[%run_scoped3A_13, %dma_start3A_239] : memref<4x128xi32, #tpu.memory_space<vmem>> -> memref<1x128xi32, #tpu.memory_space<vmem>>
      %dma_start3A_241 = tpu.memref_squeeze %dma_start3A_240 : memref<1x128xi32, #tpu.memory_space<vmem>> -> memref<128xi32, #tpu.memory_space<vmem>>
      %dma_start3A_242 = tpu.memref_slice %arg3[%add3A_12] : memref<16384xi32, #tpu.memory_space<hbm>> -> memref<128xi32, #tpu.memory_space<hbm>>
      tpu.enqueue_dma source(%dma_start3A_242 : memref<128xi32, #tpu.memory_space<hbm>>) target(%dma_start3A_241 : memref<128xi32, #tpu.memory_space<vmem>>) target_semaphore(%run_scoped3A_234 : memref<!tpu.dma_semaphore, #tpu.memory_space<semaphore_mem>>)
      %dma_wait3A_243 = arith.constant 0 : i32
      %dma_wait3A_244 = tpu.memref_slice %arg12[%run_scoped3A_13, %dma_wait3A_243] : memref<4x128xi32, #tpu.memory_space<vmem>> -> memref<1x128xi32, #tpu.memory_space<vmem>>
      %dma_wait3A_245 = tpu.memref_squeeze %dma_wait3A_244 : memref<1x128xi32, #tpu.memory_space<vmem>> -> memref<128xi32, #tpu.memory_space<vmem>>
      %dma_wait3A_246 = tpu.memref_slice %arg3[%add3A_12] : memref<16384xi32, #tpu.memory_space<hbm>> -> memref<128xi32, #tpu.memory_space<hbm>>
      %dma_wait3A_247 = arith.constant 0 : i32
      %dma_wait3A_248 = tpu.memref_slice %arg12[%run_scoped3A_13, %dma_wait3A_247] : memref<4x128xi32, #tpu.memory_space<vmem>> -> memref<1x128xi32, #tpu.memory_space<vmem>>
      %dma_wait3A_249 = tpu.memref_squeeze %dma_wait3A_248 : memref<1x128xi32, #tpu.memory_space<vmem>> -> memref<128xi32, #tpu.memory_space<vmem>>
      %dma_wait3A_250 = tpu.memref_slice %arg3[%add3A_12] : memref<16384xi32, #tpu.memory_space<hbm>> -> memref<128xi32, #tpu.memory_space<hbm>>
      tpu.wait_dma2 semaphore(%run_scoped3A_234 : memref<!tpu.dma_semaphore, #tpu.memory_space<semaphore_mem>>) src(%dma_wait3A_250 : memref<128xi32, #tpu.memory_space<hbm>>) dst(%dma_wait3A_249 : memref<128xi32, #tpu.memory_space<vmem>>)
      tpu.yield
    }) : () -> ()
    %add3A_14 = arith.constant 256 : i32
    %add3A_15 = arith.addi %mul3A_2, %add3A_14 : i32
    %run_scoped3A_16 = arith.constant 2 : i32
    "tpu.region"() ({
      %run_scoped3A_234 = tpu.sem_alloc : memref<!tpu.dma_semaphore, #tpu.memory_space<semaphore_mem>>
      %dma_start3A_235 = arith.constant 0 : i32
      %dma_start3A_236 = tpu.memref_slice %arg11[%run_scoped3A_16, %dma_start3A_235] : memref<4x128xi32, #tpu.memory_space<vmem>> -> memref<1x128xi32, #tpu.memory_space<vmem>>
      %dma_start3A_237 = tpu.memref_squeeze %dma_start3A_236 : memref<1x128xi32, #tpu.memory_space<vmem>> -> memref<128xi32, #tpu.memory_space<vmem>>
      %dma_start3A_238 = tpu.memref_slice %arg2[%add3A_15] : memref<16384xi32, #tpu.memory_space<hbm>> -> memref<128xi32, #tpu.memory_space<hbm>>
      %dma_start3A_239 = arith.constant 0 : i32
      %dma_start3A_240 = tpu.memref_slice %arg11[%run_scoped3A_16, %dma_start3A_239] : memref<4x128xi32, #tpu.memory_space<vmem>> -> memref<1x128xi32, #tpu.memory_space<vmem>>
      %dma_start3A_241 = tpu.memref_squeeze %dma_start3A_240 : memref<1x128xi32, #tpu.memory_space<vmem>> -> memref<128xi32, #tpu.memory_space<vmem>>
      %dma_start3A_242 = tpu.memref_slice %arg2[%add3A_15] : memref<16384xi32, #tpu.memory_space<hbm>> -> memref<128xi32, #tpu.memory_space<hbm>>
      tpu.enqueue_dma source(%dma_start3A_242 : memref<128xi32, #tpu.memory_space<hbm>>) target(%dma_start3A_241 : memref<128xi32, #tpu.memory_space<vmem>>) target_semaphore(%run_scoped3A_234 : memref<!tpu.dma_semaphore, #tpu.memory_space<semaphore_mem>>)
      %dma_wait3A_243 = arith.constant 0 : i32
      %dma_wait3A_244 = tpu.memref_slice %arg11[%run_scoped3A_16, %dma_wait3A_243] : memref<4x128xi32, #tpu.memory_space<vmem>> -> memref<1x128xi32, #tpu.memory_space<vmem>>
      %dma_wait3A_245 = tpu.memref_squeeze %dma_wait3A_244 : memref<1x128xi32, #tpu.memory_space<vmem>> -> memref<128xi32, #tpu.memory_space<vmem>>
      %dma_wait3A_246 = tpu.memref_slice %arg2[%add3A_15] : memref<16384xi32, #tpu.memory_space<hbm>> -> memref<128xi32, #tpu.memory_space<hbm>>
      %dma_wait3A_247 = arith.constant 0 : i32
      %dma_wait3A_248 = tpu.memref_slice %arg11[%run_scoped3A_16, %dma_wait3A_247] : memref<4x128xi32, #tpu.memory_space<vmem>> -> memref<1x128xi32, #tpu.memory_space<vmem>>
      %dma_wait3A_249 = tpu.memref_squeeze %dma_wait3A_248 : memref<1x128xi32, #tpu.memory_space<vmem>> -> memref<128xi32, #tpu.memory_space<vmem>>
      %dma_wait3A_250 = tpu.memref_slice %arg2[%add3A_15] : memref<16384xi32, #tpu.memory_space<hbm>> -> memref<128xi32, #tpu.memory_space<hbm>>
      tpu.wait_dma2 semaphore(%run_scoped3A_234 : memref<!tpu.dma_semaphore, #tpu.memory_space<semaphore_mem>>) src(%dma_wait3A_250 : memref<128xi32, #tpu.memory_space<hbm>>) dst(%dma_wait3A_249 : memref<128xi32, #tpu.memory_space<vmem>>)
      tpu.yield
    }) : () -> ()
    %add3A_17 = arith.constant 256 : i32
    %add3A_18 = arith.addi %mul3A_2, %add3A_17 : i32
    %run_scoped3A_19 = arith.constant 2 : i32
    "tpu.region"() ({
      %run_scoped3A_234 = tpu.sem_alloc : memref<!tpu.dma_semaphore, #tpu.memory_space<semaphore_mem>>
      %dma_start3A_235 = arith.constant 0 : i32
      %dma_start3A_236 = tpu.memref_slice %arg12[%run_scoped3A_19, %dma_start3A_235] : memref<4x128xi32, #tpu.memory_space<vmem>> -> memref<1x128xi32, #tpu.memory_space<vmem>>
      %dma_start3A_237 = tpu.memref_squeeze %dma_start3A_236 : memref<1x128xi32, #tpu.memory_space<vmem>> -> memref<128xi32, #tpu.memory_space<vmem>>
      %dma_start3A_238 = tpu.memref_slice %arg3[%add3A_18] : memref<16384xi32, #tpu.memory_space<hbm>> -> memref<128xi32, #tpu.memory_space<hbm>>
      %dma_start3A_239 = arith.constant 0 : i32
      %dma_start3A_240 = tpu.memref_slice %arg12[%run_scoped3A_19, %dma_start3A_239] : memref<4x128xi32, #tpu.memory_space<vmem>> -> memref<1x128xi32, #tpu.memory_space<vmem>>
      %dma_start3A_241 = tpu.memref_squeeze %dma_start3A_240 : memref<1x128xi32, #tpu.memory_space<vmem>> -> memref<128xi32, #tpu.memory_space<vmem>>
      %dma_start3A_242 = tpu.memref_slice %arg3[%add3A_18] : memref<16384xi32, #tpu.memory_space<hbm>> -> memref<128xi32, #tpu.memory_space<hbm>>
      tpu.enqueue_dma source(%dma_start3A_242 : memref<128xi32, #tpu.memory_space<hbm>>) target(%dma_start3A_241 : memref<128xi32, #tpu.memory_space<vmem>>) target_semaphore(%run_scoped3A_234 : memref<!tpu.dma_semaphore, #tpu.memory_space<semaphore_mem>>)
      %dma_wait3A_243 = arith.constant 0 : i32
      %dma_wait3A_244 = tpu.memref_slice %arg12[%run_scoped3A_19, %dma_wait3A_243] : memref<4x128xi32, #tpu.memory_space<vmem>> -> memref<1x128xi32, #tpu.memory_space<vmem>>
      %dma_wait3A_245 = tpu.memref_squeeze %dma_wait3A_244 : memref<1x128xi32, #tpu.memory_space<vmem>> -> memref<128xi32, #tpu.memory_space<vmem>>
      %dma_wait3A_246 = tpu.memref_slice %arg3[%add3A_18] : memref<16384xi32, #tpu.memory_space<hbm>> -> memref<128xi32, #tpu.memory_space<hbm>>
      %dma_wait3A_247 = arith.constant 0 : i32
      %dma_wait3A_248 = tpu.memref_slice %arg12[%run_scoped3A_19, %dma_wait3A_247] : memref<4x128xi32, #tpu.memory_space<vmem>> -> memref<1x128xi32, #tpu.memory_space<vmem>>
      %dma_wait3A_249 = tpu.memref_squeeze %dma_wait3A_248 : memref<1x128xi32, #tpu.memory_space<vmem>> -> memref<128xi32, #tpu.memory_space<vmem>>
      %dma_wait3A_250 = tpu.memref_slice %arg3[%add3A_18] : memref<16384xi32, #tpu.memory_space<hbm>> -> memref<128xi32, #tpu.memory_space<hbm>>
      tpu.wait_dma2 semaphore(%run_scoped3A_234 : memref<!tpu.dma_semaphore, #tpu.memory_space<semaphore_mem>>) src(%dma_wait3A_250 : memref<128xi32, #tpu.memory_space<hbm>>) dst(%dma_wait3A_249 : memref<128xi32, #tpu.memory_space<vmem>>)
      tpu.yield
    }) : () -> ()
    %add3A_20 = arith.constant 384 : i32
    %add3A_21 = arith.addi %mul3A_2, %add3A_20 : i32
    %run_scoped3A_22 = arith.constant 3 : i32
    "tpu.region"() ({
      %run_scoped3A_234 = tpu.sem_alloc : memref<!tpu.dma_semaphore, #tpu.memory_space<semaphore_mem>>
      %dma_start3A_235 = arith.constant 0 : i32
      %dma_start3A_236 = tpu.memref_slice %arg11[%run_scoped3A_22, %dma_start3A_235] : memref<4x128xi32, #tpu.memory_space<vmem>> -> memref<1x128xi32, #tpu.memory_space<vmem>>
      %dma_start3A_237 = tpu.memref_squeeze %dma_start3A_236 : memref<1x128xi32, #tpu.memory_space<vmem>> -> memref<128xi32, #tpu.memory_space<vmem>>
      %dma_start3A_238 = tpu.memref_slice %arg2[%add3A_21] : memref<16384xi32, #tpu.memory_space<hbm>> -> memref<128xi32, #tpu.memory_space<hbm>>
      %dma_start3A_239 = arith.constant 0 : i32
      %dma_start3A_240 = tpu.memref_slice %arg11[%run_scoped3A_22, %dma_start3A_239] : memref<4x128xi32, #tpu.memory_space<vmem>> -> memref<1x128xi32, #tpu.memory_space<vmem>>
      %dma_start3A_241 = tpu.memref_squeeze %dma_start3A_240 : memref<1x128xi32, #tpu.memory_space<vmem>> -> memref<128xi32, #tpu.memory_space<vmem>>
      %dma_start3A_242 = tpu.memref_slice %arg2[%add3A_21] : memref<16384xi32, #tpu.memory_space<hbm>> -> memref<128xi32, #tpu.memory_space<hbm>>
      tpu.enqueue_dma source(%dma_start3A_242 : memref<128xi32, #tpu.memory_space<hbm>>) target(%dma_start3A_241 : memref<128xi32, #tpu.memory_space<vmem>>) target_semaphore(%run_scoped3A_234 : memref<!tpu.dma_semaphore, #tpu.memory_space<semaphore_mem>>)
      %dma_wait3A_243 = arith.constant 0 : i32
      %dma_wait3A_244 = tpu.memref_slice %arg11[%run_scoped3A_22, %dma_wait3A_243] : memref<4x128xi32, #tpu.memory_space<vmem>> -> memref<1x128xi32, #tpu.memory_space<vmem>>
      %dma_wait3A_245 = tpu.memref_squeeze %dma_wait3A_244 : memref<1x128xi32, #tpu.memory_space<vmem>> -> memref<128xi32, #tpu.memory_space<vmem>>
      %dma_wait3A_246 = tpu.memref_slice %arg2[%add3A_21] : memref<16384xi32, #tpu.memory_space<hbm>> -> memref<128xi32, #tpu.memory_space<hbm>>
      %dma_wait3A_247 = arith.constant 0 : i32
      %dma_wait3A_248 = tpu.memref_slice %arg11[%run_scoped3A_22, %dma_wait3A_247] : memref<4x128xi32, #tpu.memory_space<vmem>> -> memref<1x128xi32, #tpu.memory_space<vmem>>
      %dma_wait3A_249 = tpu.memref_squeeze %dma_wait3A_248 : memref<1x128xi32, #tpu.memory_space<vmem>> -> memref<128xi32, #tpu.memory_space<vmem>>
      %dma_wait3A_250 = tpu.memref_slice %arg2[%add3A_21] : memref<16384xi32, #tpu.memory_space<hbm>> -> memref<128xi32, #tpu.memory_space<hbm>>
      tpu.wait_dma2 semaphore(%run_scoped3A_234 : memref<!tpu.dma_semaphore, #tpu.memory_space<semaphore_mem>>) src(%dma_wait3A_250 : memref<128xi32, #tpu.memory_space<hbm>>) dst(%dma_wait3A_249 : memref<128xi32, #tpu.memory_space<vmem>>)
      tpu.yield
    }) : () -> ()
    %add3A_23 = arith.constant 384 : i32
    %add3A_24 = arith.addi %mul3A_2, %add3A_23 : i32
    %run_scoped3A_25 = arith.constant 3 : i32
    "tpu.region"() ({
      %run_scoped3A_234 = tpu.sem_alloc : memref<!tpu.dma_semaphore, #tpu.memory_space<semaphore_mem>>
      %dma_start3A_235 = arith.constant 0 : i32
      %dma_start3A_236 = tpu.memref_slice %arg12[%run_scoped3A_25, %dma_start3A_235] : memref<4x128xi32, #tpu.memory_space<vmem>> -> memref<1x128xi32, #tpu.memory_space<vmem>>
      %dma_start3A_237 = tpu.memref_squeeze %dma_start3A_236 : memref<1x128xi32, #tpu.memory_space<vmem>> -> memref<128xi32, #tpu.memory_space<vmem>>
      %dma_start3A_238 = tpu.memref_slice %arg3[%add3A_24] : memref<16384xi32, #tpu.memory_space<hbm>> -> memref<128xi32, #tpu.memory_space<hbm>>
      %dma_start3A_239 = arith.constant 0 : i32
      %dma_start3A_240 = tpu.memref_slice %arg12[%run_scoped3A_25, %dma_start3A_239] : memref<4x128xi32, #tpu.memory_space<vmem>> -> memref<1x128xi32, #tpu.memory_space<vmem>>
      %dma_start3A_241 = tpu.memref_squeeze %dma_start3A_240 : memref<1x128xi32, #tpu.memory_space<vmem>> -> memref<128xi32, #tpu.memory_space<vmem>>
      %dma_start3A_242 = tpu.memref_slice %arg3[%add3A_24] : memref<16384xi32, #tpu.memory_space<hbm>> -> memref<128xi32, #tpu.memory_space<hbm>>
      tpu.enqueue_dma source(%dma_start3A_242 : memref<128xi32, #tpu.memory_space<hbm>>) target(%dma_start3A_241 : memref<128xi32, #tpu.memory_space<vmem>>) target_semaphore(%run_scoped3A_234 : memref<!tpu.dma_semaphore, #tpu.memory_space<semaphore_mem>>)
      %dma_wait3A_243 = arith.constant 0 : i32
      %dma_wait3A_244 = tpu.memref_slice %arg12[%run_scoped3A_25, %dma_wait3A_243] : memref<4x128xi32, #tpu.memory_space<vmem>> -> memref<1x128xi32, #tpu.memory_space<vmem>>
      %dma_wait3A_245 = tpu.memref_squeeze %dma_wait3A_244 : memref<1x128xi32, #tpu.memory_space<vmem>> -> memref<128xi32, #tpu.memory_space<vmem>>
      %dma_wait3A_246 = tpu.memref_slice %arg3[%add3A_24] : memref<16384xi32, #tpu.memory_space<hbm>> -> memref<128xi32, #tpu.memory_space<hbm>>
      %dma_wait3A_247 = arith.constant 0 : i32
      %dma_wait3A_248 = tpu.memref_slice %arg12[%run_scoped3A_25, %dma_wait3A_247] : memref<4x128xi32, #tpu.memory_space<vmem>> -> memref<1x128xi32, #tpu.memory_space<vmem>>
      %dma_wait3A_249 = tpu.memref_squeeze %dma_wait3A_248 : memref<1x128xi32, #tpu.memory_space<vmem>> -> memref<128xi32, #tpu.memory_space<vmem>>
      %dma_wait3A_250 = tpu.memref_slice %arg3[%add3A_24] : memref<16384xi32, #tpu.memory_space<hbm>> -> memref<128xi32, #tpu.memory_space<hbm>>
      tpu.wait_dma2 semaphore(%run_scoped3A_234 : memref<!tpu.dma_semaphore, #tpu.memory_space<semaphore_mem>>) src(%dma_wait3A_250 : memref<128xi32, #tpu.memory_space<hbm>>) dst(%dma_wait3A_249 : memref<128xi32, #tpu.memory_space<vmem>>)
      tpu.yield
    }) : () -> ()
    "tpu.region"() ({
      %run_scoped3A_234 = tpu.sem_alloc : memref<!tpu.dma_semaphore, #tpu.memory_space<semaphore_mem>>
      tpu.enqueue_dma source(%arg8 : memref<512xf32, #tpu.memory_space<hbm>>) target(%arg17 : memref<512xf32, #tpu.memory_space<vmem>>) target_semaphore(%run_scoped3A_234 : memref<!tpu.dma_semaphore, #tpu.memory_space<semaphore_mem>>)
      tpu.wait_dma2 semaphore(%run_scoped3A_234 : memref<!tpu.dma_semaphore, #tpu.memory_space<semaphore_mem>>) src(%arg8 : memref<512xf32, #tpu.memory_space<hbm>>) dst(%arg17 : memref<512xf32, #tpu.memory_space<vmem>>)
      tpu.yield
    }) : () -> ()
    "tpu.region"() ({
      %run_scoped3A_234 = tpu.sem_alloc : memref<!tpu.dma_semaphore, #tpu.memory_space<semaphore_mem>>
      tpu.enqueue_dma source(%arg9 : memref<16xf32, #tpu.memory_space<hbm>>) target(%arg18 : memref<16xf32, #tpu.memory_space<vmem>>) target_semaphore(%run_scoped3A_234 : memref<!tpu.dma_semaphore, #tpu.memory_space<semaphore_mem>>)
      tpu.wait_dma2 semaphore(%run_scoped3A_234 : memref<!tpu.dma_semaphore, #tpu.memory_space<semaphore_mem>>) src(%arg9 : memref<16xf32, #tpu.memory_space<hbm>>) dst(%arg18 : memref<16xf32, #tpu.memory_space<vmem>>)
      tpu.yield
    }) : () -> ()
    "tpu.region"() ({
      %run_scoped3A_234 = tpu.sem_alloc : memref<!tpu.dma_semaphore, #tpu.memory_space<semaphore_mem>>
      %dma_start3A_235 = arith.constant 256 : i32
      %dma_start3A_236 = arith.constant 0 : i32
      %dma_start3A_237 = tpu.memref_slice %arg15[%dma_start3A_235, %dma_start3A_236] : memref<400x128xf32, #tpu.memory_space<vmem>> -> memref<144x128xf32, #tpu.memory_space<vmem>>
      %dma_start3A_238 = arith.constant 256 : i32
      %dma_start3A_239 = arith.constant 0 : i32
      %dma_start3A_240 = tpu.memref_slice %arg15[%dma_start3A_238, %dma_start3A_239] : memref<400x128xf32, #tpu.memory_space<vmem>> -> memref<144x128xf32, #tpu.memory_space<vmem>>
      tpu.enqueue_dma source(%arg6 : memref<144x128xf32, #tpu.memory_space<hbm>>) target(%dma_start3A_240 : memref<144x128xf32, #tpu.memory_space<vmem>>) target_semaphore(%run_scoped3A_234 : memref<!tpu.dma_semaphore, #tpu.memory_space<semaphore_mem>>)
      %dma_wait3A_241 = arith.constant 256 : i32
      %dma_wait3A_242 = arith.constant 0 : i32
      %dma_wait3A_243 = tpu.memref_slice %arg15[%dma_wait3A_241, %dma_wait3A_242] : memref<400x128xf32, #tpu.memory_space<vmem>> -> memref<144x128xf32, #tpu.memory_space<vmem>>
      %dma_wait3A_244 = arith.constant 256 : i32
      %dma_wait3A_245 = arith.constant 0 : i32
      %dma_wait3A_246 = tpu.memref_slice %arg15[%dma_wait3A_244, %dma_wait3A_245] : memref<400x128xf32, #tpu.memory_space<vmem>> -> memref<144x128xf32, #tpu.memory_space<vmem>>
      tpu.wait_dma2 semaphore(%run_scoped3A_234 : memref<!tpu.dma_semaphore, #tpu.memory_space<semaphore_mem>>) src(%arg6 : memref<144x128xf32, #tpu.memory_space<hbm>>) dst(%dma_wait3A_246 : memref<144x128xf32, #tpu.memory_space<vmem>>)
      tpu.yield
    }) : () -> ()
    "tpu.region"() ({
      %run_scoped3A_234 = tpu.sem_alloc : memref<!tpu.dma_semaphore, #tpu.memory_space<semaphore_mem>>
      %dma_start3A_235 = arith.constant 256 : i32
      %dma_start3A_236 = arith.constant 0 : i32
      %dma_start3A_237 = tpu.memref_slice %arg16[%dma_start3A_235, %dma_start3A_236] : memref<400x128xf32, #tpu.memory_space<vmem>> -> memref<144x128xf32, #tpu.memory_space<vmem>>
      %dma_start3A_238 = arith.constant 256 : i32
      %dma_start3A_239 = arith.constant 0 : i32
      %dma_start3A_240 = tpu.memref_slice %arg16[%dma_start3A_238, %dma_start3A_239] : memref<400x128xf32, #tpu.memory_space<vmem>> -> memref<144x128xf32, #tpu.memory_space<vmem>>
      tpu.enqueue_dma source(%arg7 : memref<144x128xf32, #tpu.memory_space<hbm>>) target(%dma_start3A_240 : memref<144x128xf32, #tpu.memory_space<vmem>>) target_semaphore(%run_scoped3A_234 : memref<!tpu.dma_semaphore, #tpu.memory_space<semaphore_mem>>)
      %dma_wait3A_241 = arith.constant 256 : i32
      %dma_wait3A_242 = arith.constant 0 : i32
      %dma_wait3A_243 = tpu.memref_slice %arg16[%dma_wait3A_241, %dma_wait3A_242] : memref<400x128xf32, #tpu.memory_space<vmem>> -> memref<144x128xf32, #tpu.memory_space<vmem>>
      %dma_wait3A_244 = arith.constant 256 : i32
      %dma_wait3A_245 = arith.constant 0 : i32
      %dma_wait3A_246 = tpu.memref_slice %arg16[%dma_wait3A_244, %dma_wait3A_245] : memref<400x128xf32, #tpu.memory_space<vmem>> -> memref<144x128xf32, #tpu.memory_space<vmem>>
      tpu.wait_dma2 semaphore(%run_scoped3A_234 : memref<!tpu.dma_semaphore, #tpu.memory_space<semaphore_mem>>) src(%arg7 : memref<144x128xf32, #tpu.memory_space<hbm>>) dst(%dma_wait3A_246 : memref<144x128xf32, #tpu.memory_space<vmem>>)
      tpu.yield
    }) : () -> ()
    %scan3A = arith.constant 0 : i32
    %scan3A_26 = arith.constant 0 : i32
    %scan3A_27 = arith.constant 32 : i32
    %scan3A_28 = arith.addi %scan3A_26, %scan3A_27 : i32
    %scan3A_29 = arith.constant 1 : i32
    scf.for %scan3A_234 = %scan3A_26 to %scan3A_28 step %scan3A_29  : i32 {
      %mul3A_235 = arith.constant 16 : i32
      %mul3A_236 = arith.muli %scan3A_234, %mul3A_235 : i32
      %jit3A = arith.constant 8 : i32
      %div3A = arith.divsi %scan3A_234, %jit3A : i32
      %sign3A = arith.constant 0 : i32
      %sign3A_237 = arith.cmpi sgt, %scan3A_234, %sign3A : i32
      %sign3A_238 = arith.extui %sign3A_237 : i1 to i32
      %sign3A_239 = arith.constant 0 : i32
      %sign3A_240 = arith.cmpi slt, %scan3A_234, %sign3A_239 : i32
      %sign3A_241 = arith.extui %sign3A_240 : i1 to i32
      %sign3A_242 = arith.subi %sign3A_238, %sign3A_241 : i32
      %sign3A_243 = arith.constant 0 : i32
      %sign3A_244 = arith.cmpi sgt, %jit3A, %sign3A_243 : i32
      %sign3A_245 = arith.extui %sign3A_244 : i1 to i32
      %sign3A_246 = arith.constant 0 : i32
      %sign3A_247 = arith.cmpi slt, %jit3A, %sign3A_246 : i32
      %sign3A_248 = arith.extui %sign3A_247 : i1 to i32
      %sign3A_249 = arith.subi %sign3A_245, %sign3A_248 : i32
      %ne3A = arith.cmpi ne, %sign3A_242, %sign3A_249 : i32
      %rem3A = arith.remsi %scan3A_234, %jit3A : i32
      %ne3A_250 = arith.constant 0 : i32
      %ne3A_251 = arith.cmpi ne, %rem3A, %ne3A_250 : i32
      %and3A = arith.andi %ne3A, %ne3A_251 : i1
      %sub3A = arith.constant 1 : i32
      %sub3A_252 = arith.subi %div3A, %sub3A : i32
      %select_n3A = arith.select %and3A, %sub3A_252, %div3A : i32
      %jit3A_253 = arith.constant 8 : i32
      %eq3A = arith.constant 0 : i32
      %eq3A_254 = arith.cmpi eq, %jit3A_253, %eq3A : i32
      %jit3A_255 = arith.constant 1 : i32
      %select_n3A_256 = arith.select %eq3A_254, %jit3A_255, %jit3A_253 : i32
      %rem3A_257 = arith.remsi %scan3A_234, %select_n3A_256 : i32
      %ne3A_258 = arith.constant 0 : i32
      %ne3A_259 = arith.cmpi ne, %rem3A_257, %ne3A_258 : i32
      %lt3A = arith.constant 0 : i32
      %lt3A_260 = arith.cmpi slt, %rem3A_257, %lt3A : i32
      %lt3A_261 = arith.constant 0 : i32
      %lt3A_262 = arith.cmpi slt, %select_n3A_256, %lt3A_261 : i32
      %ne3A_263 = arith.xori %lt3A_260, %lt3A_262 : i1
      %and3A_264 = arith.andi %ne3A_263, %ne3A_259 : i1
      %add3A_265 = arith.addi %rem3A_257, %select_n3A_256 : i32
      %select_n3A_266 = arith.select %and3A_264, %add3A_265, %rem3A_257 : i32
      %mul3A_267 = arith.constant 16 : i32
      %mul3A_268 = arith.muli %select_n3A_266, %mul3A_267 : i32
      %get3A_269 = arith.index_cast %select_n3A : i32 to index
      %get3A_270 = arith.index_cast %mul3A_268 : i32 to index
      %get3A_271 = tpu.vector_load %arg11[%get3A_269, %get3A_270] {strides = array<i32>} : memref<4x128xi32, #tpu.memory_space<vmem>>, vector<16xi32>,
      %ge3A = arith.constant 249856 : i32
      %ge3A_272 = vector.broadcast %ge3A : i32 to vector<16xi32>
      %ge3A_273 = arith.cmpi sge, %get3A_271, %ge3A_272 : vector<16xi32>
      %convert_element_type3A = arith.extui %ge3A_273 : vector<16xi1> to vector<16xi32>
      %ge3A_274 = arith.constant 499712 : i32
      %ge3A_275 = vector.broadcast %ge3A_274 : i32 to vector<16xi32>
      %ge3A_276 = arith.cmpi sge, %get3A_271, %ge3A_275 : vector<16xi32>
      %convert_element_type3A_277 = arith.extui %ge3A_276 : vector<16xi1> to vector<16xi32>
      %add3A_278 = arith.addi %convert_element_type3A, %convert_element_type3A_277 : vector<16xi32>
      %ge3A_279 = arith.constant 749568 : i32
      %ge3A_280 = vector.broadcast %ge3A_279 : i32 to vector<16xi32>
      %ge3A_281 = arith.cmpi sge, %get3A_271, %ge3A_280 : vector<16xi32>
      %convert_element_type3A_282 = arith.extui %ge3A_281 : vector<16xi1> to vector<16xi32>
      %add3A_283 = arith.addi %add3A_278, %convert_element_type3A_282 : vector<16xi32>
      %mul3A_284 = arith.constant 249856 : i32
      %mul3A_285 = vector.broadcast %mul3A_284 : i32 to vector<16xi32>
      %mul3A_286 = arith.muli %add3A_283, %mul3A_285 : vector<16xi32>
      %sub3A_287 = arith.subi %get3A_271, %mul3A_286 : vector<16xi32>
      %min3A = arith.constant 249855 : i32
      %min3A_288 = vector.broadcast %min3A : i32 to vector<16xi32>
      %min3A_289 = arith.minsi %sub3A_287, %min3A_288 : vector<16xi32>
      %swap3A = arith.index_cast %mul3A_236 : i32 to index
      %swap3A_290 = tpu.vector_load %arg13[%swap3A] {strides = array<i32>} : memref<512xi32, #tpu.memory_space<vmem>>, vector<16xi32>,
      tpu.vector_store %arg13[%swap3A], %min3A_289 {strides = array<i32>} : memref<512xi32, #tpu.memory_space<vmem>>, vector<16xi32>,
      %jit3A_291 = arith.constant 8 : i32
      %div3A_292 = arith.divsi %scan3A_234, %jit3A_291 : i32
      %sign3A_293 = arith.constant 0 : i32
      %sign3A_294 = arith.cmpi sgt, %scan3A_234, %sign3A_293 : i32
      %sign3A_295 = arith.extui %sign3A_294 : i1 to i32
      %sign3A_296 = arith.constant 0 : i32
      %sign3A_297 = arith.cmpi slt, %scan3A_234, %sign3A_296 : i32
      %sign3A_298 = arith.extui %sign3A_297 : i1 to i32
      %sign3A_299 = arith.subi %sign3A_295, %sign3A_298 : i32
      %sign3A_300 = arith.constant 0 : i32
      %sign3A_301 = arith.cmpi sgt, %jit3A_291, %sign3A_300 : i32
      %sign3A_302 = arith.extui %sign3A_301 : i1 to i32
      %sign3A_303 = arith.constant 0 : i32
      %sign3A_304 = arith.cmpi slt, %jit3A_291, %sign3A_303 : i32
      %sign3A_305 = arith.extui %sign3A_304 : i1 to i32
      %sign3A_306 = arith.subi %sign3A_302, %sign3A_305 : i32
      %ne3A_307 = arith.cmpi ne, %sign3A_299, %sign3A_306 : i32
      %rem3A_308 = arith.remsi %scan3A_234, %jit3A_291 : i32
      %ne3A_309 = arith.constant 0 : i32
      %ne3A_310 = arith.cmpi ne, %rem3A_308, %ne3A_309 : i32
      %and3A_311 = arith.andi %ne3A_307, %ne3A_310 : i1
      %sub3A_312 = arith.constant 1 : i32
      %sub3A_313 = arith.subi %div3A_292, %sub3A_312 : i32
      %select_n3A_314 = arith.select %and3A_311, %sub3A_313, %div3A_292 : i32
      %jit3A_315 = arith.constant 8 : i32
      %eq3A_316 = arith.constant 0 : i32
      %eq3A_317 = arith.cmpi eq, %jit3A_315, %eq3A_316 : i32
      %jit3A_318 = arith.constant 1 : i32
      %select_n3A_319 = arith.select %eq3A_317, %jit3A_318, %jit3A_315 : i32
      %rem3A_320 = arith.remsi %scan3A_234, %select_n3A_319 : i32
      %ne3A_321 = arith.constant 0 : i32
      %ne3A_322 = arith.cmpi ne, %rem3A_320, %ne3A_321 : i32
      %lt3A_323 = arith.constant 0 : i32
      %lt3A_324 = arith.cmpi slt, %rem3A_320, %lt3A_323 : i32
      %lt3A_325 = arith.constant 0 : i32
      %lt3A_326 = arith.cmpi slt, %select_n3A_319, %lt3A_325 : i32
      %ne3A_327 = arith.xori %lt3A_324, %lt3A_326 : i1
      %and3A_328 = arith.andi %ne3A_327, %ne3A_322 : i1
      %add3A_329 = arith.addi %rem3A_320, %select_n3A_319 : i32
      %select_n3A_330 = arith.select %and3A_328, %add3A_329, %rem3A_320 : i32
      %mul3A_331 = arith.constant 16 : i32
      %mul3A_332 = arith.muli %select_n3A_330, %mul3A_331 : i32
      %get3A_333 = arith.index_cast %select_n3A_314 : i32 to index
      %get3A_334 = arith.index_cast %mul3A_332 : i32 to index
      %get3A_335 = tpu.vector_load %arg12[%get3A_333, %get3A_334] {strides = array<i32>} : memref<4x128xi32, #tpu.memory_space<vmem>>, vector<16xi32>,
      %ge3A_336 = arith.constant 249856 : i32
      %ge3A_337 = vector.broadcast %ge3A_336 : i32 to vector<16xi32>
      %ge3A_338 = arith.cmpi sge, %get3A_335, %ge3A_337 : vector<16xi32>
      %convert_element_type3A_339 = arith.extui %ge3A_338 : vector<16xi1> to vector<16xi32>
      %ge3A_340 = arith.constant 499712 : i32
      %ge3A_341 = vector.broadcast %ge3A_340 : i32 to vector<16xi32>
      %ge3A_342 = arith.cmpi sge, %get3A_335, %ge3A_341 : vector<16xi32>
      %convert_element_type3A_343 = arith.extui %ge3A_342 : vector<16xi1> to vector<16xi32>
      %add3A_344 = arith.addi %convert_element_type3A_339, %convert_element_type3A_343 : vector<16xi32>
      %ge3A_345 = arith.constant 749568 : i32
      %ge3A_346 = vector.broadcast %ge3A_345 : i32 to vector<16xi32>
      %ge3A_347 = arith.cmpi sge, %get3A_335, %ge3A_346 : vector<16xi32>
      %convert_element_type3A_348 = arith.extui %ge3A_347 : vector<16xi1> to vector<16xi32>
      %add3A_349 = arith.addi %add3A_344, %convert_element_type3A_348 : vector<16xi32>
      %mul3A_350 = arith.constant 249856 : i32
      %mul3A_351 = vector.broadcast %mul3A_350 : i32 to vector<16xi32>
      %mul3A_352 = arith.muli %add3A_349, %mul3A_351 : vector<16xi32>
      %sub3A_353 = arith.subi %get3A_335, %mul3A_352 : vector<16xi32>
      %min3A_354 = arith.constant 249855 : i32
      %min3A_355 = vector.broadcast %min3A_354 : i32 to vector<16xi32>
      %min3A_356 = arith.minsi %sub3A_353, %min3A_355 : vector<16xi32>
      %swap3A_357 = arith.index_cast %mul3A_236 : i32 to index
      %swap3A_358 = tpu.vector_load %arg14[%swap3A_357] {strides = array<i32>} : memref<512xi32, #tpu.memory_space<vmem>>, vector<16xi32>,
      tpu.vector_store %arg14[%swap3A_357], %min3A_356 {strides = array<i32>} : memref<512xi32, #tpu.memory_space<vmem>>, vector<16xi32>,
    }
    %scan3A_30 = arith.constant 32 : i32
    %get3A = arith.constant 0 : index
    %get3A_31 = tpu.vector_load %arg17[%get3A] {strides = array<i32>} : memref<512xf32, #tpu.memory_space<vmem>>, vector<16xf32>,
    %get3A_32 = arith.constant 16 : index
    %get3A_33 = tpu.vector_load %arg17[%get3A_32] {strides = array<i32>} : memref<512xf32, #tpu.memory_space<vmem>>, vector<16xf32>,
    %get3A_34 = arith.constant 32 : index
    %get3A_35 = tpu.vector_load %arg17[%get3A_34] {strides = array<i32>} : memref<512xf32, #tpu.memory_space<vmem>>, vector<16xf32>,
    %get3A_36 = arith.constant 48 : index
    %get3A_37 = tpu.vector_load %arg17[%get3A_36] {strides = array<i32>} : memref<512xf32, #tpu.memory_space<vmem>>, vector<16xf32>,
    %get3A_38 = arith.constant 64 : index
    %get3A_39 = tpu.vector_load %arg17[%get3A_38] {strides = array<i32>} : memref<512xf32, #tpu.memory_space<vmem>>, vector<16xf32>,
    %get3A_40 = arith.constant 80 : index
    %get3A_41 = tpu.vector_load %arg17[%get3A_40] {strides = array<i32>} : memref<512xf32, #tpu.memory_space<vmem>>, vector<16xf32>,
    %get3A_42 = arith.constant 96 : index
    %get3A_43 = tpu.vector_load %arg17[%get3A_42] {strides = array<i32>} : memref<512xf32, #tpu.memory_space<vmem>>, vector<16xf32>,
    %get3A_44 = arith.constant 112 : index
    %get3A_45 = tpu.vector_load %arg17[%get3A_44] {strides = array<i32>} : memref<512xf32, #tpu.memory_space<vmem>>, vector<16xf32>,
    %get3A_46 = arith.constant 128 : index
    %get3A_47 = tpu.vector_load %arg17[%get3A_46] {strides = array<i32>} : memref<512xf32, #tpu.memory_space<vmem>>, vector<16xf32>,
    %get3A_48 = arith.constant 144 : index
    %get3A_49 = tpu.vector_load %arg17[%get3A_48] {strides = array<i32>} : memref<512xf32, #tpu.memory_space<vmem>>, vector<16xf32>,
    %get3A_50 = arith.constant 160 : index
    %get3A_51 = tpu.vector_load %arg17[%get3A_50] {strides = array<i32>} : memref<512xf32, #tpu.memory_space<vmem>>, vector<16xf32>,
    %get3A_52 = arith.constant 176 : index
    %get3A_53 = tpu.vector_load %arg17[%get3A_52] {strides = array<i32>} : memref<512xf32, #tpu.memory_space<vmem>>, vector<16xf32>,
    %get3A_54 = arith.constant 192 : index
    %get3A_55 = tpu.vector_load %arg17[%get3A_54] {strides = array<i32>} : memref<512xf32, #tpu.memory_space<vmem>>, vector<16xf32>,
    %get3A_56 = arith.constant 208 : index
    %get3A_57 = tpu.vector_load %arg17[%get3A_56] {strides = array<i32>} : memref<512xf32, #tpu.memory_space<vmem>>, vector<16xf32>,
    %get3A_58 = arith.constant 224 : index
    %get3A_59 = tpu.vector_load %arg17[%get3A_58] {strides = array<i32>} : memref<512xf32, #tpu.memory_space<vmem>>, vector<16xf32>,
    %get3A_60 = arith.constant 240 : index
    %get3A_61 = tpu.vector_load %arg17[%get3A_60] {strides = array<i32>} : memref<512xf32, #tpu.memory_space<vmem>>, vector<16xf32>,
    %get3A_62 = arith.constant 256 : index
    %get3A_63 = tpu.vector_load %arg17[%get3A_62] {strides = array<i32>} : memref<512xf32, #tpu.memory_space<vmem>>, vector<16xf32>,
    %get3A_64 = arith.constant 272 : index
    %get3A_65 = tpu.vector_load %arg17[%get3A_64] {strides = array<i32>} : memref<512xf32, #tpu.memory_space<vmem>>, vector<16xf32>,
    %get3A_66 = arith.constant 288 : index
    %get3A_67 = tpu.vector_load %arg17[%get3A_66] {strides = array<i32>} : memref<512xf32, #tpu.memory_space<vmem>>, vector<16xf32>,
    %get3A_68 = arith.constant 304 : index
    %get3A_69 = tpu.vector_load %arg17[%get3A_68] {strides = array<i32>} : memref<512xf32, #tpu.memory_space<vmem>>, vector<16xf32>,
    %get3A_70 = arith.constant 320 : index
    %get3A_71 = tpu.vector_load %arg17[%get3A_70] {strides = array<i32>} : memref<512xf32, #tpu.memory_space<vmem>>, vector<16xf32>,
    %get3A_72 = arith.constant 336 : index
    %get3A_73 = tpu.vector_load %arg17[%get3A_72] {strides = array<i32>} : memref<512xf32, #tpu.memory_space<vmem>>, vector<16xf32>,
    %get3A_74 = arith.constant 352 : index
    %get3A_75 = tpu.vector_load %arg17[%get3A_74] {strides = array<i32>} : memref<512xf32, #tpu.memory_space<vmem>>, vector<16xf32>,
    %get3A_76 = arith.constant 368 : index
    %get3A_77 = tpu.vector_load %arg17[%get3A_76] {strides = array<i32>} : memref<512xf32, #tpu.memory_space<vmem>>, vector<16xf32>,
    %get3A_78 = arith.constant 384 : index
    %get3A_79 = tpu.vector_load %arg17[%get3A_78] {strides = array<i32>} : memref<512xf32, #tpu.memory_space<vmem>>, vector<16xf32>,
    %get3A_80 = arith.constant 400 : index
    %get3A_81 = tpu.vector_load %arg17[%get3A_80] {strides = array<i32>} : memref<512xf32, #tpu.memory_space<vmem>>, vector<16xf32>,
    %get3A_82 = arith.constant 416 : index
    %get3A_83 = tpu.vector_load %arg17[%get3A_82] {strides = array<i32>} : memref<512xf32, #tpu.memory_space<vmem>>, vector<16xf32>,
    %get3A_84 = arith.constant 432 : index
    %get3A_85 = tpu.vector_load %arg17[%get3A_84] {strides = array<i32>} : memref<512xf32, #tpu.memory_space<vmem>>, vector<16xf32>,
    %get3A_86 = arith.constant 448 : index
    %get3A_87 = tpu.vector_load %arg17[%get3A_86] {strides = array<i32>} : memref<512xf32, #tpu.memory_space<vmem>>, vector<16xf32>,
    %get3A_88 = arith.constant 464 : index
    %get3A_89 = tpu.vector_load %arg17[%get3A_88] {strides = array<i32>} : memref<512xf32, #tpu.memory_space<vmem>>, vector<16xf32>,
    %get3A_90 = arith.constant 480 : index
    %get3A_91 = tpu.vector_load %arg17[%get3A_90] {strides = array<i32>} : memref<512xf32, #tpu.memory_space<vmem>>, vector<16xf32>,
    %get3A_92 = arith.constant 496 : index
    %get3A_93 = tpu.vector_load %arg17[%get3A_92] {strides = array<i32>} : memref<512xf32, #tpu.memory_space<vmem>>, vector<16xf32>,
    %get3A_94 = arith.constant 0 : index
    %get3A_95 = tpu.vector_load %arg18[%get3A_94] {strides = array<i32>} : memref<16xf32, #tpu.memory_space<vmem>>, vector<16xf32>,
    %iota3A = tpu.iota {dimensions = array<i32: 0>} : vector<16xi32>
    %dma_start3A = arith.constant 0 : i32
    %dma_start3A_96 = arith.constant 0 : i32
    %dma_start3A_97 = tpu.memref_slice %arg15[%dma_start3A, %dma_start3A_96] : memref<400x128xf32, #tpu.memory_space<vmem>> -> memref<128x128xf32, #tpu.memory_space<vmem>>
    %dma_start3A_98 = arith.constant 0 : i32
    %dma_start3A_99 = tpu.memref_slice %arg13[%dma_start3A_98] : memref<512xi32, #tpu.memory_space<vmem>> -> memref<128xi32, #tpu.memory_space<vmem>>
    %dma_start3A_100 = arith.constant 0 : i32
    %dma_start3A_101 = arith.constant 0 : i32
    %dma_start3A_102 = tpu.memref_slice %arg4[%dma_start3A_100, %dma_start3A_101] : memref<249856x128xf32, #tpu.memory_space<hbm>> -> memref<249856x128xf32, #tpu.memory_space<hbm>>
    tpu.enqueue_indirect_dma source(%dma_start3A_102 : memref<249856x128xf32, #tpu.memory_space<hbm>>) target(%dma_start3A_97 : memref<128x128xf32, #tpu.memory_space<vmem>>) offsets(%dma_start3A_99 : memref<128xi32, #tpu.memory_space<vmem>>) semaphore(%arg20 : memref<!tpu.dma_semaphore, #tpu.memory_space<semaphore_mem>>)
    %dma_start3A_103 = arith.constant 0 : i32
    %dma_start3A_104 = arith.constant 0 : i32
    %dma_start3A_105 = tpu.memref_slice %arg16[%dma_start3A_103, %dma_start3A_104] : memref<400x128xf32, #tpu.memory_space<vmem>> -> memref<128x128xf32, #tpu.memory_space<vmem>>
    %dma_start3A_106 = arith.constant 0 : i32
    %dma_start3A_107 = tpu.memref_slice %arg14[%dma_start3A_106] : memref<512xi32, #tpu.memory_space<vmem>> -> memref<128xi32, #tpu.memory_space<vmem>>
    %dma_start3A_108 = arith.constant 0 : i32
    %dma_start3A_109 = arith.constant 0 : i32
    %dma_start3A_110 = tpu.memref_slice %arg5[%dma_start3A_108, %dma_start3A_109] : memref<249856x128xf32, #tpu.memory_space<hbm>> -> memref<249856x128xf32, #tpu.memory_space<hbm>>
    tpu.enqueue_indirect_dma source(%dma_start3A_110 : memref<249856x128xf32, #tpu.memory_space<hbm>>) target(%dma_start3A_105 : memref<128x128xf32, #tpu.memory_space<vmem>>) offsets(%dma_start3A_107 : memref<128xi32, #tpu.memory_space<vmem>>) semaphore(%arg20 : memref<!tpu.dma_semaphore, #tpu.memory_space<semaphore_mem>>)
    %dma_start3A_111 = arith.constant 128 : i32
    %dma_start3A_112 = arith.constant 0 : i32
    %dma_start3A_113 = tpu.memref_slice %arg15[%dma_start3A_111, %dma_start3A_112] : memref<400x128xf32, #tpu.memory_space<vmem>> -> memref<128x128xf32, #tpu.memory_space<vmem>>
    %dma_start3A_114 = arith.constant 128 : i32
    %dma_start3A_115 = tpu.memref_slice %arg13[%dma_start3A_114] : memref<512xi32, #tpu.memory_space<vmem>> -> memref<128xi32, #tpu.memory_space<vmem>>
    %dma_start3A_116 = arith.constant 0 : i32
    %dma_start3A_117 = arith.constant 0 : i32
    %dma_start3A_118 = tpu.memref_slice %arg4[%dma_start3A_116, %dma_start3A_117] : memref<249856x128xf32, #tpu.memory_space<hbm>> -> memref<249856x128xf32, #tpu.memory_space<hbm>>
    tpu.enqueue_indirect_dma source(%dma_start3A_118 : memref<249856x128xf32, #tpu.memory_space<hbm>>) target(%dma_start3A_113 : memref<128x128xf32, #tpu.memory_space<vmem>>) offsets(%dma_start3A_115 : memref<128xi32, #tpu.memory_space<vmem>>) semaphore(%arg20 : memref<!tpu.dma_semaphore, #tpu.memory_space<semaphore_mem>>)
    %dma_start3A_119 = arith.constant 128 : i32
    %dma_start3A_120 = arith.constant 0 : i32
    %dma_start3A_121 = tpu.memref_slice %arg16[%dma_start3A_119, %dma_start3A_120] : memref<400x128xf32, #tpu.memory_space<vmem>> -> memref<128x128xf32, #tpu.memory_space<vmem>>
    %dma_start3A_122 = arith.constant 128 : i32
    %dma_start3A_123 = tpu.memref_slice %arg14[%dma_start3A_122] : memref<512xi32, #tpu.memory_space<vmem>> -> memref<128xi32, #tpu.memory_space<vmem>>
    %dma_start3A_124 = arith.constant 0 : i32
    %dma_start3A_125 = arith.constant 0 : i32
    %dma_start3A_126 = tpu.memref_slice %arg5[%dma_start3A_124, %dma_start3A_125] : memref<249856x128xf32, #tpu.memory_space<hbm>> -> memref<249856x128xf32, #tpu.memory_space<hbm>>
    tpu.enqueue_indirect_dma source(%dma_start3A_126 : memref<249856x128xf32, #tpu.memory_space<hbm>>) target(%dma_start3A_121 : memref<128x128xf32, #tpu.memory_space<vmem>>) offsets(%dma_start3A_123 : memref<128xi32, #tpu.memory_space<vmem>>) semaphore(%arg20 : memref<!tpu.dma_semaphore, #tpu.memory_space<semaphore_mem>>)
    %dma_wait3A = arith.constant 0 : i32
    %dma_wait3A_127 = arith.constant 0 : i32
    %dma_wait3A_128 = tpu.memref_slice %arg15[%dma_wait3A, %dma_wait3A_127] : memref<400x128xf32, #tpu.memory_space<vmem>> -> memref<128x128xf32, #tpu.memory_space<vmem>>
    %dma_wait3A_129 = arith.constant 0 : i32
    %dma_wait3A_130 = tpu.memref_slice %arg13[%dma_wait3A_129] : memref<512xi32, #tpu.memory_space<vmem>> -> memref<128xi32, #tpu.memory_space<vmem>>
    %dma_wait3A_131 = arith.constant 0 : i32
    %dma_wait3A_132 = arith.constant 0 : i32
    %dma_wait3A_133 = tpu.memref_slice %arg4[%dma_wait3A_131, %dma_wait3A_132] : memref<249856x128xf32, #tpu.memory_space<hbm>> -> memref<249856x128xf32, #tpu.memory_space<hbm>>
    tpu.wait_indirect_dma semaphore(%arg20 : memref<!tpu.dma_semaphore, #tpu.memory_space<semaphore_mem>>) src(%dma_wait3A_133 : memref<249856x128xf32, #tpu.memory_space<hbm>>) dst(%dma_wait3A_128 : memref<128x128xf32, #tpu.memory_space<vmem>>)
    %dma_wait3A_134 = arith.constant 0 : i32
    %dma_wait3A_135 = arith.constant 0 : i32
    %dma_wait3A_136 = tpu.memref_slice %arg16[%dma_wait3A_134, %dma_wait3A_135] : memref<400x128xf32, #tpu.memory_space<vmem>> -> memref<128x128xf32, #tpu.memory_space<vmem>>
    %dma_wait3A_137 = arith.constant 0 : i32
    %dma_wait3A_138 = tpu.memref_slice %arg14[%dma_wait3A_137] : memref<512xi32, #tpu.memory_space<vmem>> -> memref<128xi32, #tpu.memory_space<vmem>>
    %dma_wait3A_139 = arith.constant 0 : i32
    %dma_wait3A_140 = arith.constant 0 : i32
    %dma_wait3A_141 = tpu.memref_slice %arg5[%dma_wait3A_139, %dma_wait3A_140] : memref<249856x128xf32, #tpu.memory_space<hbm>> -> memref<249856x128xf32, #tpu.memory_space<hbm>>
    tpu.wait_indirect_dma semaphore(%arg20 : memref<!tpu.dma_semaphore, #tpu.memory_space<semaphore_mem>>) src(%dma_wait3A_141 : memref<249856x128xf32, #tpu.memory_space<hbm>>) dst(%dma_wait3A_136 : memref<128x128xf32, #tpu.memory_space<vmem>>)
    %dma_wait3A_142 = arith.constant 128 : i32
    %dma_wait3A_143 = arith.constant 0 : i32
    %dma_wait3A_144 = tpu.memref_slice %arg15[%dma_wait3A_142, %dma_wait3A_143] : memref<400x128xf32, #tpu.memory_space<vmem>> -> memref<128x128xf32, #tpu.memory_space<vmem>>
    %dma_wait3A_145 = arith.constant 128 : i32
    %dma_wait3A_146 = tpu.memref_slice %arg13[%dma_wait3A_145] : memref<512xi32, #tpu.memory_space<vmem>> -> memref<128xi32, #tpu.memory_space<vmem>>
    %dma_wait3A_147 = arith.constant 0 : i32
    %dma_wait3A_148 = arith.constant 0 : i32
    %dma_wait3A_149 = tpu.memref_slice %arg4[%dma_wait3A_147, %dma_wait3A_148] : memref<249856x128xf32, #tpu.memory_space<hbm>> -> memref<249856x128xf32, #tpu.memory_space<hbm>>
    tpu.wait_indirect_dma semaphore(%arg20 : memref<!tpu.dma_semaphore, #tpu.memory_space<semaphore_mem>>) src(%dma_wait3A_149 : memref<249856x128xf32, #tpu.memory_space<hbm>>) dst(%dma_wait3A_144 : memref<128x128xf32, #tpu.memory_space<vmem>>)
    %dma_wait3A_150 = arith.constant 128 : i32
    %dma_wait3A_151 = arith.constant 0 : i32
    %dma_wait3A_152 = tpu.memref_slice %arg16[%dma_wait3A_150, %dma_wait3A_151] : memref<400x128xf32, #tpu.memory_space<vmem>> -> memref<128x128xf32, #tpu.memory_space<vmem>>
    %dma_wait3A_153 = arith.constant 128 : i32
    %dma_wait3A_154 = tpu.memref_slice %arg14[%dma_wait3A_153] : memref<512xi32, #tpu.memory_space<vmem>> -> memref<128xi32, #tpu.memory_space<vmem>>
    %dma_wait3A_155 = arith.constant 0 : i32
    %dma_wait3A_156 = arith.constant 0 : i32
    %dma_wait3A_157 = tpu.memref_slice %arg5[%dma_wait3A_155, %dma_wait3A_156] : memref<249856x128xf32, #tpu.memory_space<hbm>> -> memref<249856x128xf32, #tpu.memory_space<hbm>>
    tpu.wait_indirect_dma semaphore(%arg20 : memref<!tpu.dma_semaphore, #tpu.memory_space<semaphore_mem>>) src(%dma_wait3A_157 : memref<249856x128xf32, #tpu.memory_space<hbm>>) dst(%dma_wait3A_152 : memref<128x128xf32, #tpu.memory_space<vmem>>)
    %scan3A_158 = arith.constant 0 : i32
    %scan3A_159 = arith.constant 0 : i32
    %scan3A_160 = arith.constant 16 : i32
    %scan3A_161 = arith.addi %scan3A_159, %scan3A_160 : i32
    %scan3A_162 = arith.constant 1 : i32
    scf.for %scan3A_234 = %scan3A_159 to %scan3A_161 step %scan3A_162  : i32 {
      %add3A_235 = arith.constant 0 : i32
      %add3A_236 = arith.addi %add3A_235, %scan3A_234 : i32
      %jit3A = arith.constant 8 : i32
      %div3A = arith.divsi %add3A_236, %jit3A : i32
      %sign3A = arith.constant 0 : i32
      %sign3A_237 = arith.cmpi sgt, %add3A_236, %sign3A : i32
      %sign3A_238 = arith.extui %sign3A_237 : i1 to i32
      %sign3A_239 = arith.constant 0 : i32
      %sign3A_240 = arith.cmpi slt, %add3A_236, %sign3A_239 : i32
      %sign3A_241 = arith.extui %sign3A_240 : i1 to i32
      %sign3A_242 = arith.subi %sign3A_238, %sign3A_241 : i32
      %sign3A_243 = arith.constant 0 : i32
      %sign3A_244 = arith.cmpi sgt, %jit3A, %sign3A_243 : i32
      %sign3A_245 = arith.extui %sign3A_244 : i1 to i32
      %sign3A_246 = arith.constant 0 : i32
      %sign3A_247 = arith.cmpi slt, %jit3A, %sign3A_246 : i32
      %sign3A_248 = arith.extui %sign3A_247 : i1 to i32
      %sign3A_249 = arith.subi %sign3A_245, %sign3A_248 : i32
      %ne3A = arith.cmpi ne, %sign3A_242, %sign3A_249 : i32
      %rem3A = arith.remsi %add3A_236, %jit3A : i32
      %ne3A_250 = arith.constant 0 : i32
      %ne3A_251 = arith.cmpi ne, %rem3A, %ne3A_250 : i32
      %and3A = arith.andi %ne3A, %ne3A_251 : i1
      %sub3A = arith.constant 1 : i32
      %sub3A_252 = arith.subi %div3A, %sub3A : i32
      %select_n3A = arith.select %and3A, %sub3A_252, %div3A : i32
      %jit3A_253 = arith.constant 8 : i32
      %eq3A = arith.constant 0 : i32
      %eq3A_254 = arith.cmpi eq, %jit3A_253, %eq3A : i32
      %jit3A_255 = arith.constant 1 : i32
      %select_n3A_256 = arith.select %eq3A_254, %jit3A_255, %jit3A_253 : i32
      %rem3A_257 = arith.remsi %add3A_236, %select_n3A_256 : i32
      %ne3A_258 = arith.constant 0 : i32
      %ne3A_259 = arith.cmpi ne, %rem3A_257, %ne3A_258 : i32
      %lt3A = arith.constant 0 : i32
      %lt3A_260 = arith.cmpi slt, %rem3A_257, %lt3A : i32
      %lt3A_261 = arith.constant 0 : i32
      %lt3A_262 = arith.cmpi slt, %select_n3A_256, %lt3A_261 : i32
      %ne3A_263 = arith.xori %lt3A_260, %lt3A_262 : i1
      %and3A_264 = arith.andi %ne3A_263, %ne3A_259 : i1
      %add3A_265 = arith.addi %rem3A_257, %select_n3A_256 : i32
      %select_n3A_266 = arith.select %and3A_264, %add3A_265, %rem3A_257 : i32
      %mul3A_267 = arith.constant 16 : i32
      %mul3A_268 = arith.muli %select_n3A_266, %mul3A_267 : i32
      %mul3A_269 = arith.constant 16 : i32
      %mul3A_270 = arith.muli %scan3A_234, %mul3A_269 : i32
      %add3A_271 = vector.broadcast %mul3A_270 : i32 to vector<16xi32>
      %add3A_272 = arith.addi %add3A_271, %iota3A : vector<16xi32>
      %broadcast_in_dim3A = arith.constant 0.000000e+00 : f32
      %broadcast_in_dim3A_273 = vector.broadcast %broadcast_in_dim3A : f32 to vector<16xf32>
      %get3A_274 = arith.index_cast %select_n3A : i32 to index
      %get3A_275 = arith.index_cast %mul3A_268 : i32 to index
      %get3A_276 = tpu.vector_load %arg11[%get3A_274, %get3A_275] {strides = array<i32>} : memref<4x128xi32, #tpu.memory_space<vmem>>, vector<16xi32>,
      %ge3A = arith.constant 999424 : i32
      %ge3A_277 = vector.broadcast %ge3A : i32 to vector<16xi32>
      %ge3A_278 = arith.cmpi sge, %get3A_276, %ge3A_277 : vector<16xi32>
      %sub3A_279 = arith.constant 999424 : i32
      %sub3A_280 = vector.broadcast %sub3A_279 : i32 to vector<16xi32>
      %sub3A_281 = arith.subi %get3A_276, %sub3A_280 : vector<16xi32>
      %shift_right_logical3A = arith.constant 2 : i32
      %shift_right_logical3A_282 = vector.broadcast %shift_right_logical3A : i32 to vector<16xi32>
      %shift_right_logical3A_283 = arith.shrui %sub3A_281, %shift_right_logical3A_282 : vector<16xi32>
      %add3A_284 = arith.constant 256 : i32
      %add3A_285 = vector.broadcast %add3A_284 : i32 to vector<16xi32>
      %add3A_286 = arith.addi %add3A_285, %shift_right_logical3A_283 : vector<16xi32>
      %select_n3A_287 = arith.select %ge3A_278, %add3A_286, %add3A_272 : vector<16xi1>, vector<16xi32>
      %and3A_288 = arith.constant 3 : i32
      %and3A_289 = vector.broadcast %and3A_288 : i32 to vector<16xi32>
      %and3A_290 = arith.andi %sub3A_281, %and3A_289 : vector<16xi32>
      %mul3A_291 = arith.constant 32 : i32
      %mul3A_292 = vector.broadcast %mul3A_291 : i32 to vector<16xi32>
      %mul3A_293 = arith.muli %and3A_290, %mul3A_292 : vector<16xi32>
      %ge3A_294 = arith.constant 249856 : i32
      %ge3A_295 = vector.broadcast %ge3A_294 : i32 to vector<16xi32>
      %ge3A_296 = arith.cmpi sge, %get3A_276, %ge3A_295 : vector<16xi32>
      %convert_element_type3A = arith.extui %ge3A_296 : vector<16xi1> to vector<16xi32>
      %ge3A_297 = arith.constant 499712 : i32
      %ge3A_298 = vector.broadcast %ge3A_297 : i32 to vector<16xi32>
      %ge3A_299 = arith.cmpi sge, %get3A_276, %ge3A_298 : vector<16xi32>
      %convert_element_type3A_300 = arith.extui %ge3A_299 : vector<16xi1> to vector<16xi32>
      %add3A_301 = arith.addi %convert_element_type3A, %convert_element_type3A_300 : vector<16xi32>
      %ge3A_302 = arith.constant 749568 : i32
      %ge3A_303 = vector.broadcast %ge3A_302 : i32 to vector<16xi32>
      %ge3A_304 = arith.cmpi sge, %get3A_276, %ge3A_303 : vector<16xi32>
      %convert_element_type3A_305 = arith.extui %ge3A_304 : vector<16xi1> to vector<16xi32>
      %add3A_306 = arith.addi %add3A_301, %convert_element_type3A_305 : vector<16xi32>
      %mul3A_307 = arith.constant 32 : i32
      %mul3A_308 = vector.broadcast %mul3A_307 : i32 to vector<16xi32>
      %mul3A_309 = arith.muli %add3A_306, %mul3A_308 : vector<16xi32>
      %select_n3A_310 = arith.select %ge3A_278, %mul3A_293, %mul3A_309 : vector<16xi1>, vector<16xi32>
      %get3A_311 = arith.index_cast %select_n3A : i32 to index
      %get3A_312 = arith.index_cast %mul3A_268 : i32 to index
      %get3A_313 = tpu.vector_load %arg12[%get3A_311, %get3A_312] {strides = array<i32>} : memref<4x128xi32, #tpu.memory_space<vmem>>, vector<16xi32>,
      %ge3A_314 = arith.constant 999424 : i32
      %ge3A_315 = vector.broadcast %ge3A_314 : i32 to vector<16xi32>
      %ge3A_316 = arith.cmpi sge, %get3A_313, %ge3A_315 : vector<16xi32>
      %sub3A_317 = arith.constant 999424 : i32
      %sub3A_318 = vector.broadcast %sub3A_317 : i32 to vector<16xi32>
      %sub3A_319 = arith.subi %get3A_313, %sub3A_318 : vector<16xi32>
      %shift_right_logical3A_320 = arith.constant 2 : i32
      %shift_right_logical3A_321 = vector.broadcast %shift_right_logical3A_320 : i32 to vector<16xi32>
      %shift_right_logical3A_322 = arith.shrui %sub3A_319, %shift_right_logical3A_321 : vector<16xi32>
      %add3A_323 = arith.constant 256 : i32
      %add3A_324 = vector.broadcast %add3A_323 : i32 to vector<16xi32>
      %add3A_325 = arith.addi %add3A_324, %shift_right_logical3A_322 : vector<16xi32>
      %select_n3A_326 = arith.select %ge3A_316, %add3A_325, %add3A_272 : vector<16xi1>, vector<16xi32>
      %and3A_327 = arith.constant 3 : i32
      %and3A_328 = vector.broadcast %and3A_327 : i32 to vector<16xi32>
      %and3A_329 = arith.andi %sub3A_319, %and3A_328 : vector<16xi32>
      %mul3A_330 = arith.constant 32 : i32
      %mul3A_331 = vector.broadcast %mul3A_330 : i32 to vector<16xi32>
      %mul3A_332 = arith.muli %and3A_329, %mul3A_331 : vector<16xi32>
      %ge3A_333 = arith.constant 249856 : i32
      %ge3A_334 = vector.broadcast %ge3A_333 : i32 to vector<16xi32>
      %ge3A_335 = arith.cmpi sge, %get3A_313, %ge3A_334 : vector<16xi32>
      %convert_element_type3A_336 = arith.extui %ge3A_335 : vector<16xi1> to vector<16xi32>
      %ge3A_337 = arith.constant 499712 : i32
      %ge3A_338 = vector.broadcast %ge3A_337 : i32 to vector<16xi32>
      %ge3A_339 = arith.cmpi sge, %get3A_313, %ge3A_338 : vector<16xi32>
      %convert_element_type3A_340 = arith.extui %ge3A_339 : vector<16xi1> to vector<16xi32>
      %add3A_341 = arith.addi %convert_element_type3A_336, %convert_element_type3A_340 : vector<16xi32>
      %ge3A_342 = arith.constant 749568 : i32
      %ge3A_343 = vector.broadcast %ge3A_342 : i32 to vector<16xi32>
      %ge3A_344 = arith.cmpi sge, %get3A_313, %ge3A_343 : vector<16xi32>
      %convert_element_type3A_345 = arith.extui %ge3A_344 : vector<16xi1> to vector<16xi32>
      %add3A_346 = arith.addi %add3A_341, %convert_element_type3A_345 : vector<16xi32>
      %mul3A_347 = arith.constant 32 : i32
      %mul3A_348 = vector.broadcast %mul3A_347 : i32 to vector<16xi32>
      %mul3A_349 = arith.muli %add3A_346, %mul3A_348 : vector<16xi32>
      %select_n3A_350 = arith.select %ge3A_316, %mul3A_332, %mul3A_349 : vector<16xi1>, vector<16xi32>
      %add3A_351 = arith.constant 0 : i32
      %add3A_352 = vector.broadcast %add3A_351 : i32 to vector<16xi32>
      %add3A_353 = arith.addi %select_n3A_310, %add3A_352 : vector<16xi32>
      %gather3A = tpu.vector_load_idx %arg15[%select_n3A_287, %add3A_353] : memref<400x128xf32, #tpu.memory_space<vmem>>[vector<16xi32>, vector<16xi32>], vector<16xf32>,
      %add3A_354 = arith.constant 0 : i32
      %add3A_355 = vector.broadcast %add3A_354 : i32 to vector<16xi32>
      %add3A_356 = arith.addi %select_n3A_350, %add3A_355 : vector<16xi32>
      %gather3A_357 = tpu.vector_load_idx %arg16[%select_n3A_326, %add3A_356] : memref<400x128xf32, #tpu.memory_space<vmem>>[vector<16xi32>, vector<16xi32>], vector<16xf32>,
      %mul3A_358 = arith.mulf %gather3A, %gather3A_357 : vector<16xf32>
      %mul3A_359 = arith.mulf %mul3A_358, %get3A_31 : vector<16xf32>
      %add3A_360 = arith.addf %broadcast_in_dim3A_273, %mul3A_359 : vector<16xf32>
      %add3A_361 = arith.constant 1 : i32
      %add3A_362 = vector.broadcast %add3A_361 : i32 to vector<16xi32>
      %add3A_363 = arith.addi %select_n3A_310, %add3A_362 : vector<16xi32>
      %gather3A_364 = tpu.vector_load_idx %arg15[%select_n3A_287, %add3A_363] : memref<400x128xf32, #tpu.memory_space<vmem>>[vector<16xi32>, vector<16xi32>], vector<16xf32>,
      %add3A_365 = arith.constant 1 : i32
      %add3A_366 = vector.broadcast %add3A_365 : i32 to vector<16xi32>
      %add3A_367 = arith.addi %select_n3A_350, %add3A_366 : vector<16xi32>
      %gather3A_368 = tpu.vector_load_idx %arg16[%select_n3A_326, %add3A_367] : memref<400x128xf32, #tpu.memory_space<vmem>>[vector<16xi32>, vector<16xi32>], vector<16xf32>,
      %mul3A_369 = arith.mulf %gather3A_364, %gather3A_368 : vector<16xf32>
      %mul3A_370 = arith.mulf %mul3A_369, %get3A_33 : vector<16xf32>
      %add3A_371 = arith.addf %add3A_360, %mul3A_370 : vector<16xf32>
      %add3A_372 = arith.constant 2 : i32
      %add3A_373 = vector.broadcast %add3A_372 : i32 to vector<16xi32>
      %add3A_374 = arith.addi %select_n3A_310, %add3A_373 : vector<16xi32>
      %gather3A_375 = tpu.vector_load_idx %arg15[%select_n3A_287, %add3A_374] : memref<400x128xf32, #tpu.memory_space<vmem>>[vector<16xi32>, vector<16xi32>], vector<16xf32>,
      %add3A_376 = arith.constant 2 : i32
      %add3A_377 = vector.broadcast %add3A_376 : i32 to vector<16xi32>
      %add3A_378 = arith.addi %select_n3A_350, %add3A_377 : vector<16xi32>
      %gather3A_379 = tpu.vector_load_idx %arg16[%select_n3A_326, %add3A_378] : memref<400x128xf32, #tpu.memory_space<vmem>>[vector<16xi32>, vector<16xi32>], vector<16xf32>,
      %mul3A_380 = arith.mulf %gather3A_375, %gather3A_379 : vector<16xf32>
      %mul3A_381 = arith.mulf %mul3A_380, %get3A_35 : vector<16xf32>
      %add3A_382 = arith.addf %add3A_371, %mul3A_381 : vector<16xf32>
      %add3A_383 = arith.constant 3 : i32
      %add3A_384 = vector.broadcast %add3A_383 : i32 to vector<16xi32>
      %add3A_385 = arith.addi %select_n3A_310, %add3A_384 : vector<16xi32>
      %gather3A_386 = tpu.vector_load_idx %arg15[%select_n3A_287, %add3A_385] : memref<400x128xf32, #tpu.memory_space<vmem>>[vector<16xi32>, vector<16xi32>], vector<16xf32>,
      %add3A_387 = arith.constant 3 : i32
      %add3A_388 = vector.broadcast %add3A_387 : i32 to vector<16xi32>
      %add3A_389 = arith.addi %select_n3A_350, %add3A_388 : vector<16xi32>
      %gather3A_390 = tpu.vector_load_idx %arg16[%select_n3A_326, %add3A_389] : memref<400x128xf32, #tpu.memory_space<vmem>>[vector<16xi32>, vector<16xi32>], vector<16xf32>,
      %mul3A_391 = arith.mulf %gather3A_386, %gather3A_390 : vector<16xf32>
      %mul3A_392 = arith.mulf %mul3A_391, %get3A_37 : vector<16xf32>
      %add3A_393 = arith.addf %add3A_382, %mul3A_392 : vector<16xf32>
      %add3A_394 = arith.constant 4 : i32
      %add3A_395 = vector.broadcast %add3A_394 : i32 to vector<16xi32>
      %add3A_396 = arith.addi %select_n3A_310, %add3A_395 : vector<16xi32>
      %gather3A_397 = tpu.vector_load_idx %arg15[%select_n3A_287, %add3A_396] : memref<400x128xf32, #tpu.memory_space<vmem>>[vector<16xi32>, vector<16xi32>], vector<16xf32>,
      %add3A_398 = arith.constant 4 : i32
      %add3A_399 = vector.broadcast %add3A_398 : i32 to vector<16xi32>
      %add3A_400 = arith.addi %select_n3A_350, %add3A_399 : vector<16xi32>
      %gather3A_401 = tpu.vector_load_idx %arg16[%select_n3A_326, %add3A_400] : memref<400x128xf32, #tpu.memory_space<vmem>>[vector<16xi32>, vector<16xi32>], vector<16xf32>,
      %mul3A_402 = arith.mulf %gather3A_397, %gather3A_401 : vector<16xf32>
      %mul3A_403 = arith.mulf %mul3A_402, %get3A_39 : vector<16xf32>
      %add3A_404 = arith.addf %add3A_393, %mul3A_403 : vector<16xf32>
      %add3A_405 = arith.constant 5 : i32
      %add3A_406 = vector.broadcast %add3A_405 : i32 to vector<16xi32>
      %add3A_407 = arith.addi %select_n3A_310, %add3A_406 : vector<16xi32>
      %gather3A_408 = tpu.vector_load_idx %arg15[%select_n3A_287, %add3A_407] : memref<400x128xf32, #tpu.memory_space<vmem>>[vector<16xi32>, vector<16xi32>], vector<16xf32>,
      %add3A_409 = arith.constant 5 : i32
      %add3A_410 = vector.broadcast %add3A_409 : i32 to vector<16xi32>
      %add3A_411 = arith.addi %select_n3A_350, %add3A_410 : vector<16xi32>
      %gather3A_412 = tpu.vector_load_idx %arg16[%select_n3A_326, %add3A_411] : memref<400x128xf32, #tpu.memory_space<vmem>>[vector<16xi32>, vector<16xi32>], vector<16xf32>,
      %mul3A_413 = arith.mulf %gather3A_408, %gather3A_412 : vector<16xf32>
      %mul3A_414 = arith.mulf %mul3A_413, %get3A_41 : vector<16xf32>
      %add3A_415 = arith.addf %add3A_404, %mul3A_414 : vector<16xf32>
      %add3A_416 = arith.constant 6 : i32
      %add3A_417 = vector.broadcast %add3A_416 : i32 to vector<16xi32>
      %add3A_418 = arith.addi %select_n3A_310, %add3A_417 : vector<16xi32>
      %gather3A_419 = tpu.vector_load_idx %arg15[%select_n3A_287, %add3A_418] : memref<400x128xf32, #tpu.memory_space<vmem>>[vector<16xi32>, vector<16xi32>], vector<16xf32>,
      %add3A_420 = arith.constant 6 : i32
      %add3A_421 = vector.broadcast %add3A_420 : i32 to vector<16xi32>
      %add3A_422 = arith.addi %select_n3A_350, %add3A_421 : vector<16xi32>
      %gather3A_423 = tpu.vector_load_idx %arg16[%select_n3A_326, %add3A_422] : memref<400x128xf32, #tpu.memory_space<vmem>>[vector<16xi32>, vector<16xi32>], vector<16xf32>,
      %mul3A_424 = arith.mulf %gather3A_419, %gather3A_423 : vector<16xf32>
      %mul3A_425 = arith.mulf %mul3A_424, %get3A_43 : vector<16xf32>
      %add3A_426 = arith.addf %add3A_415, %mul3A_425 : vector<16xf32>
      %add3A_427 = arith.constant 7 : i32
      %add3A_428 = vector.broadcast %add3A_427 : i32 to vector<16xi32>
      %add3A_429 = arith.addi %select_n3A_310, %add3A_428 : vector<16xi32>
      %gather3A_430 = tpu.vector_load_idx %arg15[%select_n3A_287, %add3A_429] : memref<400x128xf32, #tpu.memory_space<vmem>>[vector<16xi32>, vector<16xi32>], vector<16xf32>,
      %add3A_431 = arith.constant 7 : i32
      %add3A_432 = vector.broadcast %add3A_431 : i32 to vector<16xi32>
      %add3A_433 = arith.addi %select_n3A_350, %add3A_432 : vector<16xi32>
      %gather3A_434 = tpu.vector_load_idx %arg16[%select_n3A_326, %add3A_433] : memref<400x128xf32, #tpu.memory_space<vmem>>[vector<16xi32>, vector<16xi32>], vector<16xf32>,
      %mul3A_435 = arith.mulf %gather3A_430, %gather3A_434 : vector<16xf32>
      %mul3A_436 = arith.mulf %mul3A_435, %get3A_45 : vector<16xf32>
      %add3A_437 = arith.addf %add3A_426, %mul3A_436 : vector<16xf32>
      %add3A_438 = arith.constant 8 : i32
      %add3A_439 = vector.broadcast %add3A_438 : i32 to vector<16xi32>
      %add3A_440 = arith.addi %select_n3A_310, %add3A_439 : vector<16xi32>
      %gather3A_441 = tpu.vector_load_idx %arg15[%select_n3A_287, %add3A_440] : memref<400x128xf32, #tpu.memory_space<vmem>>[vector<16xi32>, vector<16xi32>], vector<16xf32>,
      %add3A_442 = arith.constant 8 : i32
      %add3A_443 = vector.broadcast %add3A_442 : i32 to vector<16xi32>
      %add3A_444 = arith.addi %select_n3A_350, %add3A_443 : vector<16xi32>
      %gather3A_445 = tpu.vector_load_idx %arg16[%select_n3A_326, %add3A_444] : memref<400x128xf32, #tpu.memory_space<vmem>>[vector<16xi32>, vector<16xi32>], vector<16xf32>,
      %mul3A_446 = arith.mulf %gather3A_441, %gather3A_445 : vector<16xf32>
      %mul3A_447 = arith.mulf %mul3A_446, %get3A_47 : vector<16xf32>
      %add3A_448 = arith.addf %add3A_437, %mul3A_447 : vector<16xf32>
      %add3A_449 = arith.constant 9 : i32
      %add3A_450 = vector.broadcast %add3A_449 : i32 to vector<16xi32>
      %add3A_451 = arith.addi %select_n3A_310, %add3A_450 : vector<16xi32>
      %gather3A_452 = tpu.vector_load_idx %arg15[%select_n3A_287, %add3A_451] : memref<400x128xf32, #tpu.memory_space<vmem>>[vector<16xi32>, vector<16xi32>], vector<16xf32>,
      %add3A_453 = arith.constant 9 : i32
      %add3A_454 = vector.broadcast %add3A_453 : i32 to vector<16xi32>
      %add3A_455 = arith.addi %select_n3A_350, %add3A_454 : vector<16xi32>
      %gather3A_456 = tpu.vector_load_idx %arg16[%select_n3A_326, %add3A_455] : memref<400x128xf32, #tpu.memory_space<vmem>>[vector<16xi32>, vector<16xi32>], vector<16xf32>,
      %mul3A_457 = arith.mulf %gather3A_452, %gather3A_456 : vector<16xf32>
      %mul3A_458 = arith.mulf %mul3A_457, %get3A_49 : vector<16xf32>
      %add3A_459 = arith.addf %add3A_448, %mul3A_458 : vector<16xf32>
      %add3A_460 = arith.constant 10 : i32
      %add3A_461 = vector.broadcast %add3A_460 : i32 to vector<16xi32>
      %add3A_462 = arith.addi %select_n3A_310, %add3A_461 : vector<16xi32>
      %gather3A_463 = tpu.vector_load_idx %arg15[%select_n3A_287, %add3A_462] : memref<400x128xf32, #tpu.memory_space<vmem>>[vector<16xi32>, vector<16xi32>], vector<16xf32>,
      %add3A_464 = arith.constant 10 : i32
      %add3A_465 = vector.broadcast %add3A_464 : i32 to vector<16xi32>
      %add3A_466 = arith.addi %select_n3A_350, %add3A_465 : vector<16xi32>
      %gather3A_467 = tpu.vector_load_idx %arg16[%select_n3A_326, %add3A_466] : memref<400x128xf32, #tpu.memory_space<vmem>>[vector<16xi32>, vector<16xi32>], vector<16xf32>,
      %mul3A_468 = arith.mulf %gather3A_463, %gather3A_467 : vector<16xf32>
      %mul3A_469 = arith.mulf %mul3A_468, %get3A_51 : vector<16xf32>
      %add3A_470 = arith.addf %add3A_459, %mul3A_469 : vector<16xf32>
      %add3A_471 = arith.constant 11 : i32
      %add3A_472 = vector.broadcast %add3A_471 : i32 to vector<16xi32>
      %add3A_473 = arith.addi %select_n3A_310, %add3A_472 : vector<16xi32>
      %gather3A_474 = tpu.vector_load_idx %arg15[%select_n3A_287, %add3A_473] : memref<400x128xf32, #tpu.memory_space<vmem>>[vector<16xi32>, vector<16xi32>], vector<16xf32>,
      %add3A_475 = arith.constant 11 : i32
      %add3A_476 = vector.broadcast %add3A_475 : i32 to vector<16xi32>
      %add3A_477 = arith.addi %select_n3A_350, %add3A_476 : vector<16xi32>
      %gather3A_478 = tpu.vector_load_idx %arg16[%select_n3A_326, %add3A_477] : memref<400x128xf32, #tpu.memory_space<vmem>>[vector<16xi32>, vector<16xi32>], vector<16xf32>,
      %mul3A_479 = arith.mulf %gather3A_474, %gather3A_478 : vector<16xf32>
      %mul3A_480 = arith.mulf %mul3A_479, %get3A_53 : vector<16xf32>
      %add3A_481 = arith.addf %add3A_470, %mul3A_480 : vector<16xf32>
      %add3A_482 = arith.constant 12 : i32
      %add3A_483 = vector.broadcast %add3A_482 : i32 to vector<16xi32>
      %add3A_484 = arith.addi %select_n3A_310, %add3A_483 : vector<16xi32>
      %gather3A_485 = tpu.vector_load_idx %arg15[%select_n3A_287, %add3A_484] : memref<400x128xf32, #tpu.memory_space<vmem>>[vector<16xi32>, vector<16xi32>], vector<16xf32>,
      %add3A_486 = arith.constant 12 : i32
      %add3A_487 = vector.broadcast %add3A_486 : i32 to vector<16xi32>
      %add3A_488 = arith.addi %select_n3A_350, %add3A_487 : vector<16xi32>
      %gather3A_489 = tpu.vector_load_idx %arg16[%select_n3A_326, %add3A_488] : memref<400x128xf32, #tpu.memory_space<vmem>>[vector<16xi32>, vector<16xi32>], vector<16xf32>,
      %mul3A_490 = arith.mulf %gather3A_485, %gather3A_489 : vector<16xf32>
      %mul3A_491 = arith.mulf %mul3A_490, %get3A_55 : vector<16xf32>
      %add3A_492 = arith.addf %add3A_481, %mul3A_491 : vector<16xf32>
      %add3A_493 = arith.constant 13 : i32
      %add3A_494 = vector.broadcast %add3A_493 : i32 to vector<16xi32>
      %add3A_495 = arith.addi %select_n3A_310, %add3A_494 : vector<16xi32>
      %gather3A_496 = tpu.vector_load_idx %arg15[%select_n3A_287, %add3A_495] : memref<400x128xf32, #tpu.memory_space<vmem>>[vector<16xi32>, vector<16xi32>], vector<16xf32>,
      %add3A_497 = arith.constant 13 : i32
      %add3A_498 = vector.broadcast %add3A_497 : i32 to vector<16xi32>
      %add3A_499 = arith.addi %select_n3A_350, %add3A_498 : vector<16xi32>
      %gather3A_500 = tpu.vector_load_idx %arg16[%select_n3A_326, %add3A_499] : memref<400x128xf32, #tpu.memory_space<vmem>>[vector<16xi32>, vector<16xi32>], vector<16xf32>,
      %mul3A_501 = arith.mulf %gather3A_496, %gather3A_500 : vector<16xf32>
      %mul3A_502 = arith.mulf %mul3A_501, %get3A_57 : vector<16xf32>
      %add3A_503 = arith.addf %add3A_492, %mul3A_502 : vector<16xf32>
      %add3A_504 = arith.constant 14 : i32
      %add3A_505 = vector.broadcast %add3A_504 : i32 to vector<16xi32>
      %add3A_506 = arith.addi %select_n3A_310, %add3A_505 : vector<16xi32>
      %gather3A_507 = tpu.vector_load_idx %arg15[%select_n3A_287, %add3A_506] : memref<400x128xf32, #tpu.memory_space<vmem>>[vector<16xi32>, vector<16xi32>], vector<16xf32>,
      %add3A_508 = arith.constant 14 : i32
      %add3A_509 = vector.broadcast %add3A_508 : i32 to vector<16xi32>
      %add3A_510 = arith.addi %select_n3A_350, %add3A_509 : vector<16xi32>
      %gather3A_511 = tpu.vector_load_idx %arg16[%select_n3A_326, %add3A_510] : memref<400x128xf32, #tpu.memory_space<vmem>>[vector<16xi32>, vector<16xi32>], vector<16xf32>,
      %mul3A_512 = arith.mulf %gather3A_507, %gather3A_511 : vector<16xf32>
      %mul3A_513 = arith.mulf %mul3A_512, %get3A_59 : vector<16xf32>
      %add3A_514 = arith.addf %add3A_503, %mul3A_513 : vector<16xf32>
      %add3A_515 = arith.constant 15 : i32
      %add3A_516 = vector.broadcast %add3A_515 : i32 to vector<16xi32>
      %add3A_517 = arith.addi %select_n3A_310, %add3A_516 : vector<16xi32>
      %gather3A_518 = tpu.vector_load_idx %arg15[%select_n3A_287, %add3A_517] : memref<400x128xf32, #tpu.memory_space<vmem>>[vector<16xi32>, vector<16xi32>], vector<16xf32>,
      %add3A_519 = arith.constant 15 : i32
      %add3A_520 = vector.broadcast %add3A_519 : i32 to vector<16xi32>
      %add3A_521 = arith.addi %select_n3A_350, %add3A_520 : vector<16xi32>
      %gather3A_522 = tpu.vector_load_idx %arg16[%select_n3A_326, %add3A_521] : memref<400x128xf32, #tpu.memory_space<vmem>>[vector<16xi32>, vector<16xi32>], vector<16xf32>,
      %mul3A_523 = arith.mulf %gather3A_518, %gather3A_522 : vector<16xf32>
      %mul3A_524 = arith.mulf %mul3A_523, %get3A_61 : vector<16xf32>
      %add3A_525 = arith.addf %add3A_514, %mul3A_524 : vector<16xf32>
      %add3A_526 = arith.constant 16 : i32
      %add3A_527 = vector.broadcast %add3A_526 : i32 to vector<16xi32>
      %add3A_528 = arith.addi %select_n3A_310, %add3A_527 : vector<16xi32>
      %gather3A_529 = tpu.vector_load_idx %arg15[%select_n3A_287, %add3A_528] : memref<400x128xf32, #tpu.memory_space<vmem>>[vector<16xi32>, vector<16xi32>], vector<16xf32>,
      %add3A_530 = arith.constant 16 : i32
      %add3A_531 = vector.broadcast %add3A_530 : i32 to vector<16xi32>
      %add3A_532 = arith.addi %select_n3A_350, %add3A_531 : vector<16xi32>
      %gather3A_533 = tpu.vector_load_idx %arg16[%select_n3A_326, %add3A_532] : memref<400x128xf32, #tpu.memory_space<vmem>>[vector<16xi32>, vector<16xi32>], vector<16xf32>,
      %mul3A_534 = arith.mulf %gather3A_529, %gather3A_533 : vector<16xf32>
      %mul3A_535 = arith.mulf %mul3A_534, %get3A_63 : vector<16xf32>
      %add3A_536 = arith.addf %add3A_525, %mul3A_535 : vector<16xf32>
      %add3A_537 = arith.constant 17 : i32
      %add3A_538 = vector.broadcast %add3A_537 : i32 to vector<16xi32>
      %add3A_539 = arith.addi %select_n3A_310, %add3A_538 : vector<16xi32>
      %gather3A_540 = tpu.vector_load_idx %arg15[%select_n3A_287, %add3A_539] : memref<400x128xf32, #tpu.memory_space<vmem>>[vector<16xi32>, vector<16xi32>], vector<16xf32>,
      %add3A_541 = arith.constant 17 : i32
      %add3A_542 = vector.broadcast %add3A_541 : i32 to vector<16xi32>
      %add3A_543 = arith.addi %select_n3A_350, %add3A_542 : vector<16xi32>
      %gather3A_544 = tpu.vector_load_idx %arg16[%select_n3A_326, %add3A_543] : memref<400x128xf32, #tpu.memory_space<vmem>>[vector<16xi32>, vector<16xi32>], vector<16xf32>,
      %mul3A_545 = arith.mulf %gather3A_540, %gather3A_544 : vector<16xf32>
      %mul3A_546 = arith.mulf %mul3A_545, %get3A_65 : vector<16xf32>
      %add3A_547 = arith.addf %add3A_536, %mul3A_546 : vector<16xf32>
      %add3A_548 = arith.constant 18 : i32
      %add3A_549 = vector.broadcast %add3A_548 : i32 to vector<16xi32>
      %add3A_550 = arith.addi %select_n3A_310, %add3A_549 : vector<16xi32>
      %gather3A_551 = tpu.vector_load_idx %arg15[%select_n3A_287, %add3A_550] : memref<400x128xf32, #tpu.memory_space<vmem>>[vector<16xi32>, vector<16xi32>], vector<16xf32>,
      %add3A_552 = arith.constant 18 : i32
      %add3A_553 = vector.broadcast %add3A_552 : i32 to vector<16xi32>
      %add3A_554 = arith.addi %select_n3A_350, %add3A_553 : vector<16xi32>
      %gather3A_555 = tpu.vector_load_idx %arg16[%select_n3A_326, %add3A_554] : memref<400x128xf32, #tpu.memory_space<vmem>>[vector<16xi32>, vector<16xi32>], vector<16xf32>,
      %mul3A_556 = arith.mulf %gather3A_551, %gather3A_555 : vector<16xf32>
      %mul3A_557 = arith.mulf %mul3A_556, %get3A_67 : vector<16xf32>
      %add3A_558 = arith.addf %add3A_547, %mul3A_557 : vector<16xf32>
      %add3A_559 = arith.constant 19 : i32
      %add3A_560 = vector.broadcast %add3A_559 : i32 to vector<16xi32>
      %add3A_561 = arith.addi %select_n3A_310, %add3A_560 : vector<16xi32>
      %gather3A_562 = tpu.vector_load_idx %arg15[%select_n3A_287, %add3A_561] : memref<400x128xf32, #tpu.memory_space<vmem>>[vector<16xi32>, vector<16xi32>], vector<16xf32>,
      %add3A_563 = arith.constant 19 : i32
      %add3A_564 = vector.broadcast %add3A_563 : i32 to vector<16xi32>
      %add3A_565 = arith.addi %select_n3A_350, %add3A_564 : vector<16xi32>
      %gather3A_566 = tpu.vector_load_idx %arg16[%select_n3A_326, %add3A_565] : memref<400x128xf32, #tpu.memory_space<vmem>>[vector<16xi32>, vector<16xi32>], vector<16xf32>,
      %mul3A_567 = arith.mulf %gather3A_562, %gather3A_566 : vector<16xf32>
      %mul3A_568 = arith.mulf %mul3A_567, %get3A_69 : vector<16xf32>
      %add3A_569 = arith.addf %add3A_558, %mul3A_568 : vector<16xf32>
      %add3A_570 = arith.constant 20 : i32
      %add3A_571 = vector.broadcast %add3A_570 : i32 to vector<16xi32>
      %add3A_572 = arith.addi %select_n3A_310, %add3A_571 : vector<16xi32>
      %gather3A_573 = tpu.vector_load_idx %arg15[%select_n3A_287, %add3A_572] : memref<400x128xf32, #tpu.memory_space<vmem>>[vector<16xi32>, vector<16xi32>], vector<16xf32>,
      %add3A_574 = arith.constant 20 : i32
      %add3A_575 = vector.broadcast %add3A_574 : i32 to vector<16xi32>
      %add3A_576 = arith.addi %select_n3A_350, %add3A_575 : vector<16xi32>
      %gather3A_577 = tpu.vector_load_idx %arg16[%select_n3A_326, %add3A_576] : memref<400x128xf32, #tpu.memory_space<vmem>>[vector<16xi32>, vector<16xi32>], vector<16xf32>,
      %mul3A_578 = arith.mulf %gather3A_573, %gather3A_577 : vector<16xf32>
      %mul3A_579 = arith.mulf %mul3A_578, %get3A_71 : vector<16xf32>
      %add3A_580 = arith.addf %add3A_569, %mul3A_579 : vector<16xf32>
      %add3A_581 = arith.constant 21 : i32
      %add3A_582 = vector.broadcast %add3A_581 : i32 to vector<16xi32>
      %add3A_583 = arith.addi %select_n3A_310, %add3A_582 : vector<16xi32>
      %gather3A_584 = tpu.vector_load_idx %arg15[%select_n3A_287, %add3A_583] : memref<400x128xf32, #tpu.memory_space<vmem>>[vector<16xi32>, vector<16xi32>], vector<16xf32>,
      %add3A_585 = arith.constant 21 : i32
      %add3A_586 = vector.broadcast %add3A_585 : i32 to vector<16xi32>
      %add3A_587 = arith.addi %select_n3A_350, %add3A_586 : vector<16xi32>
      %gather3A_588 = tpu.vector_load_idx %arg16[%select_n3A_326, %add3A_587] : memref<400x128xf32, #tpu.memory_space<vmem>>[vector<16xi32>, vector<16xi32>], vector<16xf32>,
      %mul3A_589 = arith.mulf %gather3A_584, %gather3A_588 : vector<16xf32>
      %mul3A_590 = arith.mulf %mul3A_589, %get3A_73 : vector<16xf32>
      %add3A_591 = arith.addf %add3A_580, %mul3A_590 : vector<16xf32>
      %add3A_592 = arith.constant 22 : i32
      %add3A_593 = vector.broadcast %add3A_592 : i32 to vector<16xi32>
      %add3A_594 = arith.addi %select_n3A_310, %add3A_593 : vector<16xi32>
      %gather3A_595 = tpu.vector_load_idx %arg15[%select_n3A_287, %add3A_594] : memref<400x128xf32, #tpu.memory_space<vmem>>[vector<16xi32>, vector<16xi32>], vector<16xf32>,
      %add3A_596 = arith.constant 22 : i32
      %add3A_597 = vector.broadcast %add3A_596 : i32 to vector<16xi32>
      %add3A_598 = arith.addi %select_n3A_350, %add3A_597 : vector<16xi32>
      %gather3A_599 = tpu.vector_load_idx %arg16[%select_n3A_326, %add3A_598] : memref<400x128xf32, #tpu.memory_space<vmem>>[vector<16xi32>, vector<16xi32>], vector<16xf32>,
      %mul3A_600 = arith.mulf %gather3A_595, %gather3A_599 : vector<16xf32>
      %mul3A_601 = arith.mulf %mul3A_600, %get3A_75 : vector<16xf32>
      %add3A_602 = arith.addf %add3A_591, %mul3A_601 : vector<16xf32>
      %add3A_603 = arith.constant 23 : i32
      %add3A_604 = vector.broadcast %add3A_603 : i32 to vector<16xi32>
      %add3A_605 = arith.addi %select_n3A_310, %add3A_604 : vector<16xi32>
      %gather3A_606 = tpu.vector_load_idx %arg15[%select_n3A_287, %add3A_605] : memref<400x128xf32, #tpu.memory_space<vmem>>[vector<16xi32>, vector<16xi32>], vector<16xf32>,
      %add3A_607 = arith.constant 23 : i32
      %add3A_608 = vector.broadcast %add3A_607 : i32 to vector<16xi32>
      %add3A_609 = arith.addi %select_n3A_350, %add3A_608 : vector<16xi32>
      %gather3A_610 = tpu.vector_load_idx %arg16[%select_n3A_326, %add3A_609] : memref<400x128xf32, #tpu.memory_space<vmem>>[vector<16xi32>, vector<16xi32>], vector<16xf32>,
      %mul3A_611 = arith.mulf %gather3A_606, %gather3A_610 : vector<16xf32>
      %mul3A_612 = arith.mulf %mul3A_611, %get3A_77 : vector<16xf32>
      %add3A_613 = arith.addf %add3A_602, %mul3A_612 : vector<16xf32>
      %add3A_614 = arith.constant 24 : i32
      %add3A_615 = vector.broadcast %add3A_614 : i32 to vector<16xi32>
      %add3A_616 = arith.addi %select_n3A_310, %add3A_615 : vector<16xi32>
      %gather3A_617 = tpu.vector_load_idx %arg15[%select_n3A_287, %add3A_616] : memref<400x128xf32, #tpu.memory_space<vmem>>[vector<16xi32>, vector<16xi32>], vector<16xf32>,
      %add3A_618 = arith.constant 24 : i32
      %add3A_619 = vector.broadcast %add3A_618 : i32 to vector<16xi32>
      %add3A_620 = arith.addi %select_n3A_350, %add3A_619 : vector<16xi32>
      %gather3A_621 = tpu.vector_load_idx %arg16[%select_n3A_326, %add3A_620] : memref<400x128xf32, #tpu.memory_space<vmem>>[vector<16xi32>, vector<16xi32>], vector<16xf32>,
      %mul3A_622 = arith.mulf %gather3A_617, %gather3A_621 : vector<16xf32>
      %mul3A_623 = arith.mulf %mul3A_622, %get3A_79 : vector<16xf32>
      %add3A_624 = arith.addf %add3A_613, %mul3A_623 : vector<16xf32>
      %add3A_625 = arith.constant 25 : i32
      %add3A_626 = vector.broadcast %add3A_625 : i32 to vector<16xi32>
      %add3A_627 = arith.addi %select_n3A_310, %add3A_626 : vector<16xi32>
      %gather3A_628 = tpu.vector_load_idx %arg15[%select_n3A_287, %add3A_627] : memref<400x128xf32, #tpu.memory_space<vmem>>[vector<16xi32>, vector<16xi32>], vector<16xf32>,
      %add3A_629 = arith.constant 25 : i32
      %add3A_630 = vector.broadcast %add3A_629 : i32 to vector<16xi32>
      %add3A_631 = arith.addi %select_n3A_350, %add3A_630 : vector<16xi32>
      %gather3A_632 = tpu.vector_load_idx %arg16[%select_n3A_326, %add3A_631] : memref<400x128xf32, #tpu.memory_space<vmem>>[vector<16xi32>, vector<16xi32>], vector<16xf32>,
      %mul3A_633 = arith.mulf %gather3A_628, %gather3A_632 : vector<16xf32>
      %mul3A_634 = arith.mulf %mul3A_633, %get3A_81 : vector<16xf32>
      %add3A_635 = arith.addf %add3A_624, %mul3A_634 : vector<16xf32>
      %add3A_636 = arith.constant 26 : i32
      %add3A_637 = vector.broadcast %add3A_636 : i32 to vector<16xi32>
      %add3A_638 = arith.addi %select_n3A_310, %add3A_637 : vector<16xi32>
      %gather3A_639 = tpu.vector_load_idx %arg15[%select_n3A_287, %add3A_638] : memref<400x128xf32, #tpu.memory_space<vmem>>[vector<16xi32>, vector<16xi32>], vector<16xf32>,
      %add3A_640 = arith.constant 26 : i32
      %add3A_641 = vector.broadcast %add3A_640 : i32 to vector<16xi32>
      %add3A_642 = arith.addi %select_n3A_350, %add3A_641 : vector<16xi32>
      %gather3A_643 = tpu.vector_load_idx %arg16[%select_n3A_326, %add3A_642] : memref<400x128xf32, #tpu.memory_space<vmem>>[vector<16xi32>, vector<16xi32>], vector<16xf32>,
      %mul3A_644 = arith.mulf %gather3A_639, %gather3A_643 : vector<16xf32>
      %mul3A_645 = arith.mulf %mul3A_644, %get3A_83 : vector<16xf32>
      %add3A_646 = arith.addf %add3A_635, %mul3A_645 : vector<16xf32>
      %add3A_647 = arith.constant 27 : i32
      %add3A_648 = vector.broadcast %add3A_647 : i32 to vector<16xi32>
      %add3A_649 = arith.addi %select_n3A_310, %add3A_648 : vector<16xi32>
      %gather3A_650 = tpu.vector_load_idx %arg15[%select_n3A_287, %add3A_649] : memref<400x128xf32, #tpu.memory_space<vmem>>[vector<16xi32>, vector<16xi32>], vector<16xf32>,
      %add3A_651 = arith.constant 27 : i32
      %add3A_652 = vector.broadcast %add3A_651 : i32 to vector<16xi32>
      %add3A_653 = arith.addi %select_n3A_350, %add3A_652 : vector<16xi32>
      %gather3A_654 = tpu.vector_load_idx %arg16[%select_n3A_326, %add3A_653] : memref<400x128xf32, #tpu.memory_space<vmem>>[vector<16xi32>, vector<16xi32>], vector<16xf32>,
      %mul3A_655 = arith.mulf %gather3A_650, %gather3A_654 : vector<16xf32>
      %mul3A_656 = arith.mulf %mul3A_655, %get3A_85 : vector<16xf32>
      %add3A_657 = arith.addf %add3A_646, %mul3A_656 : vector<16xf32>
      %add3A_658 = arith.constant 28 : i32
      %add3A_659 = vector.broadcast %add3A_658 : i32 to vector<16xi32>
      %add3A_660 = arith.addi %select_n3A_310, %add3A_659 : vector<16xi32>
      %gather3A_661 = tpu.vector_load_idx %arg15[%select_n3A_287, %add3A_660] : memref<400x128xf32, #tpu.memory_space<vmem>>[vector<16xi32>, vector<16xi32>], vector<16xf32>,
      %add3A_662 = arith.constant 28 : i32
      %add3A_663 = vector.broadcast %add3A_662 : i32 to vector<16xi32>
      %add3A_664 = arith.addi %select_n3A_350, %add3A_663 : vector<16xi32>
      %gather3A_665 = tpu.vector_load_idx %arg16[%select_n3A_326, %add3A_664] : memref<400x128xf32, #tpu.memory_space<vmem>>[vector<16xi32>, vector<16xi32>], vector<16xf32>,
      %mul3A_666 = arith.mulf %gather3A_661, %gather3A_665 : vector<16xf32>
      %mul3A_667 = arith.mulf %mul3A_666, %get3A_87 : vector<16xf32>
      %add3A_668 = arith.addf %add3A_657, %mul3A_667 : vector<16xf32>
      %add3A_669 = arith.constant 29 : i32
      %add3A_670 = vector.broadcast %add3A_669 : i32 to vector<16xi32>
      %add3A_671 = arith.addi %select_n3A_310, %add3A_670 : vector<16xi32>
      %gather3A_672 = tpu.vector_load_idx %arg15[%select_n3A_287, %add3A_671] : memref<400x128xf32, #tpu.memory_space<vmem>>[vector<16xi32>, vector<16xi32>], vector<16xf32>,
      %add3A_673 = arith.constant 29 : i32
      %add3A_674 = vector.broadcast %add3A_673 : i32 to vector<16xi32>
      %add3A_675 = arith.addi %select_n3A_350, %add3A_674 : vector<16xi32>
      %gather3A_676 = tpu.vector_load_idx %arg16[%select_n3A_326, %add3A_675] : memref<400x128xf32, #tpu.memory_space<vmem>>[vector<16xi32>, vector<16xi32>], vector<16xf32>,
      %mul3A_677 = arith.mulf %gather3A_672, %gather3A_676 : vector<16xf32>
      %mul3A_678 = arith.mulf %mul3A_677, %get3A_89 : vector<16xf32>
      %add3A_679 = arith.addf %add3A_668, %mul3A_678 : vector<16xf32>
      %add3A_680 = arith.constant 30 : i32
      %add3A_681 = vector.broadcast %add3A_680 : i32 to vector<16xi32>
      %add3A_682 = arith.addi %select_n3A_310, %add3A_681 : vector<16xi32>
      %gather3A_683 = tpu.vector_load_idx %arg15[%select_n3A_287, %add3A_682] : memref<400x128xf32, #tpu.memory_space<vmem>>[vector<16xi32>, vector<16xi32>], vector<16xf32>,
      %add3A_684 = arith.constant 30 : i32
      %add3A_685 = vector.broadcast %add3A_684 : i32 to vector<16xi32>
      %add3A_686 = arith.addi %select_n3A_350, %add3A_685 : vector<16xi32>
      %gather3A_687 = tpu.vector_load_idx %arg16[%select_n3A_326, %add3A_686] : memref<400x128xf32, #tpu.memory_space<vmem>>[vector<16xi32>, vector<16xi32>], vector<16xf32>,
      %mul3A_688 = arith.mulf %gather3A_683, %gather3A_687 : vector<16xf32>
      %mul3A_689 = arith.mulf %mul3A_688, %get3A_91 : vector<16xf32>
      %add3A_690 = arith.addf %add3A_679, %mul3A_689 : vector<16xf32>
      %add3A_691 = arith.constant 31 : i32
      %add3A_692 = vector.broadcast %add3A_691 : i32 to vector<16xi32>
      %add3A_693 = arith.addi %select_n3A_310, %add3A_692 : vector<16xi32>
      %gather3A_694 = tpu.vector_load_idx %arg15[%select_n3A_287, %add3A_693] : memref<400x128xf32, #tpu.memory_space<vmem>>[vector<16xi32>, vector<16xi32>], vector<16xf32>,
      %add3A_695 = arith.constant 31 : i32
      %add3A_696 = vector.broadcast %add3A_695 : i32 to vector<16xi32>
      %add3A_697 = arith.addi %select_n3A_350, %add3A_696 : vector<16xi32>
      %gather3A_698 = tpu.vector_load_idx %arg16[%select_n3A_326, %add3A_697] : memref<400x128xf32, #tpu.memory_space<vmem>>[vector<16xi32>, vector<16xi32>], vector<16xf32>,
      %mul3A_699 = arith.mulf %gather3A_694, %gather3A_698 : vector<16xf32>
      %mul3A_700 = arith.mulf %mul3A_699, %get3A_93 : vector<16xf32>
      %add3A_701 = arith.addf %add3A_690, %mul3A_700 : vector<16xf32>
      %add3A_702 = arith.addf %add3A_701, %get3A_95 : vector<16xf32>
      %neg3A = arith.constant 0.000000e+00 : f32
      %neg3A_703 = vector.broadcast %neg3A : f32 to vector<16xf32>
      %neg3A_704 = arith.subf %neg3A_703, %add3A_702 : vector<16xf32>
      %exp3A = math.exp %neg3A_704 : vector<16xf32>
      %add3A_705 = arith.constant 1.000000e+00 : f32
      %add3A_706 = vector.broadcast %add3A_705 : f32 to vector<16xf32>
      %add3A_707 = arith.addf %add3A_706, %exp3A : vector<16xf32>
      %div3A_708 = arith.constant 1.000000e+00 : f32
      %div3A_709 = vector.broadcast %div3A_708 : f32 to vector<16xf32>
      %div3A_710 = arith.divf %div3A_709, %add3A_707 : vector<16xf32>
      %mul3A_711 = arith.constant 16 : i32
      %mul3A_712 = arith.muli %add3A_236, %mul3A_711 : i32
      %swap3A = arith.index_cast %mul3A_712 : i32 to index
      %swap3A_713 = tpu.vector_load %arg19[%swap3A] {strides = array<i32>} : memref<512xf32, #tpu.memory_space<vmem>>, vector<16xf32>,
      tpu.vector_store %arg19[%swap3A], %div3A_710 {strides = array<i32>} : memref<512xf32, #tpu.memory_space<vmem>>, vector<16xf32>,
    }
    %scan3A_163 = arith.constant 16 : i32
    %dma_start3A_164 = arith.constant 0 : i32
    %dma_start3A_165 = arith.constant 0 : i32
    %dma_start3A_166 = tpu.memref_slice %arg15[%dma_start3A_164, %dma_start3A_165] : memref<400x128xf32, #tpu.memory_space<vmem>> -> memref<128x128xf32, #tpu.memory_space<vmem>>
    %dma_start3A_167 = arith.constant 256 : i32
    %dma_start3A_168 = tpu.memref_slice %arg13[%dma_start3A_167] : memref<512xi32, #tpu.memory_space<vmem>> -> memref<128xi32, #tpu.memory_space<vmem>>
    %dma_start3A_169 = arith.constant 0 : i32
    %dma_start3A_170 = arith.constant 0 : i32
    %dma_start3A_171 = tpu.memref_slice %arg4[%dma_start3A_169, %dma_start3A_170] : memref<249856x128xf32, #tpu.memory_space<hbm>> -> memref<249856x128xf32, #tpu.memory_space<hbm>>
    tpu.enqueue_indirect_dma source(%dma_start3A_171 : memref<249856x128xf32, #tpu.memory_space<hbm>>) target(%dma_start3A_166 : memref<128x128xf32, #tpu.memory_space<vmem>>) offsets(%dma_start3A_168 : memref<128xi32, #tpu.memory_space<vmem>>) semaphore(%arg20 : memref<!tpu.dma_semaphore, #tpu.memory_space<semaphore_mem>>)
    %dma_start3A_172 = arith.constant 0 : i32
    %dma_start3A_173 = arith.constant 0 : i32
    %dma_start3A_174 = tpu.memref_slice %arg16[%dma_start3A_172, %dma_start3A_173] : memref<400x128xf32, #tpu.memory_space<vmem>> -> memref<128x128xf32, #tpu.memory_space<vmem>>
    %dma_start3A_175 = arith.constant 256 : i32
    %dma_start3A_176 = tpu.memref_slice %arg14[%dma_start3A_175] : memref<512xi32, #tpu.memory_space<vmem>> -> memref<128xi32, #tpu.memory_space<vmem>>
    %dma_start3A_177 = arith.constant 0 : i32
    %dma_start3A_178 = arith.constant 0 : i32
    %dma_start3A_179 = tpu.memref_slice %arg5[%dma_start3A_177, %dma_start3A_178] : memref<249856x128xf32, #tpu.memory_space<hbm>> -> memref<249856x128xf32, #tpu.memory_space<hbm>>
    tpu.enqueue_indirect_dma source(%dma_start3A_179 : memref<249856x128xf32, #tpu.memory_space<hbm>>) target(%dma_start3A_174 : memref<128x128xf32, #tpu.memory_space<vmem>>) offsets(%dma_start3A_176 : memref<128xi32, #tpu.memory_space<vmem>>) semaphore(%arg20 : memref<!tpu.dma_semaphore, #tpu.memory_space<semaphore_mem>>)
    %dma_start3A_180 = arith.constant 128 : i32
    %dma_start3A_181 = arith.constant 0 : i32
    %dma_start3A_182 = tpu.memref_slice %arg15[%dma_start3A_180, %dma_start3A_181] : memref<400x128xf32, #tpu.memory_space<vmem>> -> memref<128x128xf32, #tpu.memory_space<vmem>>
    %dma_start3A_183 = arith.constant 384 : i32
    %dma_start3A_184 = tpu.memref_slice %arg13[%dma_start3A_183] : memref<512xi32, #tpu.memory_space<vmem>> -> memref<128xi32, #tpu.memory_space<vmem>>
    %dma_start3A_185 = arith.constant 0 : i32
    %dma_start3A_186 = arith.constant 0 : i32
    %dma_start3A_187 = tpu.memref_slice %arg4[%dma_start3A_185, %dma_start3A_186] : memref<249856x128xf32, #tpu.memory_space<hbm>> -> memref<249856x128xf32, #tpu.memory_space<hbm>>
    tpu.enqueue_indirect_dma source(%dma_start3A_187 : memref<249856x128xf32, #tpu.memory_space<hbm>>) target(%dma_start3A_182 : memref<128x128xf32, #tpu.memory_space<vmem>>) offsets(%dma_start3A_184 : memref<128xi32, #tpu.memory_space<vmem>>) semaphore(%arg20 : memref<!tpu.dma_semaphore, #tpu.memory_space<semaphore_mem>>)
    %dma_start3A_188 = arith.constant 128 : i32
    %dma_start3A_189 = arith.constant 0 : i32
    %dma_start3A_190 = tpu.memref_slice %arg16[%dma_start3A_188, %dma_start3A_189] : memref<400x128xf32, #tpu.memory_space<vmem>> -> memref<128x128xf32, #tpu.memory_space<vmem>>
    %dma_start3A_191 = arith.constant 384 : i32
    %dma_start3A_192 = tpu.memref_slice %arg14[%dma_start3A_191] : memref<512xi32, #tpu.memory_space<vmem>> -> memref<128xi32, #tpu.memory_space<vmem>>
    %dma_start3A_193 = arith.constant 0 : i32
    %dma_start3A_194 = arith.constant 0 : i32
    %dma_start3A_195 = tpu.memref_slice %arg5[%dma_start3A_193, %dma_start3A_194] : memref<249856x128xf32, #tpu.memory_space<hbm>> -> memref<249856x128xf32, #tpu.memory_space<hbm>>
    tpu.enqueue_indirect_dma source(%dma_start3A_195 : memref<249856x128xf32, #tpu.memory_space<hbm>>) target(%dma_start3A_190 : memref<128x128xf32, #tpu.memory_space<vmem>>) offsets(%dma_start3A_192 : memref<128xi32, #tpu.memory_space<vmem>>) semaphore(%arg20 : memref<!tpu.dma_semaphore, #tpu.memory_space<semaphore_mem>>)
    %dma_wait3A_196 = arith.constant 0 : i32
    %dma_wait3A_197 = arith.constant 0 : i32
    %dma_wait3A_198 = tpu.memref_slice %arg15[%dma_wait3A_196, %dma_wait3A_197] : memref<400x128xf32, #tpu.memory_space<vmem>> -> memref<128x128xf32, #tpu.memory_space<vmem>>
    %dma_wait3A_199 = arith.constant 256 : i32
    %dma_wait3A_200 = tpu.memref_slice %arg13[%dma_wait3A_199] : memref<512xi32, #tpu.memory_space<vmem>> -> memref<128xi32, #tpu.memory_space<vmem>>
    %dma_wait3A_201 = arith.constant 0 : i32
    %dma_wait3A_202 = arith.constant 0 : i32
    %dma_wait3A_203 = tpu.memref_slice %arg4[%dma_wait3A_201, %dma_wait3A_202] : memref<249856x128xf32, #tpu.memory_space<hbm>> -> memref<249856x128xf32, #tpu.memory_space<hbm>>
    tpu.wait_indirect_dma semaphore(%arg20 : memref<!tpu.dma_semaphore, #tpu.memory_space<semaphore_mem>>) src(%dma_wait3A_203 : memref<249856x128xf32, #tpu.memory_space<hbm>>) dst(%dma_wait3A_198 : memref<128x128xf32, #tpu.memory_space<vmem>>)
    %dma_wait3A_204 = arith.constant 0 : i32
    %dma_wait3A_205 = arith.constant 0 : i32
    %dma_wait3A_206 = tpu.memref_slice %arg16[%dma_wait3A_204, %dma_wait3A_205] : memref<400x128xf32, #tpu.memory_space<vmem>> -> memref<128x128xf32, #tpu.memory_space<vmem>>
    %dma_wait3A_207 = arith.constant 256 : i32
    %dma_wait3A_208 = tpu.memref_slice %arg14[%dma_wait3A_207] : memref<512xi32, #tpu.memory_space<vmem>> -> memref<128xi32, #tpu.memory_space<vmem>>
    %dma_wait3A_209 = arith.constant 0 : i32
    %dma_wait3A_210 = arith.constant 0 : i32
    %dma_wait3A_211 = tpu.memref_slice %arg5[%dma_wait3A_209, %dma_wait3A_210] : memref<249856x128xf32, #tpu.memory_space<hbm>> -> memref<249856x128xf32, #tpu.memory_space<hbm>>
    tpu.wait_indirect_dma semaphore(%arg20 : memref<!tpu.dma_semaphore, #tpu.memory_space<semaphore_mem>>) src(%dma_wait3A_211 : memref<249856x128xf32, #tpu.memory_space<hbm>>) dst(%dma_wait3A_206 : memref<128x128xf32, #tpu.memory_space<vmem>>)
    %dma_wait3A_212 = arith.constant 128 : i32
    %dma_wait3A_213 = arith.constant 0 : i32
    %dma_wait3A_214 = tpu.memref_slice %arg15[%dma_wait3A_212, %dma_wait3A_213] : memref<400x128xf32, #tpu.memory_space<vmem>> -> memref<128x128xf32, #tpu.memory_space<vmem>>
    %dma_wait3A_215 = arith.constant 384 : i32
    %dma_wait3A_216 = tpu.memref_slice %arg13[%dma_wait3A_215] : memref<512xi32, #tpu.memory_space<vmem>> -> memref<128xi32, #tpu.memory_space<vmem>>
    %dma_wait3A_217 = arith.constant 0 : i32
    %dma_wait3A_218 = arith.constant 0 : i32
    %dma_wait3A_219 = tpu.memref_slice %arg4[%dma_wait3A_217, %dma_wait3A_218] : memref<249856x128xf32, #tpu.memory_space<hbm>> -> memref<249856x128xf32, #tpu.memory_space<hbm>>
    tpu.wait_indirect_dma semaphore(%arg20 : memref<!tpu.dma_semaphore, #tpu.memory_space<semaphore_mem>>) src(%dma_wait3A_219 : memref<249856x128xf32, #tpu.memory_space<hbm>>) dst(%dma_wait3A_214 : memref<128x128xf32, #tpu.memory_space<vmem>>)
    %dma_wait3A_220 = arith.constant 128 : i32
    %dma_wait3A_221 = arith.constant 0 : i32
    %dma_wait3A_222 = tpu.memref_slice %arg16[%dma_wait3A_220, %dma_wait3A_221] : memref<400x128xf32, #tpu.memory_space<vmem>> -> memref<128x128xf32, #tpu.memory_space<vmem>>
    %dma_wait3A_223 = arith.constant 384 : i32
    %dma_wait3A_224 = tpu.memref_slice %arg14[%dma_wait3A_223] : memref<512xi32, #tpu.memory_space<vmem>> -> memref<128xi32, #tpu.memory_space<vmem>>
    %dma_wait3A_225 = arith.constant 0 : i32
    %dma_wait3A_226 = arith.constant 0 : i32
    %dma_wait3A_227 = tpu.memref_slice %arg5[%dma_wait3A_225, %dma_wait3A_226] : memref<249856x128xf32, #tpu.memory_space<hbm>> -> memref<249856x128xf32, #tpu.memory_space<hbm>>
    tpu.wait_indirect_dma semaphore(%arg20 : memref<!tpu.dma_semaphore, #tpu.memory_space<semaphore_mem>>) src(%dma_wait3A_227 : memref<249856x128xf32, #tpu.memory_space<hbm>>) dst(%dma_wait3A_222 : memref<128x128xf32, #tpu.memory_space<vmem>>)
    %scan3A_228 = arith.constant 0 : i32
    %scan3A_229 = arith.constant 0 : i32
    %scan3A_230 = arith.constant 16 : i32
    %scan3A_231 = arith.addi %scan3A_229, %scan3A_230 : i32
    %scan3A_232 = arith.constant 1 : i32
    scf.for %scan3A_234 = %scan3A_229 to %scan3A_231 step %scan3A_232  : i32 {
      %add3A_235 = arith.constant 16 : i32
      %add3A_236 = arith.addi %add3A_235, %scan3A_234 : i32
      %jit3A = arith.constant 8 : i32
      %div3A = arith.divsi %add3A_236, %jit3A : i32
      %sign3A = arith.constant 0 : i32
      %sign3A_237 = arith.cmpi sgt, %add3A_236, %sign3A : i32
      %sign3A_238 = arith.extui %sign3A_237 : i1 to i32
      %sign3A_239 = arith.constant 0 : i32
      %sign3A_240 = arith.cmpi slt, %add3A_236, %sign3A_239 : i32
      %sign3A_241 = arith.extui %sign3A_240 : i1 to i32
      %sign3A_242 = arith.subi %sign3A_238, %sign3A_241 : i32
      %sign3A_243 = arith.constant 0 : i32
      %sign3A_244 = arith.cmpi sgt, %jit3A, %sign3A_243 : i32
      %sign3A_245 = arith.extui %sign3A_244 : i1 to i32
      %sign3A_246 = arith.constant 0 : i32
      %sign3A_247 = arith.cmpi slt, %jit3A, %sign3A_246 : i32
      %sign3A_248 = arith.extui %sign3A_247 : i1 to i32
      %sign3A_249 = arith.subi %sign3A_245, %sign3A_248 : i32
      %ne3A = arith.cmpi ne, %sign3A_242, %sign3A_249 : i32
      %rem3A = arith.remsi %add3A_236, %jit3A : i32
      %ne3A_250 = arith.constant 0 : i32
      %ne3A_251 = arith.cmpi ne, %rem3A, %ne3A_250 : i32
      %and3A = arith.andi %ne3A, %ne3A_251 : i1
      %sub3A = arith.constant 1 : i32
      %sub3A_252 = arith.subi %div3A, %sub3A : i32
      %select_n3A = arith.select %and3A, %sub3A_252, %div3A : i32
      %jit3A_253 = arith.constant 8 : i32
      %eq3A = arith.constant 0 : i32
      %eq3A_254 = arith.cmpi eq, %jit3A_253, %eq3A : i32
      %jit3A_255 = arith.constant 1 : i32
      %select_n3A_256 = arith.select %eq3A_254, %jit3A_255, %jit3A_253 : i32
      %rem3A_257 = arith.remsi %add3A_236, %select_n3A_256 : i32
      %ne3A_258 = arith.constant 0 : i32
      %ne3A_259 = arith.cmpi ne, %rem3A_257, %ne3A_258 : i32
      %lt3A = arith.constant 0 : i32
      %lt3A_260 = arith.cmpi slt, %rem3A_257, %lt3A : i32
      %lt3A_261 = arith.constant 0 : i32
      %lt3A_262 = arith.cmpi slt, %select_n3A_256, %lt3A_261 : i32
      %ne3A_263 = arith.xori %lt3A_260, %lt3A_262 : i1
      %and3A_264 = arith.andi %ne3A_263, %ne3A_259 : i1
      %add3A_265 = arith.addi %rem3A_257, %select_n3A_256 : i32
      %select_n3A_266 = arith.select %and3A_264, %add3A_265, %rem3A_257 : i32
      %mul3A_267 = arith.constant 16 : i32
      %mul3A_268 = arith.muli %select_n3A_266, %mul3A_267 : i32
      %mul3A_269 = arith.constant 16 : i32
      %mul3A_270 = arith.muli %scan3A_234, %mul3A_269 : i32
      %add3A_271 = vector.broadcast %mul3A_270 : i32 to vector<16xi32>
      %add3A_272 = arith.addi %add3A_271, %iota3A : vector<16xi32>
      %broadcast_in_dim3A = arith.constant 0.000000e+00 : f32
      %broadcast_in_dim3A_273 = vector.broadcast %broadcast_in_dim3A : f32 to vector<16xf32>
      %get3A_274 = arith.index_cast %select_n3A : i32 to index
      %get3A_275 = arith.index_cast %mul3A_268 : i32 to index
      %get3A_276 = tpu.vector_load %arg11[%get3A_274, %get3A_275] {strides = array<i32>} : memref<4x128xi32, #tpu.memory_space<vmem>>, vector<16xi32>,
      %ge3A = arith.constant 999424 : i32
      %ge3A_277 = vector.broadcast %ge3A : i32 to vector<16xi32>
      %ge3A_278 = arith.cmpi sge, %get3A_276, %ge3A_277 : vector<16xi32>
      %sub3A_279 = arith.constant 999424 : i32
      %sub3A_280 = vector.broadcast %sub3A_279 : i32 to vector<16xi32>
      %sub3A_281 = arith.subi %get3A_276, %sub3A_280 : vector<16xi32>
      %shift_right_logical3A = arith.constant 2 : i32
      %shift_right_logical3A_282 = vector.broadcast %shift_right_logical3A : i32 to vector<16xi32>
      %shift_right_logical3A_283 = arith.shrui %sub3A_281, %shift_right_logical3A_282 : vector<16xi32>
      %add3A_284 = arith.constant 256 : i32
      %add3A_285 = vector.broadcast %add3A_284 : i32 to vector<16xi32>
      %add3A_286 = arith.addi %add3A_285, %shift_right_logical3A_283 : vector<16xi32>
      %select_n3A_287 = arith.select %ge3A_278, %add3A_286, %add3A_272 : vector<16xi1>, vector<16xi32>
      %and3A_288 = arith.constant 3 : i32
      %and3A_289 = vector.broadcast %and3A_288 : i32 to vector<16xi32>
      %and3A_290 = arith.andi %sub3A_281, %and3A_289 : vector<16xi32>
      %mul3A_291 = arith.constant 32 : i32
      %mul3A_292 = vector.broadcast %mul3A_291 : i32 to vector<16xi32>
      %mul3A_293 = arith.muli %and3A_290, %mul3A_292 : vector<16xi32>
      %ge3A_294 = arith.constant 249856 : i32
      %ge3A_295 = vector.broadcast %ge3A_294 : i32 to vector<16xi32>
      %ge3A_296 = arith.cmpi sge, %get3A_276, %ge3A_295 : vector<16xi32>
      %convert_element_type3A = arith.extui %ge3A_296 : vector<16xi1> to vector<16xi32>
      %ge3A_297 = arith.constant 499712 : i32
      %ge3A_298 = vector.broadcast %ge3A_297 : i32 to vector<16xi32>
      %ge3A_299 = arith.cmpi sge, %get3A_276, %ge3A_298 : vector<16xi32>
      %convert_element_type3A_300 = arith.extui %ge3A_299 : vector<16xi1> to vector<16xi32>
      %add3A_301 = arith.addi %convert_element_type3A, %convert_element_type3A_300 : vector<16xi32>
      %ge3A_302 = arith.constant 749568 : i32
      %ge3A_303 = vector.broadcast %ge3A_302 : i32 to vector<16xi32>
      %ge3A_304 = arith.cmpi sge, %get3A_276, %ge3A_303 : vector<16xi32>
      %convert_element_type3A_305 = arith.extui %ge3A_304 : vector<16xi1> to vector<16xi32>
      %add3A_306 = arith.addi %add3A_301, %convert_element_type3A_305 : vector<16xi32>
      %mul3A_307 = arith.constant 32 : i32
      %mul3A_308 = vector.broadcast %mul3A_307 : i32 to vector<16xi32>
      %mul3A_309 = arith.muli %add3A_306, %mul3A_308 : vector<16xi32>
      %select_n3A_310 = arith.select %ge3A_278, %mul3A_293, %mul3A_309 : vector<16xi1>, vector<16xi32>
      %get3A_311 = arith.index_cast %select_n3A : i32 to index
      %get3A_312 = arith.index_cast %mul3A_268 : i32 to index
      %get3A_313 = tpu.vector_load %arg12[%get3A_311, %get3A_312] {strides = array<i32>} : memref<4x128xi32, #tpu.memory_space<vmem>>, vector<16xi32>,
      %ge3A_314 = arith.constant 999424 : i32
      %ge3A_315 = vector.broadcast %ge3A_314 : i32 to vector<16xi32>
      %ge3A_316 = arith.cmpi sge, %get3A_313, %ge3A_315 : vector<16xi32>
      %sub3A_317 = arith.constant 999424 : i32
      %sub3A_318 = vector.broadcast %sub3A_317 : i32 to vector<16xi32>
      %sub3A_319 = arith.subi %get3A_313, %sub3A_318 : vector<16xi32>
      %shift_right_logical3A_320 = arith.constant 2 : i32
      %shift_right_logical3A_321 = vector.broadcast %shift_right_logical3A_320 : i32 to vector<16xi32>
      %shift_right_logical3A_322 = arith.shrui %sub3A_319, %shift_right_logical3A_321 : vector<16xi32>
      %add3A_323 = arith.constant 256 : i32
      %add3A_324 = vector.broadcast %add3A_323 : i32 to vector<16xi32>
      %add3A_325 = arith.addi %add3A_324, %shift_right_logical3A_322 : vector<16xi32>
      %select_n3A_326 = arith.select %ge3A_316, %add3A_325, %add3A_272 : vector<16xi1>, vector<16xi32>
      %and3A_327 = arith.constant 3 : i32
      %and3A_328 = vector.broadcast %and3A_327 : i32 to vector<16xi32>
      %and3A_329 = arith.andi %sub3A_319, %and3A_328 : vector<16xi32>
      %mul3A_330 = arith.constant 32 : i32
      %mul3A_331 = vector.broadcast %mul3A_330 : i32 to vector<16xi32>
      %mul3A_332 = arith.muli %and3A_329, %mul3A_331 : vector<16xi32>
      %ge3A_333 = arith.constant 249856 : i32
      %ge3A_334 = vector.broadcast %ge3A_333 : i32 to vector<16xi32>
      %ge3A_335 = arith.cmpi sge, %get3A_313, %ge3A_334 : vector<16xi32>
      %convert_element_type3A_336 = arith.extui %ge3A_335 : vector<16xi1> to vector<16xi32>
      %ge3A_337 = arith.constant 499712 : i32
      %ge3A_338 = vector.broadcast %ge3A_337 : i32 to vector<16xi32>
      %ge3A_339 = arith.cmpi sge, %get3A_313, %ge3A_338 : vector<16xi32>
      %convert_element_type3A_340 = arith.extui %ge3A_339 : vector<16xi1> to vector<16xi32>
      %add3A_341 = arith.addi %convert_element_type3A_336, %convert_element_type3A_340 : vector<16xi32>
      %ge3A_342 = arith.constant 749568 : i32
      %ge3A_343 = vector.broadcast %ge3A_342 : i32 to vector<16xi32>
      %ge3A_344 = arith.cmpi sge, %get3A_313, %ge3A_343 : vector<16xi32>
      %convert_element_type3A_345 = arith.extui %ge3A_344 : vector<16xi1> to vector<16xi32>
      %add3A_346 = arith.addi %add3A_341, %convert_element_type3A_345 : vector<16xi32>
      %mul3A_347 = arith.constant 32 : i32
      %mul3A_348 = vector.broadcast %mul3A_347 : i32 to vector<16xi32>
      %mul3A_349 = arith.muli %add3A_346, %mul3A_348 : vector<16xi32>
      %select_n3A_350 = arith.select %ge3A_316, %mul3A_332, %mul3A_349 : vector<16xi1>, vector<16xi32>
      %add3A_351 = arith.constant 0 : i32
      %add3A_352 = vector.broadcast %add3A_351 : i32 to vector<16xi32>
      %add3A_353 = arith.addi %select_n3A_310, %add3A_352 : vector<16xi32>
      %gather3A = tpu.vector_load_idx %arg15[%select_n3A_287, %add3A_353] : memref<400x128xf32, #tpu.memory_space<vmem>>[vector<16xi32>, vector<16xi32>], vector<16xf32>,
      %add3A_354 = arith.constant 0 : i32
      %add3A_355 = vector.broadcast %add3A_354 : i32 to vector<16xi32>
      %add3A_356 = arith.addi %select_n3A_350, %add3A_355 : vector<16xi32>
      %gather3A_357 = tpu.vector_load_idx %arg16[%select_n3A_326, %add3A_356] : memref<400x128xf32, #tpu.memory_space<vmem>>[vector<16xi32>, vector<16xi32>], vector<16xf32>,
      %mul3A_358 = arith.mulf %gather3A, %gather3A_357 : vector<16xf32>
      %mul3A_359 = arith.mulf %mul3A_358, %get3A_31 : vector<16xf32>
      %add3A_360 = arith.addf %broadcast_in_dim3A_273, %mul3A_359 : vector<16xf32>
      %add3A_361 = arith.constant 1 : i32
      %add3A_362 = vector.broadcast %add3A_361 : i32 to vector<16xi32>
      %add3A_363 = arith.addi %select_n3A_310, %add3A_362 : vector<16xi32>
      %gather3A_364 = tpu.vector_load_idx %arg15[%select_n3A_287, %add3A_363] : memref<400x128xf32, #tpu.memory_space<vmem>>[vector<16xi32>, vector<16xi32>], vector<16xf32>,
      %add3A_365 = arith.constant 1 : i32
      %add3A_366 = vector.broadcast %add3A_365 : i32 to vector<16xi32>
      %add3A_367 = arith.addi %select_n3A_350, %add3A_366 : vector<16xi32>
      %gather3A_368 = tpu.vector_load_idx %arg16[%select_n3A_326, %add3A_367] : memref<400x128xf32, #tpu.memory_space<vmem>>[vector<16xi32>, vector<16xi32>], vector<16xf32>,
      %mul3A_369 = arith.mulf %gather3A_364, %gather3A_368 : vector<16xf32>
      %mul3A_370 = arith.mulf %mul3A_369, %get3A_33 : vector<16xf32>
      %add3A_371 = arith.addf %add3A_360, %mul3A_370 : vector<16xf32>
      %add3A_372 = arith.constant 2 : i32
      %add3A_373 = vector.broadcast %add3A_372 : i32 to vector<16xi32>
      %add3A_374 = arith.addi %select_n3A_310, %add3A_373 : vector<16xi32>
      %gather3A_375 = tpu.vector_load_idx %arg15[%select_n3A_287, %add3A_374] : memref<400x128xf32, #tpu.memory_space<vmem>>[vector<16xi32>, vector<16xi32>], vector<16xf32>,
      %add3A_376 = arith.constant 2 : i32
      %add3A_377 = vector.broadcast %add3A_376 : i32 to vector<16xi32>
      %add3A_378 = arith.addi %select_n3A_350, %add3A_377 : vector<16xi32>
      %gather3A_379 = tpu.vector_load_idx %arg16[%select_n3A_326, %add3A_378] : memref<400x128xf32, #tpu.memory_space<vmem>>[vector<16xi32>, vector<16xi32>], vector<16xf32>,
      %mul3A_380 = arith.mulf %gather3A_375, %gather3A_379 : vector<16xf32>
      %mul3A_381 = arith.mulf %mul3A_380, %get3A_35 : vector<16xf32>
      %add3A_382 = arith.addf %add3A_371, %mul3A_381 : vector<16xf32>
      %add3A_383 = arith.constant 3 : i32
      %add3A_384 = vector.broadcast %add3A_383 : i32 to vector<16xi32>
      %add3A_385 = arith.addi %select_n3A_310, %add3A_384 : vector<16xi32>
      %gather3A_386 = tpu.vector_load_idx %arg15[%select_n3A_287, %add3A_385] : memref<400x128xf32, #tpu.memory_space<vmem>>[vector<16xi32>, vector<16xi32>], vector<16xf32>,
      %add3A_387 = arith.constant 3 : i32
      %add3A_388 = vector.broadcast %add3A_387 : i32 to vector<16xi32>
      %add3A_389 = arith.addi %select_n3A_350, %add3A_388 : vector<16xi32>
      %gather3A_390 = tpu.vector_load_idx %arg16[%select_n3A_326, %add3A_389] : memref<400x128xf32, #tpu.memory_space<vmem>>[vector<16xi32>, vector<16xi32>], vector<16xf32>,
      %mul3A_391 = arith.mulf %gather3A_386, %gather3A_390 : vector<16xf32>
      %mul3A_392 = arith.mulf %mul3A_391, %get3A_37 : vector<16xf32>
      %add3A_393 = arith.addf %add3A_382, %mul3A_392 : vector<16xf32>
      %add3A_394 = arith.constant 4 : i32
      %add3A_395 = vector.broadcast %add3A_394 : i32 to vector<16xi32>
      %add3A_396 = arith.addi %select_n3A_310, %add3A_395 : vector<16xi32>
      %gather3A_397 = tpu.vector_load_idx %arg15[%select_n3A_287, %add3A_396] : memref<400x128xf32, #tpu.memory_space<vmem>>[vector<16xi32>, vector<16xi32>], vector<16xf32>,
      %add3A_398 = arith.constant 4 : i32
      %add3A_399 = vector.broadcast %add3A_398 : i32 to vector<16xi32>
      %add3A_400 = arith.addi %select_n3A_350, %add3A_399 : vector<16xi32>
      %gather3A_401 = tpu.vector_load_idx %arg16[%select_n3A_326, %add3A_400] : memref<400x128xf32, #tpu.memory_space<vmem>>[vector<16xi32>, vector<16xi32>], vector<16xf32>,
      %mul3A_402 = arith.mulf %gather3A_397, %gather3A_401 : vector<16xf32>
      %mul3A_403 = arith.mulf %mul3A_402, %get3A_39 : vector<16xf32>
      %add3A_404 = arith.addf %add3A_393, %mul3A_403 : vector<16xf32>
      %add3A_405 = arith.constant 5 : i32
      %add3A_406 = vector.broadcast %add3A_405 : i32 to vector<16xi32>
      %add3A_407 = arith.addi %select_n3A_310, %add3A_406 : vector<16xi32>
      %gather3A_408 = tpu.vector_load_idx %arg15[%select_n3A_287, %add3A_407] : memref<400x128xf32, #tpu.memory_space<vmem>>[vector<16xi32>, vector<16xi32>], vector<16xf32>,
      %add3A_409 = arith.constant 5 : i32
      %add3A_410 = vector.broadcast %add3A_409 : i32 to vector<16xi32>
      %add3A_411 = arith.addi %select_n3A_350, %add3A_410 : vector<16xi32>
      %gather3A_412 = tpu.vector_load_idx %arg16[%select_n3A_326, %add3A_411] : memref<400x128xf32, #tpu.memory_space<vmem>>[vector<16xi32>, vector<16xi32>], vector<16xf32>,
      %mul3A_413 = arith.mulf %gather3A_408, %gather3A_412 : vector<16xf32>
      %mul3A_414 = arith.mulf %mul3A_413, %get3A_41 : vector<16xf32>
      %add3A_415 = arith.addf %add3A_404, %mul3A_414 : vector<16xf32>
      %add3A_416 = arith.constant 6 : i32
      %add3A_417 = vector.broadcast %add3A_416 : i32 to vector<16xi32>
      %add3A_418 = arith.addi %select_n3A_310, %add3A_417 : vector<16xi32>
      %gather3A_419 = tpu.vector_load_idx %arg15[%select_n3A_287, %add3A_418] : memref<400x128xf32, #tpu.memory_space<vmem>>[vector<16xi32>, vector<16xi32>], vector<16xf32>,
      %add3A_420 = arith.constant 6 : i32
      %add3A_421 = vector.broadcast %add3A_420 : i32 to vector<16xi32>
      %add3A_422 = arith.addi %select_n3A_350, %add3A_421 : vector<16xi32>
      %gather3A_423 = tpu.vector_load_idx %arg16[%select_n3A_326, %add3A_422] : memref<400x128xf32, #tpu.memory_space<vmem>>[vector<16xi32>, vector<16xi32>], vector<16xf32>,
      %mul3A_424 = arith.mulf %gather3A_419, %gather3A_423 : vector<16xf32>
      %mul3A_425 = arith.mulf %mul3A_424, %get3A_43 : vector<16xf32>
      %add3A_426 = arith.addf %add3A_415, %mul3A_425 : vector<16xf32>
      %add3A_427 = arith.constant 7 : i32
      %add3A_428 = vector.broadcast %add3A_427 : i32 to vector<16xi32>
      %add3A_429 = arith.addi %select_n3A_310, %add3A_428 : vector<16xi32>
      %gather3A_430 = tpu.vector_load_idx %arg15[%select_n3A_287, %add3A_429] : memref<400x128xf32, #tpu.memory_space<vmem>>[vector<16xi32>, vector<16xi32>], vector<16xf32>,
      %add3A_431 = arith.constant 7 : i32
      %add3A_432 = vector.broadcast %add3A_431 : i32 to vector<16xi32>
      %add3A_433 = arith.addi %select_n3A_350, %add3A_432 : vector<16xi32>
      %gather3A_434 = tpu.vector_load_idx %arg16[%select_n3A_326, %add3A_433] : memref<400x128xf32, #tpu.memory_space<vmem>>[vector<16xi32>, vector<16xi32>], vector<16xf32>,
      %mul3A_435 = arith.mulf %gather3A_430, %gather3A_434 : vector<16xf32>
      %mul3A_436 = arith.mulf %mul3A_435, %get3A_45 : vector<16xf32>
      %add3A_437 = arith.addf %add3A_426, %mul3A_436 : vector<16xf32>
      %add3A_438 = arith.constant 8 : i32
      %add3A_439 = vector.broadcast %add3A_438 : i32 to vector<16xi32>
      %add3A_440 = arith.addi %select_n3A_310, %add3A_439 : vector<16xi32>
      %gather3A_441 = tpu.vector_load_idx %arg15[%select_n3A_287, %add3A_440] : memref<400x128xf32, #tpu.memory_space<vmem>>[vector<16xi32>, vector<16xi32>], vector<16xf32>,
      %add3A_442 = arith.constant 8 : i32
      %add3A_443 = vector.broadcast %add3A_442 : i32 to vector<16xi32>
      %add3A_444 = arith.addi %select_n3A_350, %add3A_443 : vector<16xi32>
      %gather3A_445 = tpu.vector_load_idx %arg16[%select_n3A_326, %add3A_444] : memref<400x128xf32, #tpu.memory_space<vmem>>[vector<16xi32>, vector<16xi32>], vector<16xf32>,
      %mul3A_446 = arith.mulf %gather3A_441, %gather3A_445 : vector<16xf32>
      %mul3A_447 = arith.mulf %mul3A_446, %get3A_47 : vector<16xf32>
      %add3A_448 = arith.addf %add3A_437, %mul3A_447 : vector<16xf32>
      %add3A_449 = arith.constant 9 : i32
      %add3A_450 = vector.broadcast %add3A_449 : i32 to vector<16xi32>
      %add3A_451 = arith.addi %select_n3A_310, %add3A_450 : vector<16xi32>
      %gather3A_452 = tpu.vector_load_idx %arg15[%select_n3A_287, %add3A_451] : memref<400x128xf32, #tpu.memory_space<vmem>>[vector<16xi32>, vector<16xi32>], vector<16xf32>,
      %add3A_453 = arith.constant 9 : i32
      %add3A_454 = vector.broadcast %add3A_453 : i32 to vector<16xi32>
      %add3A_455 = arith.addi %select_n3A_350, %add3A_454 : vector<16xi32>
      %gather3A_456 = tpu.vector_load_idx %arg16[%select_n3A_326, %add3A_455] : memref<400x128xf32, #tpu.memory_space<vmem>>[vector<16xi32>, vector<16xi32>], vector<16xf32>,
      %mul3A_457 = arith.mulf %gather3A_452, %gather3A_456 : vector<16xf32>
      %mul3A_458 = arith.mulf %mul3A_457, %get3A_49 : vector<16xf32>
      %add3A_459 = arith.addf %add3A_448, %mul3A_458 : vector<16xf32>
      %add3A_460 = arith.constant 10 : i32
      %add3A_461 = vector.broadcast %add3A_460 : i32 to vector<16xi32>
      %add3A_462 = arith.addi %select_n3A_310, %add3A_461 : vector<16xi32>
      %gather3A_463 = tpu.vector_load_idx %arg15[%select_n3A_287, %add3A_462] : memref<400x128xf32, #tpu.memory_space<vmem>>[vector<16xi32>, vector<16xi32>], vector<16xf32>,
      %add3A_464 = arith.constant 10 : i32
      %add3A_465 = vector.broadcast %add3A_464 : i32 to vector<16xi32>
      %add3A_466 = arith.addi %select_n3A_350, %add3A_465 : vector<16xi32>
      %gather3A_467 = tpu.vector_load_idx %arg16[%select_n3A_326, %add3A_466] : memref<400x128xf32, #tpu.memory_space<vmem>>[vector<16xi32>, vector<16xi32>], vector<16xf32>,
      %mul3A_468 = arith.mulf %gather3A_463, %gather3A_467 : vector<16xf32>
      %mul3A_469 = arith.mulf %mul3A_468, %get3A_51 : vector<16xf32>
      %add3A_470 = arith.addf %add3A_459, %mul3A_469 : vector<16xf32>
      %add3A_471 = arith.constant 11 : i32
      %add3A_472 = vector.broadcast %add3A_471 : i32 to vector<16xi32>
      %add3A_473 = arith.addi %select_n3A_310, %add3A_472 : vector<16xi32>
      %gather3A_474 = tpu.vector_load_idx %arg15[%select_n3A_287, %add3A_473] : memref<400x128xf32, #tpu.memory_space<vmem>>[vector<16xi32>, vector<16xi32>], vector<16xf32>,
      %add3A_475 = arith.constant 11 : i32
      %add3A_476 = vector.broadcast %add3A_475 : i32 to vector<16xi32>
      %add3A_477 = arith.addi %select_n3A_350, %add3A_476 : vector<16xi32>
      %gather3A_478 = tpu.vector_load_idx %arg16[%select_n3A_326, %add3A_477] : memref<400x128xf32, #tpu.memory_space<vmem>>[vector<16xi32>, vector<16xi32>], vector<16xf32>,
      %mul3A_479 = arith.mulf %gather3A_474, %gather3A_478 : vector<16xf32>
      %mul3A_480 = arith.mulf %mul3A_479, %get3A_53 : vector<16xf32>
      %add3A_481 = arith.addf %add3A_470, %mul3A_480 : vector<16xf32>
      %add3A_482 = arith.constant 12 : i32
      %add3A_483 = vector.broadcast %add3A_482 : i32 to vector<16xi32>
      %add3A_484 = arith.addi %select_n3A_310, %add3A_483 : vector<16xi32>
      %gather3A_485 = tpu.vector_load_idx %arg15[%select_n3A_287, %add3A_484] : memref<400x128xf32, #tpu.memory_space<vmem>>[vector<16xi32>, vector<16xi32>], vector<16xf32>,
      %add3A_486 = arith.constant 12 : i32
      %add3A_487 = vector.broadcast %add3A_486 : i32 to vector<16xi32>
      %add3A_488 = arith.addi %select_n3A_350, %add3A_487 : vector<16xi32>
      %gather3A_489 = tpu.vector_load_idx %arg16[%select_n3A_326, %add3A_488] : memref<400x128xf32, #tpu.memory_space<vmem>>[vector<16xi32>, vector<16xi32>], vector<16xf32>,
      %mul3A_490 = arith.mulf %gather3A_485, %gather3A_489 : vector<16xf32>
      %mul3A_491 = arith.mulf %mul3A_490, %get3A_55 : vector<16xf32>
      %add3A_492 = arith.addf %add3A_481, %mul3A_491 : vector<16xf32>
      %add3A_493 = arith.constant 13 : i32
      %add3A_494 = vector.broadcast %add3A_493 : i32 to vector<16xi32>
      %add3A_495 = arith.addi %select_n3A_310, %add3A_494 : vector<16xi32>
      %gather3A_496 = tpu.vector_load_idx %arg15[%select_n3A_287, %add3A_495] : memref<400x128xf32, #tpu.memory_space<vmem>>[vector<16xi32>, vector<16xi32>], vector<16xf32>,
      %add3A_497 = arith.constant 13 : i32
      %add3A_498 = vector.broadcast %add3A_497 : i32 to vector<16xi32>
      %add3A_499 = arith.addi %select_n3A_350, %add3A_498 : vector<16xi32>
      %gather3A_500 = tpu.vector_load_idx %arg16[%select_n3A_326, %add3A_499] : memref<400x128xf32, #tpu.memory_space<vmem>>[vector<16xi32>, vector<16xi32>], vector<16xf32>,
      %mul3A_501 = arith.mulf %gather3A_496, %gather3A_500 : vector<16xf32>
      %mul3A_502 = arith.mulf %mul3A_501, %get3A_57 : vector<16xf32>
      %add3A_503 = arith.addf %add3A_492, %mul3A_502 : vector<16xf32>
      %add3A_504 = arith.constant 14 : i32
      %add3A_505 = vector.broadcast %add3A_504 : i32 to vector<16xi32>
      %add3A_506 = arith.addi %select_n3A_310, %add3A_505 : vector<16xi32>
      %gather3A_507 = tpu.vector_load_idx %arg15[%select_n3A_287, %add3A_506] : memref<400x128xf32, #tpu.memory_space<vmem>>[vector<16xi32>, vector<16xi32>], vector<16xf32>,
      %add3A_508 = arith.constant 14 : i32
      %add3A_509 = vector.broadcast %add3A_508 : i32 to vector<16xi32>
      %add3A_510 = arith.addi %select_n3A_350, %add3A_509 : vector<16xi32>
      %gather3A_511 = tpu.vector_load_idx %arg16[%select_n3A_326, %add3A_510] : memref<400x128xf32, #tpu.memory_space<vmem>>[vector<16xi32>, vector<16xi32>], vector<16xf32>,
      %mul3A_512 = arith.mulf %gather3A_507, %gather3A_511 : vector<16xf32>
      %mul3A_513 = arith.mulf %mul3A_512, %get3A_59 : vector<16xf32>
      %add3A_514 = arith.addf %add3A_503, %mul3A_513 : vector<16xf32>
      %add3A_515 = arith.constant 15 : i32
      %add3A_516 = vector.broadcast %add3A_515 : i32 to vector<16xi32>
      %add3A_517 = arith.addi %select_n3A_310, %add3A_516 : vector<16xi32>
      %gather3A_518 = tpu.vector_load_idx %arg15[%select_n3A_287, %add3A_517] : memref<400x128xf32, #tpu.memory_space<vmem>>[vector<16xi32>, vector<16xi32>], vector<16xf32>,
      %add3A_519 = arith.constant 15 : i32
      %add3A_520 = vector.broadcast %add3A_519 : i32 to vector<16xi32>
      %add3A_521 = arith.addi %select_n3A_350, %add3A_520 : vector<16xi32>
      %gather3A_522 = tpu.vector_load_idx %arg16[%select_n3A_326, %add3A_521] : memref<400x128xf32, #tpu.memory_space<vmem>>[vector<16xi32>, vector<16xi32>], vector<16xf32>,
      %mul3A_523 = arith.mulf %gather3A_518, %gather3A_522 : vector<16xf32>
      %mul3A_524 = arith.mulf %mul3A_523, %get3A_61 : vector<16xf32>
      %add3A_525 = arith.addf %add3A_514, %mul3A_524 : vector<16xf32>
      %add3A_526 = arith.constant 16 : i32
      %add3A_527 = vector.broadcast %add3A_526 : i32 to vector<16xi32>
      %add3A_528 = arith.addi %select_n3A_310, %add3A_527 : vector<16xi32>
      %gather3A_529 = tpu.vector_load_idx %arg15[%select_n3A_287, %add3A_528] : memref<400x128xf32, #tpu.memory_space<vmem>>[vector<16xi32>, vector<16xi32>], vector<16xf32>,
      %add3A_530 = arith.constant 16 : i32
      %add3A_531 = vector.broadcast %add3A_530 : i32 to vector<16xi32>
      %add3A_532 = arith.addi %select_n3A_350, %add3A_531 : vector<16xi32>
      %gather3A_533 = tpu.vector_load_idx %arg16[%select_n3A_326, %add3A_532] : memref<400x128xf32, #tpu.memory_space<vmem>>[vector<16xi32>, vector<16xi32>], vector<16xf32>,
      %mul3A_534 = arith.mulf %gather3A_529, %gather3A_533 : vector<16xf32>
      %mul3A_535 = arith.mulf %mul3A_534, %get3A_63 : vector<16xf32>
      %add3A_536 = arith.addf %add3A_525, %mul3A_535 : vector<16xf32>
      %add3A_537 = arith.constant 17 : i32
      %add3A_538 = vector.broadcast %add3A_537 : i32 to vector<16xi32>
      %add3A_539 = arith.addi %select_n3A_310, %add3A_538 : vector<16xi32>
      %gather3A_540 = tpu.vector_load_idx %arg15[%select_n3A_287, %add3A_539] : memref<400x128xf32, #tpu.memory_space<vmem>>[vector<16xi32>, vector<16xi32>], vector<16xf32>,
      %add3A_541 = arith.constant 17 : i32
      %add3A_542 = vector.broadcast %add3A_541 : i32 to vector<16xi32>
      %add3A_543 = arith.addi %select_n3A_350, %add3A_542 : vector<16xi32>
      %gather3A_544 = tpu.vector_load_idx %arg16[%select_n3A_326, %add3A_543] : memref<400x128xf32, #tpu.memory_space<vmem>>[vector<16xi32>, vector<16xi32>], vector<16xf32>,
      %mul3A_545 = arith.mulf %gather3A_540, %gather3A_544 : vector<16xf32>
      %mul3A_546 = arith.mulf %mul3A_545, %get3A_65 : vector<16xf32>
      %add3A_547 = arith.addf %add3A_536, %mul3A_546 : vector<16xf32>
      %add3A_548 = arith.constant 18 : i32
      %add3A_549 = vector.broadcast %add3A_548 : i32 to vector<16xi32>
      %add3A_550 = arith.addi %select_n3A_310, %add3A_549 : vector<16xi32>
      %gather3A_551 = tpu.vector_load_idx %arg15[%select_n3A_287, %add3A_550] : memref<400x128xf32, #tpu.memory_space<vmem>>[vector<16xi32>, vector<16xi32>], vector<16xf32>,
      %add3A_552 = arith.constant 18 : i32
      %add3A_553 = vector.broadcast %add3A_552 : i32 to vector<16xi32>
      %add3A_554 = arith.addi %select_n3A_350, %add3A_553 : vector<16xi32>
      %gather3A_555 = tpu.vector_load_idx %arg16[%select_n3A_326, %add3A_554] : memref<400x128xf32, #tpu.memory_space<vmem>>[vector<16xi32>, vector<16xi32>], vector<16xf32>,
      %mul3A_556 = arith.mulf %gather3A_551, %gather3A_555 : vector<16xf32>
      %mul3A_557 = arith.mulf %mul3A_556, %get3A_67 : vector<16xf32>
      %add3A_558 = arith.addf %add3A_547, %mul3A_557 : vector<16xf32>
      %add3A_559 = arith.constant 19 : i32
      %add3A_560 = vector.broadcast %add3A_559 : i32 to vector<16xi32>
      %add3A_561 = arith.addi %select_n3A_310, %add3A_560 : vector<16xi32>
      %gather3A_562 = tpu.vector_load_idx %arg15[%select_n3A_287, %add3A_561] : memref<400x128xf32, #tpu.memory_space<vmem>>[vector<16xi32>, vector<16xi32>], vector<16xf32>,
      %add3A_563 = arith.constant 19 : i32
      %add3A_564 = vector.broadcast %add3A_563 : i32 to vector<16xi32>
      %add3A_565 = arith.addi %select_n3A_350, %add3A_564 : vector<16xi32>
      %gather3A_566 = tpu.vector_load_idx %arg16[%select_n3A_326, %add3A_565] : memref<400x128xf32, #tpu.memory_space<vmem>>[vector<16xi32>, vector<16xi32>], vector<16xf32>,
      %mul3A_567 = arith.mulf %gather3A_562, %gather3A_566 : vector<16xf32>
      %mul3A_568 = arith.mulf %mul3A_567, %get3A_69 : vector<16xf32>
      %add3A_569 = arith.addf %add3A_558, %mul3A_568 : vector<16xf32>
      %add3A_570 = arith.constant 20 : i32
      %add3A_571 = vector.broadcast %add3A_570 : i32 to vector<16xi32>
      %add3A_572 = arith.addi %select_n3A_310, %add3A_571 : vector<16xi32>
      %gather3A_573 = tpu.vector_load_idx %arg15[%select_n3A_287, %add3A_572] : memref<400x128xf32, #tpu.memory_space<vmem>>[vector<16xi32>, vector<16xi32>], vector<16xf32>,
      %add3A_574 = arith.constant 20 : i32
      %add3A_575 = vector.broadcast %add3A_574 : i32 to vector<16xi32>
      %add3A_576 = arith.addi %select_n3A_350, %add3A_575 : vector<16xi32>
      %gather3A_577 = tpu.vector_load_idx %arg16[%select_n3A_326, %add3A_576] : memref<400x128xf32, #tpu.memory_space<vmem>>[vector<16xi32>, vector<16xi32>], vector<16xf32>,
      %mul3A_578 = arith.mulf %gather3A_573, %gather3A_577 : vector<16xf32>
      %mul3A_579 = arith.mulf %mul3A_578, %get3A_71 : vector<16xf32>
      %add3A_580 = arith.addf %add3A_569, %mul3A_579 : vector<16xf32>
      %add3A_581 = arith.constant 21 : i32
      %add3A_582 = vector.broadcast %add3A_581 : i32 to vector<16xi32>
      %add3A_583 = arith.addi %select_n3A_310, %add3A_582 : vector<16xi32>
      %gather3A_584 = tpu.vector_load_idx %arg15[%select_n3A_287, %add3A_583] : memref<400x128xf32, #tpu.memory_space<vmem>>[vector<16xi32>, vector<16xi32>], vector<16xf32>,
      %add3A_585 = arith.constant 21 : i32
      %add3A_586 = vector.broadcast %add3A_585 : i32 to vector<16xi32>
      %add3A_587 = arith.addi %select_n3A_350, %add3A_586 : vector<16xi32>
      %gather3A_588 = tpu.vector_load_idx %arg16[%select_n3A_326, %add3A_587] : memref<400x128xf32, #tpu.memory_space<vmem>>[vector<16xi32>, vector<16xi32>], vector<16xf32>,
      %mul3A_589 = arith.mulf %gather3A_584, %gather3A_588 : vector<16xf32>
      %mul3A_590 = arith.mulf %mul3A_589, %get3A_73 : vector<16xf32>
      %add3A_591 = arith.addf %add3A_580, %mul3A_590 : vector<16xf32>
      %add3A_592 = arith.constant 22 : i32
      %add3A_593 = vector.broadcast %add3A_592 : i32 to vector<16xi32>
      %add3A_594 = arith.addi %select_n3A_310, %add3A_593 : vector<16xi32>
      %gather3A_595 = tpu.vector_load_idx %arg15[%select_n3A_287, %add3A_594] : memref<400x128xf32, #tpu.memory_space<vmem>>[vector<16xi32>, vector<16xi32>], vector<16xf32>,
      %add3A_596 = arith.constant 22 : i32
      %add3A_597 = vector.broadcast %add3A_596 : i32 to vector<16xi32>
      %add3A_598 = arith.addi %select_n3A_350, %add3A_597 : vector<16xi32>
      %gather3A_599 = tpu.vector_load_idx %arg16[%select_n3A_326, %add3A_598] : memref<400x128xf32, #tpu.memory_space<vmem>>[vector<16xi32>, vector<16xi32>], vector<16xf32>,
      %mul3A_600 = arith.mulf %gather3A_595, %gather3A_599 : vector<16xf32>
      %mul3A_601 = arith.mulf %mul3A_600, %get3A_75 : vector<16xf32>
      %add3A_602 = arith.addf %add3A_591, %mul3A_601 : vector<16xf32>
      %add3A_603 = arith.constant 23 : i32
      %add3A_604 = vector.broadcast %add3A_603 : i32 to vector<16xi32>
      %add3A_605 = arith.addi %select_n3A_310, %add3A_604 : vector<16xi32>
      %gather3A_606 = tpu.vector_load_idx %arg15[%select_n3A_287, %add3A_605] : memref<400x128xf32, #tpu.memory_space<vmem>>[vector<16xi32>, vector<16xi32>], vector<16xf32>,
      %add3A_607 = arith.constant 23 : i32
      %add3A_608 = vector.broadcast %add3A_607 : i32 to vector<16xi32>
      %add3A_609 = arith.addi %select_n3A_350, %add3A_608 : vector<16xi32>
      %gather3A_610 = tpu.vector_load_idx %arg16[%select_n3A_326, %add3A_609] : memref<400x128xf32, #tpu.memory_space<vmem>>[vector<16xi32>, vector<16xi32>], vector<16xf32>,
      %mul3A_611 = arith.mulf %gather3A_606, %gather3A_610 : vector<16xf32>
      %mul3A_612 = arith.mulf %mul3A_611, %get3A_77 : vector<16xf32>
      %add3A_613 = arith.addf %add3A_602, %mul3A_612 : vector<16xf32>
      %add3A_614 = arith.constant 24 : i32
      %add3A_615 = vector.broadcast %add3A_614 : i32 to vector<16xi32>
      %add3A_616 = arith.addi %select_n3A_310, %add3A_615 : vector<16xi32>
      %gather3A_617 = tpu.vector_load_idx %arg15[%select_n3A_287, %add3A_616] : memref<400x128xf32, #tpu.memory_space<vmem>>[vector<16xi32>, vector<16xi32>], vector<16xf32>,
      %add3A_618 = arith.constant 24 : i32
      %add3A_619 = vector.broadcast %add3A_618 : i32 to vector<16xi32>
      %add3A_620 = arith.addi %select_n3A_350, %add3A_619 : vector<16xi32>
      %gather3A_621 = tpu.vector_load_idx %arg16[%select_n3A_326, %add3A_620] : memref<400x128xf32, #tpu.memory_space<vmem>>[vector<16xi32>, vector<16xi32>], vector<16xf32>,
      %mul3A_622 = arith.mulf %gather3A_617, %gather3A_621 : vector<16xf32>
      %mul3A_623 = arith.mulf %mul3A_622, %get3A_79 : vector<16xf32>
      %add3A_624 = arith.addf %add3A_613, %mul3A_623 : vector<16xf32>
      %add3A_625 = arith.constant 25 : i32
      %add3A_626 = vector.broadcast %add3A_625 : i32 to vector<16xi32>
      %add3A_627 = arith.addi %select_n3A_310, %add3A_626 : vector<16xi32>
      %gather3A_628 = tpu.vector_load_idx %arg15[%select_n3A_287, %add3A_627] : memref<400x128xf32, #tpu.memory_space<vmem>>[vector<16xi32>, vector<16xi32>], vector<16xf32>,
      %add3A_629 = arith.constant 25 : i32
      %add3A_630 = vector.broadcast %add3A_629 : i32 to vector<16xi32>
      %add3A_631 = arith.addi %select_n3A_350, %add3A_630 : vector<16xi32>
      %gather3A_632 = tpu.vector_load_idx %arg16[%select_n3A_326, %add3A_631] : memref<400x128xf32, #tpu.memory_space<vmem>>[vector<16xi32>, vector<16xi32>], vector<16xf32>,
      %mul3A_633 = arith.mulf %gather3A_628, %gather3A_632 : vector<16xf32>
      %mul3A_634 = arith.mulf %mul3A_633, %get3A_81 : vector<16xf32>
      %add3A_635 = arith.addf %add3A_624, %mul3A_634 : vector<16xf32>
      %add3A_636 = arith.constant 26 : i32
      %add3A_637 = vector.broadcast %add3A_636 : i32 to vector<16xi32>
      %add3A_638 = arith.addi %select_n3A_310, %add3A_637 : vector<16xi32>
      %gather3A_639 = tpu.vector_load_idx %arg15[%select_n3A_287, %add3A_638] : memref<400x128xf32, #tpu.memory_space<vmem>>[vector<16xi32>, vector<16xi32>], vector<16xf32>,
      %add3A_640 = arith.constant 26 : i32
      %add3A_641 = vector.broadcast %add3A_640 : i32 to vector<16xi32>
      %add3A_642 = arith.addi %select_n3A_350, %add3A_641 : vector<16xi32>
      %gather3A_643 = tpu.vector_load_idx %arg16[%select_n3A_326, %add3A_642] : memref<400x128xf32, #tpu.memory_space<vmem>>[vector<16xi32>, vector<16xi32>], vector<16xf32>,
      %mul3A_644 = arith.mulf %gather3A_639, %gather3A_643 : vector<16xf32>
      %mul3A_645 = arith.mulf %mul3A_644, %get3A_83 : vector<16xf32>
      %add3A_646 = arith.addf %add3A_635, %mul3A_645 : vector<16xf32>
      %add3A_647 = arith.constant 27 : i32
      %add3A_648 = vector.broadcast %add3A_647 : i32 to vector<16xi32>
      %add3A_649 = arith.addi %select_n3A_310, %add3A_648 : vector<16xi32>
      %gather3A_650 = tpu.vector_load_idx %arg15[%select_n3A_287, %add3A_649] : memref<400x128xf32, #tpu.memory_space<vmem>>[vector<16xi32>, vector<16xi32>], vector<16xf32>,
      %add3A_651 = arith.constant 27 : i32
      %add3A_652 = vector.broadcast %add3A_651 : i32 to vector<16xi32>
      %add3A_653 = arith.addi %select_n3A_350, %add3A_652 : vector<16xi32>
      %gather3A_654 = tpu.vector_load_idx %arg16[%select_n3A_326, %add3A_653] : memref<400x128xf32, #tpu.memory_space<vmem>>[vector<16xi32>, vector<16xi32>], vector<16xf32>,
      %mul3A_655 = arith.mulf %gather3A_650, %gather3A_654 : vector<16xf32>
      %mul3A_656 = arith.mulf %mul3A_655, %get3A_85 : vector<16xf32>
      %add3A_657 = arith.addf %add3A_646, %mul3A_656 : vector<16xf32>
      %add3A_658 = arith.constant 28 : i32
      %add3A_659 = vector.broadcast %add3A_658 : i32 to vector<16xi32>
      %add3A_660 = arith.addi %select_n3A_310, %add3A_659 : vector<16xi32>
      %gather3A_661 = tpu.vector_load_idx %arg15[%select_n3A_287, %add3A_660] : memref<400x128xf32, #tpu.memory_space<vmem>>[vector<16xi32>, vector<16xi32>], vector<16xf32>,
      %add3A_662 = arith.constant 28 : i32
      %add3A_663 = vector.broadcast %add3A_662 : i32 to vector<16xi32>
      %add3A_664 = arith.addi %select_n3A_350, %add3A_663 : vector<16xi32>
      %gather3A_665 = tpu.vector_load_idx %arg16[%select_n3A_326, %add3A_664] : memref<400x128xf32, #tpu.memory_space<vmem>>[vector<16xi32>, vector<16xi32>], vector<16xf32>,
      %mul3A_666 = arith.mulf %gather3A_661, %gather3A_665 : vector<16xf32>
      %mul3A_667 = arith.mulf %mul3A_666, %get3A_87 : vector<16xf32>
      %add3A_668 = arith.addf %add3A_657, %mul3A_667 : vector<16xf32>
      %add3A_669 = arith.constant 29 : i32
      %add3A_670 = vector.broadcast %add3A_669 : i32 to vector<16xi32>
      %add3A_671 = arith.addi %select_n3A_310, %add3A_670 : vector<16xi32>
      %gather3A_672 = tpu.vector_load_idx %arg15[%select_n3A_287, %add3A_671] : memref<400x128xf32, #tpu.memory_space<vmem>>[vector<16xi32>, vector<16xi32>], vector<16xf32>,
      %add3A_673 = arith.constant 29 : i32
      %add3A_674 = vector.broadcast %add3A_673 : i32 to vector<16xi32>
      %add3A_675 = arith.addi %select_n3A_350, %add3A_674 : vector<16xi32>
      %gather3A_676 = tpu.vector_load_idx %arg16[%select_n3A_326, %add3A_675] : memref<400x128xf32, #tpu.memory_space<vmem>>[vector<16xi32>, vector<16xi32>], vector<16xf32>,
      %mul3A_677 = arith.mulf %gather3A_672, %gather3A_676 : vector<16xf32>
      %mul3A_678 = arith.mulf %mul3A_677, %get3A_89 : vector<16xf32>
      %add3A_679 = arith.addf %add3A_668, %mul3A_678 : vector<16xf32>
      %add3A_680 = arith.constant 30 : i32
      %add3A_681 = vector.broadcast %add3A_680 : i32 to vector<16xi32>
      %add3A_682 = arith.addi %select_n3A_310, %add3A_681 : vector<16xi32>
      %gather3A_683 = tpu.vector_load_idx %arg15[%select_n3A_287, %add3A_682] : memref<400x128xf32, #tpu.memory_space<vmem>>[vector<16xi32>, vector<16xi32>], vector<16xf32>,
      %add3A_684 = arith.constant 30 : i32
      %add3A_685 = vector.broadcast %add3A_684 : i32 to vector<16xi32>
      %add3A_686 = arith.addi %select_n3A_350, %add3A_685 : vector<16xi32>
      %gather3A_687 = tpu.vector_load_idx %arg16[%select_n3A_326, %add3A_686] : memref<400x128xf32, #tpu.memory_space<vmem>>[vector<16xi32>, vector<16xi32>], vector<16xf32>,
      %mul3A_688 = arith.mulf %gather3A_683, %gather3A_687 : vector<16xf32>
      %mul3A_689 = arith.mulf %mul3A_688, %get3A_91 : vector<16xf32>
      %add3A_690 = arith.addf %add3A_679, %mul3A_689 : vector<16xf32>
      %add3A_691 = arith.constant 31 : i32
      %add3A_692 = vector.broadcast %add3A_691 : i32 to vector<16xi32>
      %add3A_693 = arith.addi %select_n3A_310, %add3A_692 : vector<16xi32>
      %gather3A_694 = tpu.vector_load_idx %arg15[%select_n3A_287, %add3A_693] : memref<400x128xf32, #tpu.memory_space<vmem>>[vector<16xi32>, vector<16xi32>], vector<16xf32>,
      %add3A_695 = arith.constant 31 : i32
      %add3A_696 = vector.broadcast %add3A_695 : i32 to vector<16xi32>
      %add3A_697 = arith.addi %select_n3A_350, %add3A_696 : vector<16xi32>
      %gather3A_698 = tpu.vector_load_idx %arg16[%select_n3A_326, %add3A_697] : memref<400x128xf32, #tpu.memory_space<vmem>>[vector<16xi32>, vector<16xi32>], vector<16xf32>,
      %mul3A_699 = arith.mulf %gather3A_694, %gather3A_698 : vector<16xf32>
      %mul3A_700 = arith.mulf %mul3A_699, %get3A_93 : vector<16xf32>
      %add3A_701 = arith.addf %add3A_690, %mul3A_700 : vector<16xf32>
      %add3A_702 = arith.addf %add3A_701, %get3A_95 : vector<16xf32>
      %neg3A = arith.constant 0.000000e+00 : f32
      %neg3A_703 = vector.broadcast %neg3A : f32 to vector<16xf32>
      %neg3A_704 = arith.subf %neg3A_703, %add3A_702 : vector<16xf32>
      %exp3A = math.exp %neg3A_704 : vector<16xf32>
      %add3A_705 = arith.constant 1.000000e+00 : f32
      %add3A_706 = vector.broadcast %add3A_705 : f32 to vector<16xf32>
      %add3A_707 = arith.addf %add3A_706, %exp3A : vector<16xf32>
      %div3A_708 = arith.constant 1.000000e+00 : f32
      %div3A_709 = vector.broadcast %div3A_708 : f32 to vector<16xf32>
      %div3A_710 = arith.divf %div3A_709, %add3A_707 : vector<16xf32>
      %mul3A_711 = arith.constant 16 : i32
      %mul3A_712 = arith.muli %add3A_236, %mul3A_711 : i32
      %swap3A = arith.index_cast %mul3A_712 : i32 to index
      %swap3A_713 = tpu.vector_load %arg19[%swap3A] {strides = array<i32>} : memref<512xf32, #tpu.memory_space<vmem>>, vector<16xf32>,
      tpu.vector_store %arg19[%swap3A], %div3A_710 {strides = array<i32>} : memref<512xf32, #tpu.memory_space<vmem>>, vector<16xf32>,
    }
    %scan3A_233 = arith.constant 16 : i32
    "tpu.region"() ({
      %run_scoped3A_234 = tpu.sem_alloc : memref<!tpu.dma_semaphore, #tpu.memory_space<semaphore_mem>>
      %dma_start3A_235 = tpu.memref_slice %arg10[%mul3A_2] : memref<16384xf32, #tpu.memory_space<hbm>> -> memref<512xf32, #tpu.memory_space<hbm>>
      %dma_start3A_236 = tpu.memref_slice %arg10[%mul3A_2] : memref<16384xf32, #tpu.memory_space<hbm>> -> memref<512xf32, #tpu.memory_space<hbm>>
      tpu.enqueue_dma source(%arg19 : memref<512xf32, #tpu.memory_space<vmem>>) target(%dma_start3A_236 : memref<512xf32, #tpu.memory_space<hbm>>) target_semaphore(%run_scoped3A_234 : memref<!tpu.dma_semaphore, #tpu.memory_space<semaphore_mem>>)
      %dma_wait3A_237 = tpu.memref_slice %arg10[%mul3A_2] : memref<16384xf32, #tpu.memory_space<hbm>> -> memref<512xf32, #tpu.memory_space<hbm>>
      %dma_wait3A_238 = tpu.memref_slice %arg10[%mul3A_2] : memref<16384xf32, #tpu.memory_space<hbm>> -> memref<512xf32, #tpu.memory_space<hbm>>
      tpu.wait_dma2 semaphore(%run_scoped3A_234 : memref<!tpu.dma_semaphore, #tpu.memory_space<semaphore_mem>>) src(%arg19 : memref<512xf32, #tpu.memory_space<vmem>>) dst(%dma_wait3A_238 : memref<512xf32, #tpu.memory_space<hbm>>)
      tpu.yield
    }) : () -> ()
    return
  }
}

module attributes {stable_mosaic.version = 14 : i64} {
  func.func @_pack_body(%arg0: i32, %arg1: memref<32x7808xf32, #tpu.memory_space<vmem>>, %arg2: memref<32x7808xf32, #tpu.memory_space<vmem>>, %arg3: memref<32x7808xf32, #tpu.memory_space<vmem>>, %arg4: memref<32x7808xf32, #tpu.memory_space<vmem>>, %arg5: memref<7808x128xf32, #tpu.memory_space<vmem>>) attributes {dimension_semantics = [#tpu.dimension_semantics<arbitrary>], iteration_bounds = array<i64: 32>, scalar_prefetch = 0 : i64, scratch_operands = 0 : i64, tpu.core_type = #tpu.core_type<tc>, window_params = [{transform_indices = @transform_0, window_bounds = array<i64: 32, 7808>}, {transform_indices = @transform_1, window_bounds = array<i64: 32, 7808>}, {transform_indices = @transform_2, window_bounds = array<i64: 32, 7808>}, {transform_indices = @transform_3, window_bounds = array<i64: 32, 7808>}, {transform_indices = @transform_4, window_bounds = array<i64: 7808, 128>}]} {
    %get3A = arith.constant 0 : index
    %get3A_0 = arith.constant 0 : index
    %get3A_1 = vector.load %arg1[%get3A, %get3A_0] : memref<32x7808xf32, #tpu.memory_space<vmem>>, vector<32x7808xf32>
    %transpose3A = tpu.transpose %get3A_1, [1, 0] : vector<32x7808xf32> -> vector<7808x32xf32>
    %get3A_2 = arith.constant 0 : index
    %get3A_3 = arith.constant 0 : index
    %get3A_4 = vector.load %arg2[%get3A_2, %get3A_3] : memref<32x7808xf32, #tpu.memory_space<vmem>>, vector<32x7808xf32>
    %transpose3A_5 = tpu.transpose %get3A_4, [1, 0] : vector<32x7808xf32> -> vector<7808x32xf32>
    %get3A_6 = arith.constant 0 : index
    %get3A_7 = arith.constant 0 : index
    %get3A_8 = vector.load %arg3[%get3A_6, %get3A_7] : memref<32x7808xf32, #tpu.memory_space<vmem>>, vector<32x7808xf32>
    %transpose3A_9 = tpu.transpose %get3A_8, [1, 0] : vector<32x7808xf32> -> vector<7808x32xf32>
    %get3A_10 = arith.constant 0 : index
    %get3A_11 = arith.constant 0 : index
    %get3A_12 = vector.load %arg4[%get3A_10, %get3A_11] : memref<32x7808xf32, #tpu.memory_space<vmem>>, vector<32x7808xf32>
    %transpose3A_13 = tpu.transpose %get3A_12, [1, 0] : vector<32x7808xf32> -> vector<7808x32xf32>
    %concatenate3A = tpu.concatenate %transpose3A, %transpose3A_5, %transpose3A_9, %transpose3A_13 in 1 : vector<7808x32xf32>, vector<7808x32xf32>, vector<7808x32xf32>, vector<7808x32xf32> -> vector<7808x128xf32>
    %swap3A = arith.constant 0 : index
    %swap3A_14 = arith.constant 0 : index
    %swap3A_15 = vector.load %arg5[%swap3A, %swap3A_14] : memref<7808x128xf32, #tpu.memory_space<vmem>>, vector<7808x128xf32>
    tpu.vector_store %arg5[%swap3A, %swap3A_14], %concatenate3A {strides = array<i32>} : memref<7808x128xf32, #tpu.memory_space<vmem>>, vector<7808x128xf32>,
    return
  }
  func.func @transform_0(%arg0: i32) -> (i32, i32) {
    %add3A = arith.constant 0 : i32
    %add3A_0 = arith.addi %add3A, %arg0 : i32
    %c0_i32 = arith.constant 0 : i32
    %c0_i32_1 = arith.constant 0 : i32
    return %c0_i32, %add3A_0 : i32, i32
  }
  func.func @transform_1(%arg0: i32) -> (i32, i32) {
    %add3A = arith.constant 32 : i32
    %add3A_0 = arith.addi %add3A, %arg0 : i32
    %c0_i32 = arith.constant 0 : i32
    %c0_i32_1 = arith.constant 0 : i32
    return %c0_i32, %add3A_0 : i32, i32
  }
  func.func @transform_2(%arg0: i32) -> (i32, i32) {
    %add3A = arith.constant 64 : i32
    %add3A_0 = arith.addi %add3A, %arg0 : i32
    %c0_i32 = arith.constant 0 : i32
    %c0_i32_1 = arith.constant 0 : i32
    return %c0_i32, %add3A_0 : i32, i32
  }
  func.func @transform_3(%arg0: i32) -> (i32, i32) {
    %add3A = arith.constant 96 : i32
    %add3A_0 = arith.addi %add3A, %arg0 : i32
    %c0_i32 = arith.constant 0 : i32
    %c0_i32_1 = arith.constant 0 : i32
    return %c0_i32, %add3A_0 : i32, i32
  }
  func.func @transform_4(%arg0: i32) -> (i32, i32) {
    %c0_i32 = arith.constant 0 : i32
    %c0_i32_0 = arith.constant 0 : i32
    return %arg0, %c0_i32 : i32, i32
  }
}

</mosaic_0001>

<sc_bundles>
// kernel: kernel.5.cloned.1.call-start
scs
__scs_entry_jumppad:
0x0: {  	(pc) =	sbr.rel $0x88, $3  }
0x1: {  	(tag) =	ssettag $0x0;
	lr =	simm.s32 $0x1  }
0x2: {  	[smem:$0x3F9B] =	sst lr;
	_ =	strace $0xD0000000  }
0x3: {  	_ = 	snop  }
0x4: {  	_ = 	snop  }
0x5: {  	_ = 	snop  }
0x6: {  	_ = 	snop  }
0x7: {  	_ = 	snop  }
__scs_overlays_trampoline_lowered:
0x8: {  	[smem:$0x3FAA] =	sst s0  }
0x9: {  	[smem:$0x3FAB] =	sst s1  }
0xa: {  	[smem:$0x3FAC] =	sst s2  }
0xb: {  	[smem:$0x3FAD] =	sst s3  }
0xc: {  	[smem:$0x3FAE] =	sst s4  }
0xd: {  	[smem:$0x3FAF] =	sst s5  }
0xe: {  	[smem:$0x3FB0] =	sst s6  }
0xf: {  	[smem:$0x3FB1] =	sst s7  }
0x10: {  	[smem:$0x3FB2] =	sst s8  }
0x11: {  	[smem:$0x3FB3] =	sst s9;
	s0 =	simm.s32 @!p0 $0x0  }
0x12: {  	s1 =	sld [smem:$0x3F99];
	s0 =	simm.s32 @p0 $0x1  }
0x13: {  	[smem:$0x3FB4] =	sst s0;
	s0 =	simm.s32 @!p1 $0x0  }
0x14: {  	s2 =	sld [smem:$0x3F98];
	s0 =	simm.s32 @p1 $0x1  }
0x15: {  	[smem:$0x3FB5] =	sst s0;
	s0 =	simm.s32 @!p2 $0x0  }
0x16: {  	s3 =	sld [smem:$0x3FDB];
	s0 =	simm.s32 @p2 $0x1  }
0x17: {  	s4 =	simm.s32 $0x1BF5;
	[smem:$0x3FB7] =	sst s0  }
0x18: {  	s0 =	sld [smem:$0x3F9A];
	_ =	swait.ge [sflag:s4], $0x0  }
0x19: {  	s7 =	sld [smem:$0x3F9B]  }
0x1a: {  	s8 =	sadd.s32 $0xFFFFE003, lr  }
0x1b: {  	s9 =	sadd.s32 $0xFFFFFEF7, lr;
	s5 =	simm.s32 $0xFFFFFFFF;
	p2 =	slt.u32 s8, $0xFFFFF086  }
0x1c: {  	p1 =	slt.u32 s9, $0xF7A;
	s5 =	simm.s32 @!p2 $0x0  }
0x1d: {  	s5 =	simm.s32 @p1 $0x1;
	p0 =	seq.s32 s7, s2  }
0x1e: {  	s7 =	smul.u32 @!p0 $0xF7A, s2;
	p2 =	seq.s32 @!p0 s5, $0x0  }
0x1f: {  	s9 =	smul.u32 $0xF7A, s1;
	s8 =	simm.s32 @!p0 $0x1BF5;
	p2 =	por !p2, p0  }
0x20: {  	[sflag:s8] =	ssyncset.s32 @!p0 $0xFFFFF086;
	s6 =	sadd.s32 @!p0 s3, s7;
	s7 =	simm.s32 @!p0 $0x108  }
0x21: {  	s3 =	sadd.s32 s3, s9;
	s6 =	sadd.s32 @!p0 $0x88, s6;
	s7 =	simm.s32 @p2 $0x1082  }
0x22: {  	[simem:s7], [sflag:s8] =	dma.local @!p0 [hbm:s6], $0xF7A  }
0x23: {  	s9 =	sor.u32 $0xD0000000, s2;
	s6 =	simm.s32 $0x108;
	_ =	swait.ge @!p0 [sflag:s8], $0x0  }
0x24: {  	s3 =	sadd.s32 $0x88, s3;
	s6 =	simm.s32 @!p1 $0x1082;
	[sflag:s4] =	ssyncset.s32 $0xFFFFF086  }
0x25: {  	[simem:s6], [sflag:s4] =	dma.local [hbm:s3], $0xF7A  }
0x26: {  	[smem:$0x3F9B] =	sst s1;
	(tag) =	ssettag s2;
	_ =	strace s9  }
0x27: {  	s1 =	sld [smem:$0x3FAB]  }
0x28: {  	s2 =	sld [smem:$0x3FAC]  }
0x29: {  	s4 =	sld [smem:$0x3FAE]  }
0x2a: {  	p0 =	seq.s32 s5, $0x0;
	s5 =	sld [smem:$0x3FAF]  }
0x2b: {  	s6 =	sld [smem:$0x3FB0]  }
0x2c: {  	s7 =	sld [smem:$0x3FB1]  }
0x2d: {  	s3 =	simm.s32 $0x108;
	s8 =	sld [smem:$0x3FB2]  }
0x2e: {  	s3 =	simm.s32 @!p0 $0x1082;
	s9 =	sld [smem:$0x3FB3]  }
0x2f: {  	lr =	sadd.s32 s0, s3;
	s0 =	sld [smem:$0x3FAA]  }
0x30: {  	s3 =	sld [smem:$0x3FAD]  }
0x31: {  	[smem:$0x3FB6] =	sst s10  }
0x32: {  	s10 =	sld [smem:$0x3FB4];
	_ =	sdelay $0x3  }
0x33: {  	p0 =	seq.s32 s10, $0x1;
	s10 =	sld [smem:$0x3FB6];
	_ =	sdelay $0x3  }
0x34: {  	[smem:$0x3FB6] =	sst s10  }
0x35: {  	s10 =	sld [smem:$0x3FB5];
	_ =	sdelay $0x3  }
0x36: {  	p1 =	seq.s32 s10, $0x1;
	s10 =	sld [smem:$0x3FB6];
	_ =	sdelay $0x3  }
0x37: {  	[smem:$0x3FB6] =	sst s10  }
0x38: {  	s10 =	sld [smem:$0x3FB7]  }
0x39: {  	_ = 	snop;
	(pc) =	sbr.ind lr, $3  }
0x3a: {  	_ = 	snop  }
0x3b: {  	_ = 	snop  }
0x3c: {  	p2 =	seq.s32 s10, $0x1;
	s10 =	sld [smem:$0x3FB6]  }
0x3d: {  	_ =	shalt  }
0x3e: {  	_ =	shalt  }
0x3f: {  	_ =	shalt  }
0x40: {  	_ =	shalt  }
0x41: {  	_ =	shalt  }
0x42: {  	_ =	shalt  }
0x43: {  	_ =	shalt  }
0x44: {  	_ =	shalt  }
0x45: {  	_ =	shalt  }
0x46: {  	_ =	shalt  }
0x47: {  	_ =	shalt  }
0x48: {  	_ =	shalt  }
0x49: {  	_ =	shalt  }
0x4a: {  	_ =	shalt  }
0x4b: {  	_ =	shalt  }
0x4c: {  	_ =	shalt  }
0x4d: {  	_ =	shalt  }
0x4e: {  	_ =	shalt  }
0x4f: {  	_ =	shalt  }
0x50: {  	_ =	shalt  }
0x51: {  	_ =	shalt  }
0x52: {  	_ =	shalt  }
0x53: {  	_ =	shalt  }
0x54: {  	_ =	shalt  }
0x55: {  	_ =	shalt  }
0x56: {  	_ =	shalt  }
0x57: {  	_ =	shalt  }
0x58: {  	_ =	shalt  }
0x59: {  	_ =	shalt  }
0x5a: {  	_ =	shalt  }
0x5b: {  	_ =	shalt  }
0x5c: {  	_ =	shalt  }
0x5d: {  	_ =	shalt  }
0x5e: {  	_ =	shalt  }
0x5f: {  	_ =	shalt  }
0x60: {  	_ =	shalt  }
0x61: {  	_ =	shalt  }
0x62: {  	_ =	shalt  }
0x63: {  	_ =	shalt  }
0x64: {  	_ =	shalt  }
0x65: {  	_ =	shalt  }
0x66: {  	_ =	shalt  }
0x67: {  	_ =	shalt  }
0x68: {  	_ =	shalt  }
0x69: {  	_ =	shalt  }
0x6a: {  	_ =	shalt  }
0x6b: {  	_ =	shalt  }
0x6c: {  	_ =	shalt  }
0x6d: {  	_ =	shalt  }
0x6e: {  	_ =	shalt  }
0x6f: {  	_ =	shalt  }
0x70: {  	_ =	shalt  }
0x71: {  	_ =	shalt  }
0x72: {  	_ =	shalt  }
0x73: {  	_ =	shalt  }
0x74: {  	_ =	shalt  }
0x75: {  	_ =	shalt  }
0x76: {  	_ =	shalt  }
0x77: {  	_ =	shalt  }
0x78: {  	_ =	shalt  }
0x79: {  	_ =	shalt  }
0x7a: {  	_ =	shalt  }
0x7b: {  	_ =	shalt  }
0x7c: {  	_ =	shalt  }
0x7d: {  	_ =	shalt  }
0x7e: {  	_ =	shalt  }
0x7f: {  	_ =	shalt  }
0x80: {  	_ =	shalt  }
0x81: {  	_ =	shalt  }
0x82: {  	_ =	shalt  }
0x83: {  	_ =	shalt  }
0x84: {  	_ =	shalt  }
0x85: {  	_ =	shalt  }
0x86: {  	_ =	shalt  }
0x87: {  	_ =	shalt  }
.Lfunc_end0:
.L_simem_size_0:
called_computation_lowered:
.L_overlay_start_0:
0x88: {  	s2 =	sld [smem:$0x3FD9]  }
0x89: {  	s3 =	sld [smem:$0x3FFE];
	_ =	sdelay $0x1  }
0x8a: {  	s1 =	srdreg.scid  }
0x8b: {  	s0 =	sand.u32 $0x1, s1  }
0x8c: {  	s17 =	sshll.u32 s0, $0xA;
	s2 =	sadd.s32 s3, s2  }
0x8d: {  	s2 =	sadd.s32 s2, s17  }
0x8e: {  	[smem:$0x3FC2] =	sst s2  }
0x8f: {  	_ = 	snop  }
0x90: {  	s2 =	sld [smem:$0x3FC9]  }
0x91: {  	s18 =	sld [smem:$0x3FC8]  }
0x92: {  	s4 =	sld [smem:$0x3FD0];
	(tm) =	ssettm $0x1  }
0x93: {  	s5 =	sld [smem:$0x3FFB];
	_ =	sdelay $0x3  }
0x94: {  	_ =	strace s5  }
0x95: {  	s5 =	sld [smem:$0x3FFC];
	_ =	sdelay $0x3  }
0x96: {  	_ =	strace s5  }
0x97: {  	s5 =	sld [smem:$0x3FFD];
	_ =	sdelay $0x3  }
0x98: {  	_ =	strace s5  }
0x99: {  	_ =	strace $0x8FFFFFFF  }
0x9a: {  	s19 =	sld [smem:$0x3FDB];
	_ =	sdelay $0x1  }
0x9b: {  	s6 =	simm.s32 $_scs_section_size  }
0x9c: {  	s7 =	simm.s32 $_size__tile_overlayer_lowered;
	s8 =	simm.s32 $_tile_overlayer_lowered  }
0x9d: {  	s22 =	simm.s32 $0x1BFF;
	s21 =	sshll.u32 s8, $0x1;
	s5 =	sadd.s32 s6, s19  }
0x9e: {  	s9 =	simm.s32 $0x0;
	s20 =	sshll.u32 s7, $0x1;
	s7 =	sadd.s32 s21, s5  }
0x9f: {  	[timem:s9], [sflag:s22] =	dma.local [hbm:s7], s20  }
0xa0: {  	_ =	swait.ge [sflag:s22], s20  }
0xa1: {  	s6 =	ssub.s32 $0x0, s20;
	[sflag:s22] =	ssyncset.done $0x0  }
0xa2: {  	[sflag:s22] =	ssyncadd.s32 s6;
	_ =	sdelay $0x1  }
0xa3: {  	s23 =	simm.s32 $0x1B8B  }
0xa4: {  	_ =	swait.ge [sflag:s23], $0x1  }
0xa5: {  	[sflag:s23] =	ssyncset.done $0x0  }
0xa6: {  	s25 =	simm.s32 $0x1B8E;
	s24 =	sld [smem:$0x3FFE];
	[sflag:s23] =	ssyncadd.s32 $0xFFFFFFFF  }
0xa7: {  	s26 =	simm.s32 $execute0_lowered;
	[smem:$0x3FD2] =	sst s25  }
0xa8: {  	s7 =	sshll.u32 s26, $0x1;
	_ =	strace $0x80000046;
	[dreg:$0x1] =	wrdreg $0xFFFFFFFF  }
0xa9: {  	s28 =	simm.s32 $_size_execute0_lowered;
	s5 =	sadd.s32 s5, s7;
	[dreg:$0x0] =	wrdreg $0x0  }
0xaa: {  	s7 =	sshll.u32 s28, $0x1;
	[dreg:$0x2] =	wrdreg s5  }
0xab: {  	[dreg:$0x3] =	wrdreg s7  }
0xac: {  	[dreg:$0x4] =	wrdreg $0xC0  }
0xad: {  	_ =	task [dreg:s9], $0x5FFFF  }
0xae: {  	[dreg:$0x1] =	wrdreg $0xFFFFFFFF  }
0xaf: {  	[dreg:$0x0] =	wrdreg $0x60  }
0xb0: {  	[dreg:$0x2] =	wrdreg s2  }
0xb1: {  	[dreg:$0x3] =	wrdreg s18  }
0xb2: {  	[dreg:$0x4] =	wrdreg s24  }
0xb3: {  	[dreg:$0x5] =	wrdreg s4  }
0xb4: {  	[dreg:$0x6] =	wrdreg $0x9  }
0xb5: {  	_ =	task.clear_ibuf [dreg:s9], $0x7FFFF;
	_ =	strace $0x90000046  }
0xb6: {  	s29 =	simm.s32 $0x9;
	_ =	strace $0x80000048  }
0xb7: {  	_ =	swait.ge [sflag:s29], $0x1  }
0xb8: {  	[sflag:s29] =	ssyncadd.s32 $0xFFFFFFFF  }
0xb9: {  	_ =	strace $0x90000048  }
0xba: {  	_ =	sfence  }
0xbb: {  	s30 =	sld [smem:$0x0];
	_ =	sdelay $0x2  }
0xbc: {  	s31 =	sshll.u32 s1, $0xD;
	s1 =	sshrl.u32 s1, $0x2  }
0xbd: {  	s3 =	sand.u32 $0x4000, s31;
	s1 =	sadd.s32 s1, s30  }
0xbe: {  	s0 =	sor.u32 s3, s0;
	s1 =	sshll.u32 s1, $0x11  }
0xbf: {  	s0 =	sor.u32 s1, s0  }
0xc0: {  	s0 =	sadd.s32 $0x8F2B, s0  }
0xc1: {  	[sflag:s0] =	ssyncadd.remote.s32 $0x1  }
0xc2: {  	_ =	sfence.sel $0xFFFF  }
0xc3: {  	[dreg:$0x0] =	wrdreg $0xFFFFFFFF;
	(pc) =	sbr.abs _section_cstart, $3  }
0xc4: {  	[dreg:$0x1] =	wrdreg $0xFFFFFFFF  }
0xc5: {  	_ =	task.clear_ibuf [dreg:s9], $0x2FFFF;
	_ =	strace $0x9FFFFFFF  }
0xc6: {  	(tm) =	ssettm $0x7FFFFFFF  }
0xc7: {  	_ =	shalt  }
tec
execute0_lowered:
.L_overlay_start_1:
0x0: {  	(tag) =	ssettag $0x1  }
0x1: {  	s0 =	rddreg [dreg:$0x0]  }
0x2: {  	s3 =	rddreg [dreg:$0x1]  }
0x3: {  	s8 =	rddreg [dreg:$0x2]  }
0x4: {  	s17 =	rddreg [dreg:$0x3];
	s1 =	simm.s32 $0x0  }
0x5: {  	s7 =	srdreg.scid;
	s10 =	stileid.u32;
	s21 =	simm.s32 $0x80  }
0x6: {  	s22 =	simm.s32 $0xD000;
	s24 =	simm.s32 $0x4800;
	s26 =	simm.s32 $0x11000  }
0x7: {  	s28 =	simm.s32 $0x1;
	s20 =	simm.s32 $0x19A80;
	s23 =	simm.s32 $0x0  }
0x8: {  	[smem:$0x7FF] =	sst s1;
	s2 =	sadd.s32 $0x3D1A00, s8;
	s4 =	sadd.s32 $0x1A00, s8  }
0x9: {  	s5 =	sadd.s32 $0x1000, s8;
	s6 =	sadd.s32 $0x600, s8;
	s7 =	sand.u32 $0x1, s7  }
0xa: {  	s10 =	sshll.u32 s10, $0x7;
	_ =	strace $0x80000047;
	s9 =	ssub.s32 $0x2, s7  }
0xb: {  	s11 =	sshll.u32 s7, $0x6;
	s7 =	sadd.s32 $0x400, s8;
	s12 =	sshrl.u32 s9, $0x1  }
0xc: {  	s8 =	sadd.s32 $0x7A1A00, s8;
	s18 =	sor.u32 s11, s10;
	s19 =	ssub.s32 s9, s12  }
0xd: {  	s31 =	sor.u32 $0x10, s18;
	s9 =	sadd.s32 s0, s18;
	s10 =	sadd.s32 s3, s18  }
0xe: {  	s14 =	sor.u32 $0x20, s18;
	s16 =	sor.u32 $0x30, s18;
	s17 =	sadd.s32 s17, s18  }
0xf: {  	s11 =	sadd.s32 s0, s31;
	s12 =	sadd.s32 s3, s31;
	s13 =	sadd.s32 s0, s14  }
0x10: {  	s14 =	sadd.s32 s3, s14;
	s15 =	sadd.s32 s0, s16;
	s16 =	sadd.s32 s3, s16  }
0x11: {  	v0 =	vimm.s32 $0x0;
	v1 =	vlaneseq.u32;
	s18 =	smax.u32 s19, $0x1;
	s19 =	simm.s32 $0x2;
	s3 =	simm.s32 $0x800  }
.LBB2_1:
0x12: {  	[tilespmem:s1], [sflag:$0x2] =	stream.linear.gather [hbm4b:s9+s1], $0x80, $0x38;
	[tilespmem:$0x19C80] =	vst v63  }
0x13: {  	_ =	swait.ge [sflag:s19], $0x80  }
0x14: {  	[sflag:s19] =	ssyncset.done $0x0  }
0x15: {  	s0 =	simm.s32 $0x200;
	[sflag:s19] =	ssyncadd.s32 $0xFFFFFF80  }
0x16: {  	[tilespmem:s0], [sflag:$0x2] =	stream.linear.gather [hbm4b:s10+s1], $0x80, $0x38;
	[tilespmem:$0x19C80] =	vst v63  }
0x17: {  	_ =	swait.ge [sflag:s19], $0x80  }
0x18: {  	[sflag:s19] =	ssyncset.done $0x0  }
0x19: {  	[sflag:s19] =	ssyncadd.s32 $0xFFFFFF80  }
0x1a: {  	[tilespmem:s21], [sflag:$0x2] =	stream.linear.gather [hbm4b:s11+s1], $0x80, $0x38;
	[tilespmem:$0x19C80] =	vst v63  }
0x1b: {  	_ =	swait.ge [sflag:s19], $0x80  }
0x1c: {  	[sflag:s19] =	ssyncset.done $0x0  }
0x1d: {  	s25 =	simm.s32 $0x280;
	[sflag:s19] =	ssyncadd.s32 $0xFFFFFF80  }
0x1e: {  	[tilespmem:s25], [sflag:$0x2] =	stream.linear.gather [hbm4b:s12+s1], $0x80, $0x38;
	[tilespmem:$0x19C80] =	vst v63  }
0x1f: {  	_ =	swait.ge [sflag:s19], $0x80  }
0x20: {  	[sflag:s19] =	ssyncset.done $0x0  }
0x21: {  	s25 =	simm.s32 $0x100;
	[sflag:s19] =	ssyncadd.s32 $0xFFFFFF80  }
0x22: {  	[tilespmem:s25], [sflag:$0x2] =	stream.linear.gather [hbm4b:s13+s1], $0x80, $0x38;
	[tilespmem:$0x19C80] =	vst v63  }
0x23: {  	_ =	swait.ge [sflag:s19], $0x80  }
0x24: {  	[sflag:s19] =	ssyncset.done $0x0  }
0x25: {  	s25 =	simm.s32 $0x300;
	[sflag:s19] =	ssyncadd.s32 $0xFFFFFF80  }
0x26: {  	[tilespmem:s25], [sflag:$0x2] =	stream.linear.gather [hbm4b:s14+s1], $0x80, $0x38;
	[tilespmem:$0x19C80] =	vst v63  }
0x27: {  	_ =	swait.ge [sflag:s19], $0x80  }
0x28: {  	[sflag:s19] =	ssyncset.done $0x0  }
0x29: {  	s25 =	simm.s32 $0x180;
	[sflag:s19] =	ssyncadd.s32 $0xFFFFFF80  }
0x2a: {  	[tilespmem:s25], [sflag:$0x2] =	stream.linear.gather [hbm4b:s15+s1], $0x80, $0x38;
	[tilespmem:$0x19C80] =	vst v63  }
0x2b: {  	_ =	swait.ge [sflag:s19], $0x80  }
0x2c: {  	[sflag:s19] =	ssyncset.done $0x0  }
0x2d: {  	s25 =	simm.s32 $0x380;
	[sflag:s19] =	ssyncadd.s32 $0xFFFFFF80  }
0x2e: {  	[tilespmem:s25], [sflag:$0x2] =	stream.linear.gather [hbm4b:s16+s1], $0x80, $0x38;
	[tilespmem:$0x19C80] =	vst v63  }
0x2f: {  	_ =	swait.ge [sflag:s19], $0x80  }
0x30: {  	[sflag:s19] =	ssyncset.done $0x0  }
0x31: {  	s25 =	simm.s32 $0x19800;
	[sflag:s19] =	ssyncadd.s32 $0xFFFFFF80  }
0x32: {  	[tilespmem:s25], [sflag:$0x2] =	stream.linear.gather [hbm4b:s7+s1], $0x200, $0x38;
	[tilespmem:$0x19C80] =	vst v63  }
0x33: {  	_ =	swait.ge [sflag:s19], $0x200  }
0x34: {  	[sflag:s19] =	ssyncset.done $0x0  }
0x35: {  	s25 =	simm.s32 $0x19A00;
	[sflag:s19] =	ssyncadd.s32 $0xFFFFFE00  }
0x36: {  	[tilespmem:s25], [sflag:$0x2] =	stream.linear.gather [hbm4b:s8+s1], $0x80, $0x38;
	[tilespmem:$0x19C80] =	vst v63  }
0x37: {  	_ =	swait.ge [sflag:s19], $0x80  }
0x38: {  	[sflag:s19] =	ssyncset.done $0x0  }
0x39: {  	s25 =	simm.s32 $0x8800;
	[sflag:s19] =	ssyncadd.s32 $0xFFFFFF80  }
0x3a: {  	[tilespmem:s25], [sflag:$0x2] =	stream.linear.gather [hbm4b:s5+s1], $0x4800, $0x38;
	[tilespmem:$0x19C80] =	vst v63  }
0x3b: {  	_ =	swait.ge [sflag:s19], $0x4800  }
0x3c: {  	[sflag:s19] =	ssyncset.done $0x0  }
0x3d: {  	s25 =	simm.s32 $0x15000;
	[sflag:s19] =	ssyncadd.s32 $0xFFFFB800  }
0x3e: {  	[tilespmem:s25], [sflag:$0x2] =	stream.linear.gather [hbm4b:s6+s1], $0x4800, $0x38;
	[tilespmem:$0x19C80] =	vst v63  }
0x3f: {  	_ =	swait.ge [sflag:s19], $0x4800  }
0x40: {  	[sflag:s19] =	ssyncset.done $0x0  }
0x41: {  	s29 =	simm.s32 $0x0;
	[sflag:s19] =	ssyncadd.s32 $0xFFFFB800  }
0x42: {  	v5 =	vld [tilespmem:s29+$0x200];
	_ =	sdelay $0x1  }
0x43: {  	v2 =	vld [tilespmem:s29+$0x0];
	_ =	sdelay $0x2  }
0x44: {  	vm0 =	vgt.s32 v5, $0x3CFFF;
	vm1 =	vgt.s32 v5, $0x79FFF  }
0x45: {  	v3 =	vsel vm0, $0x1, v0;
	v4 =	vsel vm1, $0x1, v0;
	vm0 =	vgt.s32 v5, $0xB6FFF  }
0x46: {  	s25 =	simm.s32 $0x10;
	vm1 =	vgt.s32 v2, $0x3CFFF;
	v3 =	vadd.s32 v4, v3;
	v6 =	vsel vm0, $0x1, v0  }
0x47: {  	v4 =	vld [tilespmem:s25+$0x200];
	v7 =	vsel vm1, $0x1, v0;
	vm0 =	vgt.s32 v2, $0x79FFF;
	v3 =	vadd.s32 v6, v3  }
0x48: {  	v6 =	vsel vm0, $0x1, v0;
	vm0 =	vgt.s32 v2, $0xB6FFF;
	v8 =	vmul.u32 $0xFFFC3000, v3  }
0x49: {  	v3 =	vld [tilespmem:s25+$0x0];
	v6 =	vadd.s32 v6, v7;
	v7 =	vsel vm0, $0x1, v0  }
0x4a: {  	v6 =	vadd.s32 v7, v6;
	v7 =	vadd.s32 v5, v8  }
0x4b: {  	v5 =	vmul.u32 $0xFFFC3000, v6;
	vm0 =	vlt.s32 v7, $0x3CFFF  }
0x4c: {  	vm1 =	vgt.s32 v4, $0x3CFFF;
	vm2 =	vgt.s32 v4, $0x79FFF;
	v6 =	vnsel vm0, $0x3CFFF, v7  }
0x4d: {  	v7 =	vsel vm1, $0x1, v0;
	v8 =	vsel vm2, $0x1, v0;
	vm1 =	vgt.s32 v4, $0xB6FFF  }
0x4e: {  	s30 =	simm.s32 $0x20;
	s31 =	simm.s32 $0xC0;
	[tilespmem:s29+$0x600] =	vst v6;
	vm0 =	vgt.s32 v3, $0x3CFFF;
	v6 =	vadd.s32 v8, v7;
	v7 =	vsel vm1, $0x1, v0  }
.LBB2_2:
0x4f: {  	p0 =	sne.s32 s31, $0x7C0;
	v8 =	vld [tilespmem:s30+$0x200];
	v9 =	vsel vm0, $0x1, v0;
	vm0 =	vgt.s32 v3, $0x79FFF;
	v6 =	vadd.s32 v7, v6  }
0x50: {  	v7 =	vld [tilespmem:s30+$0x0];
	v10 =	vsel vm0, $0x1, v0;
	vm0 =	vgt.s32 v3, $0xB6FFF;
	v6 =	vmul.u32 $0xFFFC3000, v6  }
0x51: {  	v11 =	vadd.s32 v2, v5;
	v2 =	vmovc v3;
	v9 =	vadd.s32 v10, v9;
	v10 =	vsel vm0, $0x1, v0  }
.Ltmp0:
0x52: {  	vm0 =	vlt.s32 v11, $0x3CFFF;
	v3 =	vadd.s32 v10, v9;
	v9 =	vadd.s32 v4, v6;
	(pc) =	sbr.rel @p0 .LBB2_2-.Ltmp0, $4  }
0x53: {  	v10 =	vnsel vm0, $0x3CFFF, v11;
	v5 =	vmul.u32 $0xFFFC3000, v3;
	vm1 =	vlt.s32 v9, $0x3CFFF  }
0x54: {  	vm0 =	vgt.s32 v8, $0x3CFFF;
	vm2 =	vgt.s32 v8, $0x79FFF;
	v6 =	vnsel vm1, $0x3CFFF, v9;
	[tilespmem:s29+$0x400] =	vst v10;
	v4 =	vmovc v8;
	s29 =	smov.u32 s25;
	s25 =	smov.u32 s30  }
0x55: {  	v8 =	vsel vm0, $0x1, v0;
	v9 =	vsel vm2, $0x1, v0;
	vm1 =	vgt.s32 v4, $0xB6FFF;
	[tilespmem:s29+$0x600] =	vst v6;
	v3 =	vmovc v7  }
0x56: {  	s30 =	sshra.s32 s31, $0x2;
	s31 =	sadd.s32 $0x40, s31;
	vm0 =	vgt.s32 v3, $0x3CFFF;
	v6 =	vadd.s32 v9, v8;
	v7 =	vsel vm1, $0x1, v0  }
0x57: {  	v8 =	vld [tilespmem:s30+$0x200]  }
0x58: {  	v9 =	vsel vm0, $0x1, v0  }
0x59: {  	vm0 =	vgt.s32 v3, $0x79FFF;
	v6 =	vadd.s32 v7, v6;
	v7 =	vld [tilespmem:s30+$0x0];
	v2 =	vadd.s32 v2, v5  }
0x5a: {  	v10 =	vsel vm0, $0x1, v0;
	vm0 =	vgt.s32 v3, $0xB6FFF;
	v6 =	vmul.u32 $0xFFFC3000, v6  }
0x5b: {  	v9 =	vadd.s32 v10, v9;
	v10 =	vsel vm0, $0x1, v0;
	vm0 =	vlt.s32 v2, $0x3CFFF  }
0x5c: {  	v5 =	vadd.s32 v10, v9;
	v4 =	vadd.s32 v4, v6;
	vm1 =	vgt.s32 v8, $0x3CFFF  }
0x5d: {  	v5 =	vmul.u32 $0xFFFC3000, v5;
	vm2 =	vgt.s32 v8, $0x79FFF;
	v6 =	vsel vm1, $0x1, v0  }
0x5e: {  	v9 =	vsel vm2, $0x1, v0;
	vm1 =	vgt.s32 v8, $0xB6FFF;
	vm2 =	vgt.s32 v7, $0x3CFFF  }
0x5f: {  	v6 =	vadd.s32 v9, v6;
	v9 =	vsel vm1, $0x1, v0;
	vm1 =	vgt.s32 v7, $0x79FFF  }
0x60: {  	v10 =	vsel vm2, $0x1, v0;
	v11 =	vsel vm1, $0x1, v0;
	vm1 =	vgt.s32 v7, $0xB6FFF  }
0x61: {  	v6 =	vadd.s32 v9, v6;
	v9 =	vadd.s32 v11, v10;
	v10 =	vsel vm1, $0x1, v0  }
0x62: {  	v2 =	vnsel vm0, $0x3CFFF, v2;
	v6 =	vmul.u32 $0xFFFC3000, v6;
	v9 =	vadd.s32 v10, v9  }
0x63: {  	v3 =	vadd.s32 v3, v5;
	vm1 =	vlt.s32 v4, $0x3CFFF;
	v5 =	vmul.u32 $0xFFFC3000, v9  }
0x64: {  	[tilespmem:s29+$0x400] =	vst v2;
	vm0 =	vlt.s32 v3, $0x3CFFF;
	v4 =	vnsel vm1, $0x3CFFF, v4;
	v2 =	vadd.s32 v8, v6  }
0x65: {  	v3 =	vnsel vm0, $0x3CFFF, v3;
	[tilespmem:s25+$0x600] =	vst v4;
	vm1 =	vlt.s32 v2, $0x3CFFF;
	v4 =	vadd.s32 v7, v5  }
0x66: {  	[tilespmem:s25+$0x400] =	vst v3;
	v2 =	vnsel vm1, $0x3CFFF, v2;
	vm0 =	vlt.s32 v4, $0x3CFFF  }
0x67: {  	[tilespmem:s30+$0x600] =	vst v2;
	v2 =	vnsel vm0, $0x3CFFF, v4  }
0x68: {  	[tilespmem:s30+$0x400] =	vst v2  }
0x69: {  	v34 =	vld [tilespmem:$0x19800]  }
0x6a: {  	v33 =	vld [tilespmem:$0x19810]  }
0x6b: {  	v32 =	vld [tilespmem:$0x19820]  }
0x6c: {  	v31 =	vld [tilespmem:$0x19830]  }
0x6d: {  	v30 =	vld [tilespmem:$0x19840]  }
0x6e: {  	v29 =	vld [tilespmem:$0x19850]  }
0x6f: {  	v28 =	vld [tilespmem:$0x19860]  }
0x70: {  	v27 =	vld [tilespmem:$0x19870]  }
0x71: {  	v26 =	vld [tilespmem:$0x19880]  }
0x72: {  	v25 =	vld [tilespmem:$0x19890]  }
0x73: {  	v24 =	vld [tilespmem:$0x198A0]  }
0x74: {  	v23 =	vld [tilespmem:$0x198B0]  }
0x75: {  	v22 =	vld [tilespmem:$0x198C0]  }
0x76: {  	v21 =	vld [tilespmem:$0x198D0]  }
0x77: {  	v20 =	vld [tilespmem:$0x198E0]  }
0x78: {  	v19 =	vld [tilespmem:$0x198F0]  }
0x79: {  	v18 =	vld [tilespmem:$0x19900]  }
0x7a: {  	v17 =	vld [tilespmem:$0x19910]  }
0x7b: {  	v16 =	vld [tilespmem:$0x19920]  }
0x7c: {  	v15 =	vld [tilespmem:$0x19930]  }
0x7d: {  	v14 =	vld [tilespmem:$0x19940]  }
0x7e: {  	v13 =	vld [tilespmem:$0x19950]  }
0x7f: {  	v12 =	vld [tilespmem:$0x19960]  }
0x80: {  	v11 =	vld [tilespmem:$0x19970]  }
0x81: {  	v10 =	vld [tilespmem:$0x19980]  }
0x82: {  	v9 =	vld [tilespmem:$0x19990]  }
0x83: {  	v8 =	vld [tilespmem:$0x199A0]  }
0x84: {  	v7 =	vld [tilespmem:$0x199B0]  }
0x85: {  	v6 =	vld [tilespmem:$0x199C0]  }
0x86: {  	v5 =	vld [tilespmem:$0x199D0]  }
0x87: {  	v4 =	vld [tilespmem:$0x199E0]  }
0x88: {  	s0 =	simm.s32 $0x400;
	v3 =	vld [tilespmem:$0x199F0]  }
0x89: {  	v2 =	vld [tilespmem:$0x19A00];
	[tilespmem:s3], [sflag:$0x1] =	stream.indirect.gather [hbm4b:s2+s21], $0x80, s0, s21, $0xb8  }
0x8a: {  	s25 =	simm.s32 $0x600  }
0x8b: {  	[tilespmem:s22], [sflag:$0x1] =	stream.indirect.gather [hbm4b:s4+s21], $0x80, s25, s21, $0xb8;
	[tilespmem:$0x19C80] =	vst v63  }
0x8c: {  	s25 =	simm.s32 $0x480  }
0x8d: {  	[tilespmem:s24], [sflag:$0x1] =	stream.indirect.gather [hbm4b:s2+s21], $0x80, s25, s21, $0xb8;
	[tilespmem:$0x19C80] =	vst v63  }
0x8e: {  	s25 =	simm.s32 $0x680  }
0x8f: {  	[tilespmem:s26], [sflag:$0x1] =	stream.indirect.gather [hbm4b:s4+s21], $0x80, s25, s21, $0xb8;
	[tilespmem:$0x19C80] =	vst v63  }
0x90: {  	_ =	swait.ge [sflag:s28], $0x4000  }
0x91: {  	[sflag:s28] =	ssyncset.done $0x0  }
0x92: {  	[sflag:s28] =	ssyncadd.s32 $0xFFFFC000  }
0x93: {  	_ =	swait.ge [sflag:s28], $0x4000  }
0x94: {  	[sflag:s28] =	ssyncset.done $0x0  }
0x95: {  	[sflag:s28] =	ssyncadd.s32 $0xFFFFC000  }
0x96: {  	_ =	swait.ge [sflag:s28], $0x4000  }
0x97: {  	[sflag:s28] =	ssyncset.done $0x0  }
0x98: {  	[sflag:s28] =	ssyncadd.s32 $0xFFFFC000  }
0x99: {  	_ =	swait.ge [sflag:s28], $0x4000  }
0x9a: {  	[sflag:s28] =	ssyncset.done $0x0  }
0x9b: {  	s0 =	simm.s32 $0x0;
	[sflag:s28] =	ssyncadd.s32 $0xFFFFC000  }
0x9c: {  	v35 =	vld [tilespmem:s0+$0x0]  }
0x9d: {  	s29 =	simm.s32 $0x200  }
0x9e: {  	v38 =	vld [tilespmem:s29+$0x0];
	_ =	sdelay $0x2  }
0x9f: {  	v36 =	vor.u32 s0, v1;
	vm0 =	vgt.s32 v35, $0xF3FFF;
	v37 =	vadd.s32 $0x7F0C000, v35  }
0xa0: {  	vm1 =	vgt.s32 v35, $0xB6FFF;
	vm2 =	vgt.s32 v35, $0x3CFFF;
	vm3 =	vgt.s32 v35, $0x79FFF  }
0xa1: {  	v41 =	vadd.s32 $0x7F0C000, v38;
	v37 =	vshrl.u32 v37, $0x2;
	v39 =	vsel vm2, $0x1, v0  }
0xa2: {  	v40 =	vsel vm3, $0x1, v0;
	v48 =	vsel vm1, $0x1, v0;
	vm1 =	vgt.s32 v38, $0x79FFF  }
0xa3: {  	v41 =	vshrl.u32 v41, $0x2;
	v37 =	vadd.s32 $0x100, v37;
	v39 =	vadd.s32 v40, v39  }
0xa4: {  	v50 =	vsel vm1, $0x1, v0;
	v37 =	vsel vm0, v37, v36;
	v39 =	vadd.s32 v48, v39  }
0xa5: {  	v37 =	vshll.u32 v37, $0x7;
	v35 =	vsel vm0, v35, v39;
	vm0 =	vgt.s32 v38, $0x3CFFF  }
0xa6: {  	v49 =	vsel vm0, $0x1, v0;
	vm0 =	vgt.s32 v38, $0xB6FFF;
	v35 =	vshll.u32 v35, $0x5  }
0xa7: {  	v39 =	vadd.s32 v50, v49;
	v51 =	vsel vm0, $0x1, v0;
	v35 =	vand.u32 $0x60, v35  }
0xa8: {  	vm0 =	vgt.s32 v38, $0xF3FFF;
	v39 =	vadd.s32 v51, v39;
	v35 =	vor.u32 v37, v35  }
0xa9: {  	v52 =	vadd.s32 $0x100, v41;
	v38 =	vsel vm0, v38, v39;
	v54 =	vor.u32 $0x1, v35  }
0xaa: {  	v36 =	vsel vm0, v52, v36;
	v56 =	vor.u32 $0x2, v35;
	v38 =	vshll.u32 v38, $0x5  }
0xab: {  	v36 =	vshll.u32 v36, $0x7;
	v43 =	vor.u32 $0x3, v35;
	v53 =	vand.u32 $0x60, v38  }
0xac: {  	v36 =	vor.u32 v36, v53  }
0xad: {  	v45 =	vor.u32 $0x4, v35;
	v57 =	vld.idx.msk [tilespmem:v35+s3+$0x0], $0xffff  }
0xae: {  	v55 =	vor.u32 $0x1, v36;
	v37 =	vld.idx.msk [tilespmem:v54+s3+$0x0], $0xffff  }
0xaf: {  	v47 =	vor.u32 $0x5, v35;
	v39 =	vld.idx.msk [tilespmem:v56+s3+$0x0], $0xffff  }
0xb0: {  	v58 =	vor.u32 $0x2, v36;
	v43 =	vld.idx.msk [tilespmem:v43+s3+$0x0], $0xffff  }
0xb1: {  	v44 =	vor.u32 $0x3, v36;
	v42 =	vld.idx.msk [tilespmem:v36+s22+$0x0], $0xffff  }
0xb2: {  	v46 =	vor.u32 $0x4, v36;
	v45 =	vld.idx.msk [tilespmem:v45+s3+$0x0], $0xffff  }
0xb3: {  	v48 =	vor.u32 $0x5, v36;
	v38 =	vld.idx.msk [tilespmem:v55+s22+$0x0], $0xffff  }
0xb4: {  	v60 =	vor.u32 $0x6, v35;
	v47 =	vld.idx.msk [tilespmem:v47+s3+$0x0], $0xffff  }
0xb5: {  	v49 =	vor.u32 $0x6, v36;
	v41 =	vld.idx.msk [tilespmem:v58+s22+$0x0], $0xffff  }
0xb6: {  	v62 =	vor.u32 $0x7, v35;
	v59 =	vld.idx.msk [tilespmem:v44+s22+$0x0], $0xffff;
	v40 =	vmul.f32 v42, v57  }
0xb7: {  	v50 =	vor.u32 $0x7, v36;
	v61 =	vld.idx.msk [tilespmem:v46+s22+$0x0], $0xffff  }
0xb8: {  	v51 =	vor.u32 $0x8, v36;
	v48 =	vld.idx.msk [tilespmem:v48+s22+$0x0], $0xffff;
	v37 =	vmul.f32 v38, v37;
	v40 =	vmul.f32 v40, v34  }
0xb9: {  	v63 =	vor.u32 $0x8, v35;
	v44 =	vld.idx.msk [tilespmem:v60+s3+$0x0], $0xffff;
	v55 =	vor.u32 $0x9, v36  }
0xba: {  	v54 =	vld.idx.msk [tilespmem:v49+s22+$0x0], $0xffff;
	v39 =	vmul.f32 v41, v39;
	v37 =	vmul.f32 v37, v33;
	v40 =	vadd.f32 $0.0e+00, v40  }
0xbb: {  	v46 =	vld.idx.msk [tilespmem:v62+s3+$0x0], $0xffff;
	v42 =	vor.u32 $0x9, v35;
	v57 =	vor.u32 $0xA, v35  }
0xbc: {  	v58 =	vld.idx.msk [tilespmem:v50+s22+$0x0], $0xffff;
	v53 =	vmul.f32 v59, v43;
	v39 =	vmul.f32 v39, v32;
	v37 =	vadd.f32 v37, v40  }
0xbd: {  	v62 =	vld.idx.msk [tilespmem:v51+s22+$0x0], $0xffff;
	v38 =	vmul.f32 v61, v45;
	v59 =	vor.u32 $0xA, v36  }
0xbe: {  	v41 =	vld.idx.msk [tilespmem:v63+s3+$0x0], $0xffff;
	v61 =	vor.u32 $0xB, v35;
	v56 =	vmul.f32 v53, v31;
	v37 =	vadd.f32 v39, v37  }
0xbf: {  	v60 =	vmul.f32 v48, v47;
	v63 =	vor.u32 $0xB, v36;
	v53 =	vmul.f32 v54, v44;
	v44 =	vld.idx.msk [tilespmem:v55+s22+$0x0], $0xffff  }
0xc0: {  	v43 =	vor.u32 $0xC, v35;
	v38 =	vmul.f32 v38, v30;
	v42 =	vld.idx.msk [tilespmem:v42+s3+$0x0], $0xffff;
	v37 =	vadd.f32 v56, v37  }
0xc1: {  	v49 =	vor.u32 $0xC, v36;
	v52 =	vmul.f32 v60, v29;
	v40 =	vld.idx.msk [tilespmem:v57+s3+$0x0], $0xffff  }
0xc2: {  	v55 =	vmul.f32 v58, v46;
	v58 =	vor.u32 $0xD, v36;
	v57 =	vld.idx.msk [tilespmem:v59+s22+$0x0], $0xffff;
	v37 =	vadd.f32 v38, v37  }
0xc3: {  	v54 =	vmul.f32 v53, v28;
	v47 =	vld.idx.msk [tilespmem:v61+s3+$0x0], $0xffff;
	v56 =	vor.u32 $0xD, v35  }
0xc4: {  	v60 =	vmul.f32 v62, v41;
	v61 =	vor.u32 $0xE, v35;
	v62 =	vld.idx.msk [tilespmem:v63+s22+$0x0], $0xffff;
	v37 =	vadd.f32 v52, v37  }
0xc5: {  	v59 =	vmul.f32 v55, v27;
	v63 =	vor.u32 $0xE, v36;
	v43 =	vld.idx.msk [tilespmem:v43+s3+$0x0], $0xffff  }
0xc6: {  	v53 =	vmul.f32 v44, v42;
	v42 =	vor.u32 $0xF, v35;
	v44 =	vld.idx.msk [tilespmem:v49+s22+$0x0], $0xffff;
	v37 =	vadd.f32 v54, v37  }
0xc7: {  	v49 =	vor.u32 $0xF, v36;
	v55 =	vmul.f32 v57, v40;
	v57 =	vld.idx.msk [tilespmem:v58+s22+$0x0], $0xffff  }
0xc8: {  	v52 =	vmul.f32 v60, v26;
	v45 =	vld.idx.msk [tilespmem:v56+s3+$0x0], $0xffff;
	v56 =	vor.u32 $0x10, v35;
	v37 =	vadd.f32 v59, v37  }
0xc9: {  	v58 =	vor.u32 $0x10, v36;
	v41 =	vld.idx.msk [tilespmem:v61+s3+$0x0], $0xffff  }
0xca: {  	v60 =	vmul.f32 v62, v47;
	v62 =	vld.idx.msk [tilespmem:v63+s22+$0x0], $0xffff;
	v54 =	vmul.f32 v53, v25;
	v37 =	vadd.f32 v52, v37  }
0xcb: {  	v61 =	vor.u32 $0x11, v35;
	v63 =	vor.u32 $0x11, v36;
	v42 =	vld.idx.msk [tilespmem:v42+s3+$0x0], $0xffff  }
0xcc: {  	v53 =	vmul.f32 v44, v43;
	v44 =	vld.idx.msk [tilespmem:v49+s22+$0x0], $0xffff;
	v59 =	vmul.f32 v55, v24;
	v37 =	vadd.f32 v54, v37  }
0xcd: {  	v43 =	vor.u32 $0x12, v35;
	v52 =	vmul.f32 v60, v23;
	v40 =	vld.idx.msk [tilespmem:v56+s3+$0x0], $0xffff  }
0xce: {  	v55 =	vmul.f32 v57, v45;
	v56 =	vor.u32 $0x13, v35;
	v57 =	vld.idx.msk [tilespmem:v58+s22+$0x0], $0xffff;
	v37 =	vadd.f32 v59, v37  }
0xcf: {  	v58 =	vor.u32 $0x13, v36  }
0xd0: {  	v49 =	vor.u32 $0x12, v36;
	v47 =	vld.idx.msk [tilespmem:v61+s3+$0x0], $0xffff;
	v54 =	vmul.f32 v53, v22;
	v37 =	vadd.f32 v52, v37  }
0xd1: {  	v60 =	vmul.f32 v62, v41;
	v62 =	vld.idx.msk [tilespmem:v63+s22+$0x0], $0xffff  }
0xd2: {  	v61 =	vor.u32 $0x14, v35;
	v43 =	vld.idx.msk [tilespmem:v43+s3+$0x0], $0xffff;
	v59 =	vmul.f32 v55, v21;
	v37 =	vadd.f32 v54, v37  }
0xd3: {  	v63 =	vor.u32 $0x14, v36;
	v53 =	vmul.f32 v44, v42;
	v45 =	vld.idx.msk [tilespmem:v56+s3+$0x0], $0xffff;
	v56 =	vmul.f32 v57, v40  }
0xd4: {  	v57 =	vor.u32 $0x16, v35;
	v58 =	vld.idx.msk [tilespmem:v58+s22+$0x0], $0xffff;
	v52 =	vmul.f32 v60, v20;
	v37 =	vadd.f32 v59, v37  }
0xd5: {  	v42 =	vor.u32 $0x15, v35;
	v54 =	vld.idx.msk [tilespmem:v49+s22+$0x0], $0xffff  }
0xd6: {  	v55 =	vmul.f32 v53, v19;
	v49 =	vor.u32 $0x15, v36;
	v37 =	vadd.f32 v52, v37  }
0xd7: {  	v50 =	vor.u32 $0x16, v36;
	v41 =	vld.idx.msk [tilespmem:v61+s3+$0x0], $0xffff;
	v61 =	vor.u32 $0x17, v35  }
0xd8: {  	v60 =	vmul.f32 v62, v47;
	v62 =	vld.idx.msk [tilespmem:v63+s22+$0x0], $0xffff;
	v59 =	vmul.f32 v56, v18;
	v37 =	vadd.f32 v55, v37  }
0xd9: {  	v63 =	vor.u32 $0x17, v36;
	v40 =	vld.idx.msk [tilespmem:v57+s3+$0x0], $0xffff;
	v57 =	vmul.f32 v58, v45;
	v58 =	vor.u32 $0x19, v35  }
0xda: {  	v42 =	vld.idx.msk [tilespmem:v42+s3+$0x0], $0xffff;
	v52 =	vmul.f32 v60, v17;
	v53 =	vmul.f32 v54, v43;
	v37 =	vadd.f32 v59, v37  }
0xdb: {  	v54 =	vor.u32 $0x18, v35;
	v55 =	vld.idx.msk [tilespmem:v49+s22+$0x0], $0xffff  }
0xdc: {  	v47 =	vld.idx.msk [tilespmem:v61+s3+$0x0], $0xffff;
	v49 =	vor.u32 $0x18, v36;
	v56 =	vmul.f32 v53, v16;
	v37 =	vadd.f32 v52, v37  }
0xdd: {  	v61 =	vmul.f32 v62, v41;
	v62 =	vor.u32 $0x1A, v35;
	v59 =	vld.idx.msk [tilespmem:v50+s22+$0x0], $0xffff  }
0xde: {  	v63 =	vld.idx.msk [tilespmem:v63+s22+$0x0], $0xffff;
	v60 =	vmul.f32 v57, v15;
	v50 =	vor.u32 $0x19, v36;
	v37 =	vadd.f32 v56, v37  }
0xdf: {  	v51 =	vor.u32 $0x1A, v36;
	v45 =	vld.idx.msk [tilespmem:v58+s3+$0x0], $0xffff  }
0xe0: {  	v43 =	vld.idx.msk [tilespmem:v54+s3+$0x0], $0xffff;
	v54 =	vmul.f32 v61, v14;
	v55 =	vmul.f32 v55, v42;
	v37 =	vadd.f32 v60, v37  }
0xe1: {  	v57 =	vld.idx.msk [tilespmem:v49+s22+$0x0], $0xffff;
	v49 =	vor.u32 $0x1B, v36;
	v56 =	vor.u32 $0x1B, v35  }
0xe2: {  	v41 =	vld.idx.msk [tilespmem:v62+s3+$0x0], $0xffff;
	v58 =	vmul.f32 v55, v13;
	v59 =	vmul.f32 v59, v40;
	v37 =	vadd.f32 v54, v37  }
0xe3: {  	v62 =	vmul.f32 v63, v47;
	v46 =	vld.idx.msk [tilespmem:v50+s22+$0x0], $0xffff;
	v60 =	vor.u32 $0x1C, v35  }
0xe4: {  	v50 =	vor.u32 $0x1C, v36;
	v61 =	vmul.f32 v59, v12;
	v37 =	vadd.f32 v58, v37  }
0xe5: {  	v48 =	vld.idx.msk [tilespmem:v51+s22+$0x0], $0xffff;
	v63 =	vor.u32 $0x1D, v35;
	v55 =	vmul.f32 v62, v11  }
0xe6: {  	v54 =	vor.u32 $0x1D, v36;
	v42 =	vld.idx.msk [tilespmem:v56+s3+$0x0], $0xffff;
	v56 =	vmul.f32 v57, v43;
	v37 =	vadd.f32 v61, v37  }
0xe7: {  	v59 =	vor.u32 $0x1E, v36;
	v57 =	vor.u32 $0x1E, v35;
	v58 =	vld.idx.msk [tilespmem:v49+s22+$0x0], $0xffff  }
0xe8: {  	v40 =	vld.idx.msk [tilespmem:v60+s3+$0x0], $0xffff;
	v60 =	vmul.f32 v56, v10;
	v61 =	vmul.f32 v46, v45;
	v37 =	vadd.f32 v55, v37  }
0xe9: {  	v36 =	vor.u32 $0x1F, v36;
	v35 =	vor.u32 $0x1F, v35;
	v62 =	vld.idx.msk [tilespmem:v50+s22+$0x0], $0xffff  }
0xea: {  	v63 =	vld.idx.msk [tilespmem:v63+s3+$0x0], $0xffff;
	v50 =	vmul.f32 v48, v41;
	v47 =	vmul.f32 v61, v9;
	v37 =	vadd.f32 v60, v37  }
0xeb: {  	v52 =	vld.idx.msk [tilespmem:v54+s22+$0x0], $0xffff  }
0xec: {  	v53 =	vmul.f32 v50, v8;
	v43 =	vld.idx.msk [tilespmem:v57+s3+$0x0], $0xffff;
	v54 =	vmul.f32 v58, v42;
	v37 =	vadd.f32 v47, v37  }
0xed: {  	v55 =	vld.idx.msk [tilespmem:v59+s22+$0x0], $0xffff  }
0xee: {  	v36 =	vld.idx.msk [tilespmem:v36+s22+$0x0], $0xffff;
	v57 =	vmul.f32 v62, v40;
	v56 =	vmul.f32 v54, v7;
	v37 =	vadd.f32 v53, v37  }
0xef: {  	v35 =	vld.idx.msk [tilespmem:v35+s3+$0x0], $0xffff  }
0xf0: {  	v58 =	vmul.f32 v57, v6;
	v59 =	vmul.f32 v52, v63;
	v37 =	vadd.f32 v56, v37;
	_ =	sdelay $0x1  }
0xf1: {  	v61 =	vmul.f32 v55, v43;
	v60 =	vmul.f32 v59, v5;
	v37 =	vadd.f32 v58, v37;
	_ =	sdelay $0x1  }
0xf2: {  	v35 =	vmul.f32 v36, v35;
	v62 =	vmul.f32 v61, v4;
	v37 =	vadd.f32 v60, v37;
	_ =	sdelay $0x1  }
0xf3: {  	v35 =	vmul.f32 v35, v3;
	v63 =	vadd.f32 v62, v37;
	_ =	sdelay $0x1  }
0xf4: {  	v35 =	vadd.f32 v35, v63;
	_ =	sdelay $0x1  }
0xf5: {  	v35 =	vadd.f32 v35, v2;
	_ =	sdelay $0x1  }
0xf6: {  	v35 =	vsub.f32 $0.0e+00, v35;
	_ =	sdelay $0x1  }
0xf7: {  	v35 =	vmul.f32 $1.442695020e+00, v35;
	_ =	sdelay $0x1  }
0xf8: {  	(erf) = vpow2.f32 v35;
	_ =	sdelay $0x8  }
0xf9: {  	v35 =	vpop (erf)  }
0xfa: {  	v35 =	vadd.f32 $1.000000000e+00, v35;
	_ =	sdelay $0x1  }
0xfb: {  	(erf) = vrcp.f32 v35;
	_ =	sdelay $0x8  }
0xfc: {  	s25 =	simm.s32 $0x19A80;
	v35 =	vpop (erf)  }
0xfd: {  	s29 =	simm.s32 $0x10;
	[tilespmem:s25+$0x0] =	vst v35  }
0xfe: {  	v37 =	vld [tilespmem:s29+$0x0];
	_ =	sdelay $0x3  }
0xff: {  	s30 =	simm.s32 $0x210;
	v35 =	vor.u32 s29, v1  }
0x100: {  	s31 =	simm.s32 $0x20;
	v36 =	vld [tilespmem:s30+$0x0];
	vm0 =	vgt.s32 v37, $0xF3FFF;
	v38 =	vadd.s32 $0x7F0C000, v37;
	vm1 =	vgt.s32 v37, $0xB6FFF  }
.LBB2_4:
0x101: {  	p0 =	sne.s32 s31, $0xF0;
	v38 =	vshrl.u32 v38, $0x2;
	vm2 =	vgt.s32 v37, $0x3CFFF;
	vm3 =	vgt.s32 v37, $0x79FFF  }
0x102: {  	v38 =	vadd.s32 $0x100, v38;
	v39 =	vsel vm2, $0x1, v0;
	v40 =	vsel vm3, $0x1, v0  }
0x103: {  	v38 =	vsel vm0, v38, v35;
	v39 =	vadd.s32 v40, v39;
	v40 =	vsel vm1, $0x1, v0  }
0x104: {  	v39 =	vadd.s32 v40, v39;
	v38 =	vshll.u32 v38, $0x7  }
0x105: {  	v37 =	vsel vm0, v37, v39;
	vm0 =	vgt.s32 v36, $0x3CFFF;
	vm1 =	vgt.s32 v36, $0x79FFF  }
0x106: {  	v39 =	vsel vm0, $0x1, v0;
	v40 =	vsel vm1, $0x1, v0;
	vm0 =	vgt.s32 v36, $0xB6FFF  }
0x107: {  	v41 =	vadd.s32 $0x7F0C000, v36;
	v39 =	vadd.s32 v40, v39;
	v40 =	vsel vm0, $0x1, v0  }
0x108: {  	v41 =	vshrl.u32 v41, $0x2;
	vm0 =	vgt.s32 v36, $0xF3FFF;
	v39 =	vadd.s32 v40, v39  }
0x109: {  	v37 =	vshll.u32 v37, $0x5;
	v40 =	vadd.s32 $0x100, v41;
	v36 =	vsel vm0, v36, v39  }
0x10a: {  	v35 =	vsel vm0, v40, v35;
	v39 =	vshll.u32 v36, $0x5;
	v36 =	vand.u32 $0x60, v37  }
0x10b: {  	v35 =	vshll.u32 v35, $0x7;
	v36 =	vor.u32 v38, v36;
	v37 =	vand.u32 $0x60, v39  }
0x10c: {  	v35 =	vor.u32 v35, v37  }
0x10d: {  	v37 =	vor.u32 $0x1, v36  }
0x10e: {  	v38 =	vor.u32 $0x1, v35  }
0x10f: {  	v39 =	vor.u32 $0x2, v36  }
0x110: {  	v41 =	vor.u32 $0x2, v35;
	v40 =	vld.idx.msk [tilespmem:v36+s3+$0x0], $0xffff  }
0x111: {  	v43 =	vor.u32 $0x3, v36;
	v42 =	vld.idx.msk [tilespmem:v35+s22+$0x0], $0xffff  }
0x112: {  	v44 =	vor.u32 $0x3, v35;
	v37 =	vld.idx.msk [tilespmem:v37+s3+$0x0], $0xffff  }
0x113: {  	v45 =	vor.u32 $0x4, v36;
	v38 =	vld.idx.msk [tilespmem:v38+s22+$0x0], $0xffff  }
0x114: {  	v46 =	vor.u32 $0x4, v35;
	v39 =	vld.idx.msk [tilespmem:v39+s3+$0x0], $0xffff  }
0x115: {  	v47 =	vor.u32 $0x5, v36;
	v41 =	vld.idx.msk [tilespmem:v41+s22+$0x0], $0xffff  }
0x116: {  	v48 =	vor.u32 $0x5, v35;
	v43 =	vld.idx.msk [tilespmem:v43+s3+$0x0], $0xffff  }
0x117: {  	v40 =	vmul.f32 v42, v40;
	v42 =	vld.idx.msk [tilespmem:v44+s22+$0x0], $0xffff;
	v44 =	vor.u32 $0x6, v36  }
0x118: {  	v49 =	vor.u32 $0x6, v35;
	v45 =	vld.idx.msk [tilespmem:v45+s3+$0x0], $0xffff  }
0x119: {  	v40 =	vmul.f32 v40, v34;
	v37 =	vmul.f32 v38, v37;
	v38 =	vld.idx.msk [tilespmem:v46+s22+$0x0], $0xffff;
	v46 =	vor.u32 $0x7, v36  }
0x11a: {  	v51 =	vor.u32 $0x8, v36;
	v50 =	vor.u32 $0x7, v35;
	v47 =	vld.idx.msk [tilespmem:v47+s3+$0x0], $0xffff  }
0x11b: {  	v40 =	vadd.f32 $0.0e+00, v40;
	v37 =	vmul.f32 v37, v33;
	v39 =	vmul.f32 v41, v39;
	v41 =	vld.idx.msk [tilespmem:v48+s22+$0x0], $0xffff  }
0x11c: {  	v52 =	vor.u32 $0x9, v36;
	v48 =	vor.u32 $0x8, v35;
	v44 =	vld.idx.msk [tilespmem:v44+s3+$0x0], $0xffff  }
0x11d: {  	v37 =	vadd.f32 v37, v40;
	v39 =	vmul.f32 v39, v32;
	v40 =	vmul.f32 v42, v43;
	v42 =	vld.idx.msk [tilespmem:v49+s22+$0x0], $0xffff  }
0x11e: {  	v49 =	vor.u32 $0xA, v36;
	v43 =	vld.idx.msk [tilespmem:v46+s3+$0x0], $0xffff;
	v46 =	vor.u32 $0x9, v35  }
0x11f: {  	v37 =	vadd.f32 v39, v37;
	v39 =	vmul.f32 v40, v31;
	v38 =	vmul.f32 v38, v45;
	v40 =	vld.idx.msk [tilespmem:v50+s22+$0x0], $0xffff  }
0x120: {  	v50 =	vor.u32 $0xA, v35;
	v45 =	vld.idx.msk [tilespmem:v51+s3+$0x0], $0xffff;
	v51 =	vor.u32 $0xB, v36  }
0x121: {  	v37 =	vadd.f32 v39, v37;
	v38 =	vmul.f32 v38, v30;
	v39 =	vmul.f32 v41, v47;
	v41 =	vld.idx.msk [tilespmem:v48+s22+$0x0], $0xffff  }
0x122: {  	v48 =	vor.u32 $0xB, v35;
	v47 =	vld.idx.msk [tilespmem:v52+s3+$0x0], $0xffff;
	v52 =	vor.u32 $0xC, v36  }
0x123: {  	v37 =	vadd.f32 v38, v37;
	v38 =	vmul.f32 v39, v29;
	v39 =	vmul.f32 v42, v44;
	v42 =	vld.idx.msk [tilespmem:v46+s22+$0x0], $0xffff  }
0x124: {  	v46 =	vor.u32 $0xC, v35;
	v44 =	vld.idx.msk [tilespmem:v49+s3+$0x0], $0xffff;
	v49 =	vor.u32 $0xD, v36  }
0x125: {  	v37 =	vadd.f32 v38, v37;
	v38 =	vmul.f32 v39, v28;
	v39 =	vmul.f32 v40, v43;
	v40 =	vld.idx.msk [tilespmem:v50+s22+$0x0], $0xffff  }
0x126: {  	v50 =	vor.u32 $0xD, v35;
	v43 =	vld.idx.msk [tilespmem:v51+s3+$0x0], $0xffff;
	v51 =	vor.u32 $0xE, v36  }
0x127: {  	v37 =	vadd.f32 v38, v37;
	v38 =	vmul.f32 v39, v27;
	v39 =	vmul.f32 v41, v45;
	v41 =	vld.idx.msk [tilespmem:v48+s22+$0x0], $0xffff  }
0x128: {  	v48 =	vor.u32 $0xE, v35;
	v45 =	vld.idx.msk [tilespmem:v52+s3+$0x0], $0xffff;
	v52 =	vor.u32 $0xF, v36  }
0x129: {  	v37 =	vadd.f32 v38, v37;
	v38 =	vmul.f32 v39, v26;
	v39 =	vmul.f32 v42, v47;
	v42 =	vld.idx.msk [tilespmem:v46+s22+$0x0], $0xffff  }
0x12a: {  	v47 =	vor.u32 $0xF, v35;
	v46 =	vld.idx.msk [tilespmem:v49+s3+$0x0], $0xffff;
	v49 =	vor.u32 $0x10, v36  }
0x12b: {  	v37 =	vadd.f32 v38, v37;
	v38 =	vmul.f32 v39, v25;
	v39 =	vmul.f32 v40, v44;
	v40 =	vld.idx.msk [tilespmem:v50+s22+$0x0], $0xffff  }
0x12c: {  	v50 =	vor.u32 $0x10, v35;
	v44 =	vld.idx.msk [tilespmem:v51+s3+$0x0], $0xffff;
	v51 =	vor.u32 $0x11, v36  }
0x12d: {  	v37 =	vadd.f32 v38, v37;
	v38 =	vmul.f32 v39, v24;
	v39 =	vmul.f32 v41, v43;
	v41 =	vld.idx.msk [tilespmem:v48+s22+$0x0], $0xffff  }
0x12e: {  	v48 =	vor.u32 $0x11, v35;
	v43 =	vld.idx.msk [tilespmem:v52+s3+$0x0], $0xffff;
	v52 =	vor.u32 $0x12, v36  }
0x12f: {  	v37 =	vadd.f32 v38, v37;
	v38 =	vmul.f32 v39, v23;
	v39 =	vmul.f32 v42, v45;
	v42 =	vld.idx.msk [tilespmem:v47+s22+$0x0], $0xffff  }
0x130: {  	v47 =	vor.u32 $0x12, v35;
	v45 =	vld.idx.msk [tilespmem:v49+s3+$0x0], $0xffff;
	v49 =	vor.u32 $0x13, v36  }
0x131: {  	v37 =	vadd.f32 v38, v37;
	v38 =	vmul.f32 v39, v22;
	v39 =	vmul.f32 v40, v46;
	v40 =	vld.idx.msk [tilespmem:v50+s22+$0x0], $0xffff  }
0x132: {  	v50 =	vor.u32 $0x13, v35;
	v46 =	vld.idx.msk [tilespmem:v51+s3+$0x0], $0xffff;
	v51 =	vor.u32 $0x14, v36  }
0x133: {  	v37 =	vadd.f32 v38, v37;
	v38 =	vmul.f32 v39, v21;
	v39 =	vmul.f32 v41, v44;
	v41 =	vld.idx.msk [tilespmem:v48+s22+$0x0], $0xffff  }
0x134: {  	v48 =	vor.u32 $0x14, v35;
	v44 =	vld.idx.msk [tilespmem:v52+s3+$0x0], $0xffff;
	v52 =	vor.u32 $0x15, v36  }
0x135: {  	v37 =	vadd.f32 v38, v37;
	v38 =	vmul.f32 v39, v20;
	v39 =	vmul.f32 v42, v43;
	v42 =	vld.idx.msk [tilespmem:v47+s22+$0x0], $0xffff  }
0x136: {  	v47 =	vor.u32 $0x15, v35;
	v43 =	vld.idx.msk [tilespmem:v49+s3+$0x0], $0xffff;
	v49 =	vor.u32 $0x16, v36  }
0x137: {  	v37 =	vadd.f32 v38, v37;
	v38 =	vmul.f32 v39, v19;
	v39 =	vmul.f32 v40, v45;
	v40 =	vld.idx.msk [tilespmem:v50+s22+$0x0], $0xffff  }
0x138: {  	v50 =	vor.u32 $0x16, v35;
	v45 =	vld.idx.msk [tilespmem:v51+s3+$0x0], $0xffff;
	v51 =	vor.u32 $0x17, v36  }
0x139: {  	v37 =	vadd.f32 v38, v37;
	v38 =	vmul.f32 v39, v18;
	v39 =	vmul.f32 v41, v46;
	v41 =	vld.idx.msk [tilespmem:v48+s22+$0x0], $0xffff  }
0x13a: {  	v48 =	vor.u32 $0x17, v35;
	v46 =	vld.idx.msk [tilespmem:v52+s3+$0x0], $0xffff;
	v52 =	vor.u32 $0x18, v36  }
0x13b: {  	v37 =	vadd.f32 v38, v37;
	v38 =	vmul.f32 v39, v17;
	v39 =	vmul.f32 v42, v44;
	v42 =	vld.idx.msk [tilespmem:v47+s22+$0x0], $0xffff  }
0x13c: {  	v47 =	vor.u32 $0x18, v35;
	v44 =	vld.idx.msk [tilespmem:v49+s3+$0x0], $0xffff;
	v49 =	vor.u32 $0x19, v36  }
0x13d: {  	v37 =	vadd.f32 v38, v37;
	v38 =	vmul.f32 v39, v16;
	v39 =	vmul.f32 v40, v43;
	v40 =	vld.idx.msk [tilespmem:v50+s22+$0x0], $0xffff  }
0x13e: {  	v50 =	vor.u32 $0x19, v35;
	v43 =	vld.idx.msk [tilespmem:v51+s3+$0x0], $0xffff;
	v51 =	vor.u32 $0x1A, v36  }
0x13f: {  	v37 =	vadd.f32 v38, v37;
	v38 =	vmul.f32 v39, v15;
	v39 =	vmul.f32 v41, v45;
	v41 =	vld.idx.msk [tilespmem:v48+s22+$0x0], $0xffff  }
0x140: {  	v48 =	vor.u32 $0x1A, v35;
	v45 =	vld.idx.msk [tilespmem:v52+s3+$0x0], $0xffff;
	v52 =	vor.u32 $0x1B, v36  }
0x141: {  	v37 =	vadd.f32 v38, v37;
	v38 =	vmul.f32 v39, v14;
	v39 =	vmul.f32 v42, v46;
	v42 =	vld.idx.msk [tilespmem:v47+s22+$0x0], $0xffff  }
0x142: {  	v47 =	vor.u32 $0x1B, v35;
	v46 =	vld.idx.msk [tilespmem:v49+s3+$0x0], $0xffff;
	v49 =	vor.u32 $0x1C, v36  }
0x143: {  	v37 =	vadd.f32 v38, v37;
	v38 =	vmul.f32 v39, v13;
	v39 =	vmul.f32 v40, v44;
	v40 =	vld.idx.msk [tilespmem:v50+s22+$0x0], $0xffff  }
0x144: {  	v50 =	vor.u32 $0x1C, v35;
	v44 =	vld.idx.msk [tilespmem:v51+s3+$0x0], $0xffff;
	v51 =	vor.u32 $0x1D, v36  }
0x145: {  	v37 =	vadd.f32 v38, v37;
	v38 =	vmul.f32 v39, v12;
	v39 =	vmul.f32 v41, v43;
	v41 =	vld.idx.msk [tilespmem:v48+s22+$0x0], $0xffff  }
0x146: {  	v48 =	vor.u32 $0x1D, v35;
	v43 =	vld.idx.msk [tilespmem:v52+s3+$0x0], $0xffff;
	v52 =	vor.u32 $0x1E, v36  }
0x147: {  	v37 =	vadd.f32 v38, v37;
	v38 =	vmul.f32 v39, v11;
	v39 =	vmul.f32 v42, v45;
	v42 =	vld.idx.msk [tilespmem:v47+s22+$0x0], $0xffff  }
0x148: {  	v36 =	vor.u32 $0x1F, v36;
	v47 =	vor.u32 $0x1E, v35;
	v45 =	vld.idx.msk [tilespmem:v49+s3+$0x0], $0xffff  }
0x149: {  	v37 =	vadd.f32 v38, v37;
	v38 =	vmul.f32 v39, v10;
	v39 =	vmul.f32 v40, v46;
	v40 =	vld.idx.msk [tilespmem:v50+s22+$0x0], $0xffff  }
0x14a: {  	v35 =	vor.u32 $0x1F, v35;
	v46 =	vld.idx.msk [tilespmem:v51+s3+$0x0], $0xffff  }
0x14b: {  	v37 =	vadd.f32 v38, v37;
	v38 =	vmul.f32 v39, v9;
	v39 =	vmul.f32 v41, v44;
	v41 =	vld.idx.msk [tilespmem:v48+s22+$0x0], $0xffff  }
0x14c: {  	v44 =	vld.idx.msk [tilespmem:v52+s3+$0x0], $0xffff  }
0x14d: {  	v37 =	vadd.f32 v38, v37;
	v38 =	vmul.f32 v39, v8;
	v39 =	vmul.f32 v42, v43;
	v42 =	vld.idx.msk [tilespmem:v47+s22+$0x0], $0xffff  }
0x14e: {  	v36 =	vld.idx.msk [tilespmem:v36+s3+$0x0], $0xffff  }
0x14f: {  	v37 =	vadd.f32 v38, v37;
	v38 =	vmul.f32 v39, v7;
	v39 =	vmul.f32 v40, v45;
	v35 =	vld.idx.msk [tilespmem:v35+s22+$0x0], $0xffff;
	_ =	sdelay $0x1  }
0x150: {  	v37 =	vadd.f32 v38, v37;
	v38 =	vmul.f32 v39, v6;
	v39 =	vmul.f32 v41, v46;
	_ =	sdelay $0x1  }
0x151: {  	v37 =	vadd.f32 v38, v37;
	v38 =	vmul.f32 v39, v5;
	v39 =	vmul.f32 v42, v44;
	_ =	sdelay $0x1  }
0x152: {  	v37 =	vadd.f32 v38, v37;
	v38 =	vmul.f32 v39, v4;
	v35 =	vmul.f32 v35, v36;
	_ =	sdelay $0x1  }
0x153: {  	v36 =	vadd.f32 v38, v37;
	v35 =	vmul.f32 v35, v3;
	_ =	sdelay $0x1  }
0x154: {  	v35 =	vadd.f32 v35, v36;
	_ =	sdelay $0x1  }
0x155: {  	v35 =	vadd.f32 v35, v2;
	_ =	sdelay $0x1  }
0x156: {  	v35 =	vsub.f32 $0.0e+00, v35;
	_ =	sdelay $0x1  }
0x157: {  	v35 =	vmul.f32 $1.442695020e+00, v35;
	_ =	sdelay $0x1  }
0x158: {  	(erf) = vpow2.f32 v35;
	_ =	sdelay $0x8  }
0x159: {  	v35 =	vpop (erf)  }
0x15a: {  	v35 =	vadd.f32 $1.000000000e+00, v35;
	_ =	sdelay $0x1  }
0x15b: {  	(erf) = vrcp.f32 v35;
	_ =	sdelay $0x8  }
0x15c: {  	s25 =	sadd.s32 $0x10, s25;
	v35 =	vpop (erf)  }
0x15d: {  	s29 =	sadd.s32 $0x10, s29;
	[tilespmem:s25+$0x0] =	vst v35  }
0x15e: {  	v37 =	vld [tilespmem:s29+$0x0]  }
.Ltmp1:
0x15f: {  	(pc) =	sbr.rel @p0 .LBB2_4-.Ltmp1, $3  }
0x160: {  	_ =	sdelay $0x1  }
0x161: {  	s30 =	sadd.s32 $0x10, s30;
	v35 =	vor.u32 s31, v1  }
0x162: {  	s31 =	sadd.s32 $0x10, s31;
	vm0 =	vgt.s32 v37, $0xF3FFF;
	v38 =	vadd.s32 $0x7F0C000, v37;
	vm1 =	vgt.s32 v37, $0xB6FFF;
	v36 =	vld [tilespmem:s30+$0x0]  }
0x163: {  	vm2 =	vgt.s32 v37, $0x3CFFF;
	vm3 =	vgt.s32 v37, $0x79FFF  }
0x164: {  	v38 =	vshrl.u32 v38, $0x2;
	v39 =	vsel vm2, $0x1, v0;
	v40 =	vsel vm3, $0x1, v0  }
0x165: {  	v45 =	vsel vm1, $0x1, v0;
	v38 =	vadd.s32 $0x100, v38;
	v39 =	vadd.s32 v40, v39  }
0x166: {  	v38 =	vsel vm0, v38, v35;
	v39 =	vadd.s32 v45, v39  }
0x167: {  	v38 =	vshll.u32 v38, $0x7;
	v46 =	vsel vm0, v37, v39;
	vm4 =	vgt.s32 v36, $0x3CFFF  }
0x168: {  	vm5 =	vgt.s32 v36, $0x79FFF;
	vm6 =	vgt.s32 v36, $0xB6FFF;
	v41 =	vadd.s32 $0x7F0C000, v36  }
0x169: {  	vm7 =	vgt.s32 v36, $0xF3FFF;
	v47 =	vsel vm4, $0x1, v0;
	v48 =	vsel vm5, $0x1, v0  }
0x16a: {  	v49 =	vsel vm6, $0x1, v0;
	v41 =	vshrl.u32 v41, $0x2;
	v37 =	vshll.u32 v46, $0x5  }
0x16b: {  	v39 =	vadd.s32 v48, v47;
	v50 =	vadd.s32 $0x100, v41;
	v52 =	vand.u32 $0x60, v37  }
0x16c: {  	v39 =	vadd.s32 v49, v39;
	v51 =	vsel vm7, v50, v35;
	v35 =	vor.u32 v38, v52  }
0x16d: {  	v36 =	vsel vm7, v36, v39;
	v54 =	vor.u32 $0x1, v35  }
0x16e: {  	v56 =	vor.u32 $0x2, v35;
	v36 =	vshll.u32 v36, $0x5  }
0x16f: {  	v53 =	vshll.u32 v51, $0x7;
	v43 =	vor.u32 $0x3, v35;
	v36 =	vand.u32 $0x60, v36  }
0x170: {  	v36 =	vor.u32 v53, v36  }
0x171: {  	v45 =	vor.u32 $0x4, v35;
	v57 =	vld.idx.msk [tilespmem:v35+s3+$0x0], $0xffff  }
0x172: {  	v55 =	vor.u32 $0x1, v36;
	v37 =	vld.idx.msk [tilespmem:v54+s3+$0x0], $0xffff  }
0x173: {  	v47 =	vor.u32 $0x5, v35;
	v39 =	vld.idx.msk [tilespmem:v56+s3+$0x0], $0xffff  }
0x174: {  	v58 =	vor.u32 $0x2, v36;
	v43 =	vld.idx.msk [tilespmem:v43+s3+$0x0], $0xffff  }
0x175: {  	v44 =	vor.u32 $0x3, v36;
	v42 =	vld.idx.msk [tilespmem:v36+s22+$0x0], $0xffff  }
0x176: {  	v46 =	vor.u32 $0x4, v36;
	v45 =	vld.idx.msk [tilespmem:v45+s3+$0x0], $0xffff  }
0x177: {  	v48 =	vor.u32 $0x5, v36;
	v38 =	vld.idx.msk [tilespmem:v55+s22+$0x0], $0xffff  }
0x178: {  	v60 =	vor.u32 $0x6, v35;
	v47 =	vld.idx.msk [tilespmem:v47+s3+$0x0], $0xffff  }
0x179: {  	v49 =	vor.u32 $0x6, v36;
	v41 =	vld.idx.msk [tilespmem:v58+s22+$0x0], $0xffff  }
0x17a: {  	v62 =	vor.u32 $0x7, v35;
	v59 =	vld.idx.msk [tilespmem:v44+s22+$0x0], $0xffff;
	v40 =	vmul.f32 v42, v57  }
0x17b: {  	v50 =	vor.u32 $0x7, v36;
	v61 =	vld.idx.msk [tilespmem:v46+s22+$0x0], $0xffff  }
0x17c: {  	v51 =	vor.u32 $0x8, v36;
	v48 =	vld.idx.msk [tilespmem:v48+s22+$0x0], $0xffff;
	v37 =	vmul.f32 v38, v37;
	v40 =	vmul.f32 v40, v34  }
0x17d: {  	v63 =	vor.u32 $0x8, v35;
	v44 =	vld.idx.msk [tilespmem:v60+s3+$0x0], $0xffff;
	v55 =	vor.u32 $0x9, v36  }
0x17e: {  	v54 =	vld.idx.msk [tilespmem:v49+s22+$0x0], $0xffff;
	v39 =	vmul.f32 v41, v39;
	v37 =	vmul.f32 v37, v33;
	v40 =	vadd.f32 $0.0e+00, v40  }
0x17f: {  	v46 =	vld.idx.msk [tilespmem:v62+s3+$0x0], $0xffff;
	v42 =	vor.u32 $0x9, v35;
	v57 =	vor.u32 $0xA, v35  }
0x180: {  	v58 =	vld.idx.msk [tilespmem:v50+s22+$0x0], $0xffff;
	v53 =	vmul.f32 v59, v43;
	v39 =	vmul.f32 v39, v32;
	v37 =	vadd.f32 v37, v40  }
0x181: {  	v62 =	vld.idx.msk [tilespmem:v51+s22+$0x0], $0xffff;
	v38 =	vmul.f32 v61, v45;
	v59 =	vor.u32 $0xA, v36  }
0x182: {  	v41 =	vld.idx.msk [tilespmem:v63+s3+$0x0], $0xffff;
	v61 =	vor.u32 $0xB, v35;
	v56 =	vmul.f32 v53, v31;
	v37 =	vadd.f32 v39, v37  }
0x183: {  	v60 =	vmul.f32 v48, v47;
	v63 =	vor.u32 $0xB, v36;
	v53 =	vmul.f32 v54, v44;
	v44 =	vld.idx.msk [tilespmem:v55+s22+$0x0], $0xffff  }
0x184: {  	v43 =	vor.u32 $0xC, v35;
	v38 =	vmul.f32 v38, v30;
	v42 =	vld.idx.msk [tilespmem:v42+s3+$0x0], $0xffff;
	v37 =	vadd.f32 v56, v37  }
0x185: {  	v49 =	vor.u32 $0xC, v36;
	v52 =	vmul.f32 v60, v29;
	v40 =	vld.idx.msk [tilespmem:v57+s3+$0x0], $0xffff  }
0x186: {  	v55 =	vmul.f32 v58, v46;
	v58 =	vor.u32 $0xD, v36;
	v57 =	vld.idx.msk [tilespmem:v59+s22+$0x0], $0xffff;
	v37 =	vadd.f32 v38, v37  }
0x187: {  	v54 =	vmul.f32 v53, v28;
	v47 =	vld.idx.msk [tilespmem:v61+s3+$0x0], $0xffff;
	v56 =	vor.u32 $0xD, v35  }
0x188: {  	v60 =	vmul.f32 v62, v41;
	v61 =	vor.u32 $0xE, v35;
	v62 =	vld.idx.msk [tilespmem:v63+s22+$0x0], $0xffff;
	v37 =	vadd.f32 v52, v37  }
0x189: {  	v59 =	vmul.f32 v55, v27;
	v63 =	vor.u32 $0xE, v36;
	v43 =	vld.idx.msk [tilespmem:v43+s3+$0x0], $0xffff  }
0x18a: {  	v53 =	vmul.f32 v44, v42;
	v42 =	vor.u32 $0xF, v35;
	v44 =	vld.idx.msk [tilespmem:v49+s22+$0x0], $0xffff;
	v37 =	vadd.f32 v54, v37  }
0x18b: {  	v49 =	vor.u32 $0xF, v36;
	v55 =	vmul.f32 v57, v40;
	v57 =	vld.idx.msk [tilespmem:v58+s22+$0x0], $0xffff  }
0x18c: {  	v52 =	vmul.f32 v60, v26;
	v45 =	vld.idx.msk [tilespmem:v56+s3+$0x0], $0xffff;
	v56 =	vor.u32 $0x10, v35;
	v37 =	vadd.f32 v59, v37  }
0x18d: {  	v58 =	vor.u32 $0x10, v36;
	v41 =	vld.idx.msk [tilespmem:v61+s3+$0x0], $0xffff  }
0x18e: {  	v60 =	vmul.f32 v62, v47;
	v62 =	vld.idx.msk [tilespmem:v63+s22+$0x0], $0xffff;
	v54 =	vmul.f32 v53, v25;
	v37 =	vadd.f32 v52, v37  }
0x18f: {  	v61 =	vor.u32 $0x11, v35;
	v63 =	vor.u32 $0x11, v36;
	v42 =	vld.idx.msk [tilespmem:v42+s3+$0x0], $0xffff  }
0x190: {  	v53 =	vmul.f32 v44, v43;
	v44 =	vld.idx.msk [tilespmem:v49+s22+$0x0], $0xffff;
	v59 =	vmul.f32 v55, v24;
	v37 =	vadd.f32 v54, v37  }
0x191: {  	v43 =	vor.u32 $0x12, v35;
	v52 =	vmul.f32 v60, v23;
	v40 =	vld.idx.msk [tilespmem:v56+s3+$0x0], $0xffff  }
0x192: {  	v55 =	vmul.f32 v57, v45;
	v56 =	vor.u32 $0x13, v35;
	v57 =	vld.idx.msk [tilespmem:v58+s22+$0x0], $0xffff;
	v37 =	vadd.f32 v59, v37  }
0x193: {  	v58 =	vor.u32 $0x13, v36  }
0x194: {  	v49 =	vor.u32 $0x12, v36;
	v47 =	vld.idx.msk [tilespmem:v61+s3+$0x0], $0xffff;
	v54 =	vmul.f32 v53, v22;
	v37 =	vadd.f32 v52, v37  }
0x195: {  	v60 =	vmul.f32 v62, v41;
	v62 =	vld.idx.msk [tilespmem:v63+s22+$0x0], $0xffff  }
0x196: {  	v61 =	vor.u32 $0x14, v35;
	v43 =	vld.idx.msk [tilespmem:v43+s3+$0x0], $0xffff;
	v59 =	vmul.f32 v55, v21;
	v37 =	vadd.f32 v54, v37  }
0x197: {  	v63 =	vor.u32 $0x14, v36;
	v53 =	vmul.f32 v44, v42;
	v45 =	vld.idx.msk [tilespmem:v56+s3+$0x0], $0xffff;
	v56 =	vmul.f32 v57, v40  }
0x198: {  	v57 =	vor.u32 $0x16, v35;
	v58 =	vld.idx.msk [tilespmem:v58+s22+$0x0], $0xffff;
	v52 =	vmul.f32 v60, v20;
	v37 =	vadd.f32 v59, v37  }
0x199: {  	v42 =	vor.u32 $0x15, v35;
	v54 =	vld.idx.msk [tilespmem:v49+s22+$0x0], $0xffff  }
0x19a: {  	v55 =	vmul.f32 v53, v19;
	v49 =	vor.u32 $0x15, v36;
	v37 =	vadd.f32 v52, v37  }
0x19b: {  	v50 =	vor.u32 $0x16, v36;
	v41 =	vld.idx.msk [tilespmem:v61+s3+$0x0], $0xffff;
	v61 =	vor.u32 $0x17, v35  }
0x19c: {  	v60 =	vmul.f32 v62, v47;
	v62 =	vld.idx.msk [tilespmem:v63+s22+$0x0], $0xffff;
	v59 =	vmul.f32 v56, v18;
	v37 =	vadd.f32 v55, v37  }
0x19d: {  	v63 =	vor.u32 $0x17, v36;
	v40 =	vld.idx.msk [tilespmem:v57+s3+$0x0], $0xffff;
	v57 =	vmul.f32 v58, v45;
	v58 =	vor.u32 $0x19, v35  }
0x19e: {  	v42 =	vld.idx.msk [tilespmem:v42+s3+$0x0], $0xffff;
	v52 =	vmul.f32 v60, v17;
	v53 =	vmul.f32 v54, v43;
	v37 =	vadd.f32 v59, v37  }
0x19f: {  	v54 =	vor.u32 $0x18, v35;
	v55 =	vld.idx.msk [tilespmem:v49+s22+$0x0], $0xffff  }
0x1a0: {  	v47 =	vld.idx.msk [tilespmem:v61+s3+$0x0], $0xffff;
	v49 =	vor.u32 $0x18, v36;
	v56 =	vmul.f32 v53, v16;
	v37 =	vadd.f32 v52, v37  }
0x1a1: {  	v61 =	vmul.f32 v62, v41;
	v62 =	vor.u32 $0x1A, v35;
	v59 =	vld.idx.msk [tilespmem:v50+s22+$0x0], $0xffff  }
0x1a2: {  	v63 =	vld.idx.msk [tilespmem:v63+s22+$0x0], $0xffff;
	v60 =	vmul.f32 v57, v15;
	v50 =	vor.u32 $0x19, v36;
	v37 =	vadd.f32 v56, v37  }
0x1a3: {  	v51 =	vor.u32 $0x1A, v36;
	v45 =	vld.idx.msk [tilespmem:v58+s3+$0x0], $0xffff  }
0x1a4: {  	v43 =	vld.idx.msk [tilespmem:v54+s3+$0x0], $0xffff;
	v54 =	vmul.f32 v61, v14;
	v55 =	vmul.f32 v55, v42;
	v37 =	vadd.f32 v60, v37  }
0x1a5: {  	v57 =	vld.idx.msk [tilespmem:v49+s22+$0x0], $0xffff;
	v49 =	vor.u32 $0x1B, v36;
	v56 =	vor.u32 $0x1B, v35  }
0x1a6: {  	v41 =	vld.idx.msk [tilespmem:v62+s3+$0x0], $0xffff;
	v58 =	vmul.f32 v55, v13;
	v59 =	vmul.f32 v59, v40;
	v37 =	vadd.f32 v54, v37  }
0x1a7: {  	v62 =	vmul.f32 v63, v47;
	v46 =	vld.idx.msk [tilespmem:v50+s22+$0x0], $0xffff;
	v60 =	vor.u32 $0x1C, v35  }
0x1a8: {  	v50 =	vor.u32 $0x1C, v36;
	v61 =	vmul.f32 v59, v12;
	v37 =	vadd.f32 v58, v37  }
0x1a9: {  	v48 =	vld.idx.msk [tilespmem:v51+s22+$0x0], $0xffff;
	v63 =	vor.u32 $0x1D, v35;
	v55 =	vmul.f32 v62, v11  }
0x1aa: {  	v54 =	vor.u32 $0x1D, v36;
	v42 =	vld.idx.msk [tilespmem:v56+s3+$0x0], $0xffff;
	v56 =	vmul.f32 v57, v43;
	v37 =	vadd.f32 v61, v37  }
0x1ab: {  	v59 =	vor.u32 $0x1E, v36;
	v57 =	vor.u32 $0x1E, v35;
	v58 =	vld.idx.msk [tilespmem:v49+s22+$0x0], $0xffff  }
0x1ac: {  	v40 =	vld.idx.msk [tilespmem:v60+s3+$0x0], $0xffff;
	v60 =	vmul.f32 v56, v10;
	v61 =	vmul.f32 v46, v45;
	v37 =	vadd.f32 v55, v37  }
0x1ad: {  	v36 =	vor.u32 $0x1F, v36;
	v35 =	vor.u32 $0x1F, v35;
	v62 =	vld.idx.msk [tilespmem:v50+s22+$0x0], $0xffff  }
0x1ae: {  	v63 =	vld.idx.msk [tilespmem:v63+s3+$0x0], $0xffff;
	v50 =	vmul.f32 v48, v41;
	v47 =	vmul.f32 v61, v9;
	v37 =	vadd.f32 v60, v37  }
0x1af: {  	v51 =	vld.idx.msk [tilespmem:v54+s22+$0x0], $0xffff  }
0x1b0: {  	v52 =	vmul.f32 v50, v8;
	v54 =	vld.idx.msk [tilespmem:v59+s22+$0x0], $0xffff;
	v53 =	vmul.f32 v58, v42;
	v37 =	vadd.f32 v47, v37  }
0x1b1: {  	v43 =	vld.idx.msk [tilespmem:v57+s3+$0x0], $0xffff  }
0x1b2: {  	v36 =	vld.idx.msk [tilespmem:v36+s22+$0x0], $0xffff;
	v56 =	vmul.f32 v62, v40;
	v55 =	vmul.f32 v53, v7;
	v37 =	vadd.f32 v52, v37  }
0x1b3: {  	v35 =	vld.idx.msk [tilespmem:v35+s3+$0x0], $0xffff  }
0x1b4: {  	v57 =	vmul.f32 v56, v6;
	v58 =	vmul.f32 v51, v63;
	v37 =	vadd.f32 v55, v37;
	_ =	sdelay $0x1  }
0x1b5: {  	v60 =	vmul.f32 v54, v43;
	v59 =	vmul.f32 v58, v5;
	v37 =	vadd.f32 v57, v37;
	_ =	sdelay $0x1  }
0x1b6: {  	v35 =	vmul.f32 v36, v35;
	v61 =	vmul.f32 v60, v4;
	v37 =	vadd.f32 v59, v37;
	_ =	sdelay $0x1  }
0x1b7: {  	v35 =	vmul.f32 v35, v3;
	v62 =	vadd.f32 v61, v37;
	_ =	sdelay $0x1  }
0x1b8: {  	v35 =	vadd.f32 v35, v62;
	_ =	sdelay $0x1  }
0x1b9: {  	v35 =	vadd.f32 v35, v2;
	_ =	sdelay $0x1  }
0x1ba: {  	v35 =	vsub.f32 $0.0e+00, v35;
	_ =	sdelay $0x1  }
0x1bb: {  	v35 =	vmul.f32 $1.442695020e+00, v35;
	_ =	sdelay $0x1  }
0x1bc: {  	(erf) = vpow2.f32 v35;
	_ =	sdelay $0x8  }
0x1bd: {  	v35 =	vpop (erf)  }
0x1be: {  	v35 =	vadd.f32 $1.000000000e+00, v35;
	_ =	sdelay $0x1  }
0x1bf: {  	(erf) = vrcp.f32 v35;
	_ =	sdelay $0x8  }
0x1c0: {  	s25 =	sadd.s32 $0x10, s25;
	v35 =	vpop (erf)  }
0x1c1: {  	s0 =	simm.s32 $0x500;
	[tilespmem:s25+$0x0] =	vst v35  }
0x1c2: {  	[tilespmem:s3], [sflag:$0x1] =	stream.indirect.gather [hbm4b:s2+s21], $0x80, s0, s21, $0xb8;
	[tilespmem:$0x19C80] =	vst v63  }
0x1c3: {  	s25 =	simm.s32 $0x700  }
0x1c4: {  	[tilespmem:s22], [sflag:$0x1] =	stream.indirect.gather [hbm4b:s4+s21], $0x80, s25, s21, $0xb8;
	[tilespmem:$0x19C80] =	vst v63  }
0x1c5: {  	s25 =	simm.s32 $0x580  }
0x1c6: {  	[tilespmem:s24], [sflag:$0x1] =	stream.indirect.gather [hbm4b:s2+s21], $0x80, s25, s21, $0xb8;
	[tilespmem:$0x19C80] =	vst v63  }
0x1c7: {  	s25 =	simm.s32 $0x780  }
0x1c8: {  	[tilespmem:s26], [sflag:$0x1] =	stream.indirect.gather [hbm4b:s4+s21], $0x80, s25, s21, $0xb8;
	[tilespmem:$0x19C80] =	vst v63  }
0x1c9: {  	_ =	swait.ge [sflag:s28], $0x4000  }
0x1ca: {  	[sflag:s28] =	ssyncset.done $0x0  }
0x1cb: {  	[sflag:s28] =	ssyncadd.s32 $0xFFFFC000  }
0x1cc: {  	_ =	swait.ge [sflag:s28], $0x4000  }
0x1cd: {  	[sflag:s28] =	ssyncset.done $0x0  }
0x1ce: {  	[sflag:s28] =	ssyncadd.s32 $0xFFFFC000  }
0x1cf: {  	_ =	swait.ge [sflag:s28], $0x4000  }
0x1d0: {  	[sflag:s28] =	ssyncset.done $0x0  }
0x1d1: {  	[sflag:s28] =	ssyncadd.s32 $0xFFFFC000  }
0x1d2: {  	s29 =	simm.s32 $0x100;
	s0 =	simm.s32 $0x0;
	_ =	swait.ge [sflag:s28], $0x4000  }
0x1d3: {  	s29 =	sand.u32 $0x180, s29;
	s30 =	sand.u32 $0x70, s0;
	[sflag:s28] =	ssyncset.done $0x0  }
0x1d4: {  	s29 =	sor.u32 s30, s29;
	[sflag:s28] =	ssyncadd.s32 $0xFFFFC000  }
0x1d5: {  	v63 =	vld [tilespmem:s29+$0x0];
	_ =	sdelay $0x1  }
0x1d6: {  	v46 =	vld [tilespmem:s29+$0x200];
	_ =	sdelay $0x2  }
0x1d7: {  	v44 =	vor.u32 s0, v1;
	vm8 =	vgt.s32 v63, $0xF3FFF;
	v45 =	vadd.s32 $0x7F0C000, v63  }
0x1d8: {  	vm9 =	vgt.s32 v63, $0xB6FFF;
	vm10 =	vgt.s32 v63, $0x3CFFF;
	vm11 =	vgt.s32 v63, $0x79FFF  }
0x1d9: {  	vm12 =	vgt.s32 v46, $0x3CFFF;
	vm13 =	vgt.s32 v46, $0x79FFF;
	vm14 =	vgt.s32 v46, $0xB6FFF  }
0x1da: {  	v52 =	vadd.s32 $0x7F0C000, v46;
	v47 =	vsel vm10, $0x1, v0;
	v48 =	vsel vm11, $0x1, v0  }
0x1db: {  	vm15 =	vgt.s32 v46, $0xF3FFF;
	v49 =	vsel vm9, $0x1, v0;
	v39 =	vadd.s32 v48, v47  }
0x1dc: {  	v37 =	vshrl.u32 v45, $0x2;
	v50 =	vsel vm12, $0x1, v0;
	v39 =	vadd.s32 v49, v39  }
0x1dd: {  	v51 =	vsel vm13, $0x1, v0;
	v37 =	vadd.s32 $0x100, v37;
	v35 =	vsel vm8, v63, v39  }
0x1de: {  	v53 =	vsel vm14, $0x1, v0;
	v37 =	vsel vm8, v37, v44;
	v35 =	vshll.u32 v35, $0x5  }
0x1df: {  	v37 =	vshll.u32 v37, $0x7;
	v39 =	vadd.s32 v51, v50;
	v35 =	vand.u32 $0x60, v35  }
0x1e0: {  	v41 =	vshrl.u32 v52, $0x2;
	v39 =	vadd.s32 v53, v39;
	v35 =	vor.u32 v37, v35  }
0x1e1: {  	v54 =	vadd.s32 $0x100, v41;
	v38 =	vsel vm15, v46, v39;
	v56 =	vor.u32 $0x1, v35  }
0x1e2: {  	v36 =	vsel vm15, v54, v44;
	v38 =	vshll.u32 v38, $0x5;
	v58 =	vor.u32 $0x2, v35  }
0x1e3: {  	v36 =	vshll.u32 v36, $0x7;
	v55 =	vand.u32 $0x60, v38;
	v62 =	vor.u32 $0x3, v35  }
0x1e4: {  	v36 =	vor.u32 v36, v55  }
0x1e5: {  	v52 =	vor.u32 $0x4, v35;
	v59 =	vld.idx.msk [tilespmem:v35+s3+$0x0], $0xffff  }
0x1e6: {  	v57 =	vor.u32 $0x1, v36;
	v37 =	vld.idx.msk [tilespmem:v56+s3+$0x0], $0xffff  }
0x1e7: {  	v54 =	vor.u32 $0x5, v35;
	v39 =	vld.idx.msk [tilespmem:v58+s3+$0x0], $0xffff  }
0x1e8: {  	v60 =	vor.u32 $0x2, v36;
	v43 =	vld.idx.msk [tilespmem:v62+s3+$0x0], $0xffff  }
0x1e9: {  	v63 =	vor.u32 $0x3, v36;
	v61 =	vld.idx.msk [tilespmem:v36+s22+$0x0], $0xffff  }
0x1ea: {  	v55 =	vor.u32 $0x5, v36;
	v45 =	vld.idx.msk [tilespmem:v52+s3+$0x0], $0xffff  }
0x1eb: {  	v58 =	vor.u32 $0x6, v36;
	v38 =	vld.idx.msk [tilespmem:v57+s22+$0x0], $0xffff  }
0x1ec: {  	v53 =	vor.u32 $0x4, v36;
	v47 =	vld.idx.msk [tilespmem:v54+s3+$0x0], $0xffff  }
0x1ed: {  	v41 =	vld.idx.msk [tilespmem:v60+s22+$0x0], $0xffff;
	v57 =	vor.u32 $0x6, v35  }
0x1ee: {  	v56 =	vld.idx.msk [tilespmem:v63+s22+$0x0], $0xffff;
	v60 =	vor.u32 $0x7, v35;
	v40 =	vmul.f32 v61, v59  }
0x1ef: {  	v62 =	vor.u32 $0x8, v35;
	v48 =	vld.idx.msk [tilespmem:v55+s22+$0x0], $0xffff  }
0x1f0: {  	v63 =	vor.u32 $0x8, v36;
	v54 =	vld.idx.msk [tilespmem:v58+s22+$0x0], $0xffff;
	v37 =	vmul.f32 v38, v37;
	v40 =	vmul.f32 v40, v34  }
0x1f1: {  	v42 =	vor.u32 $0x9, v35;
	v59 =	vld.idx.msk [tilespmem:v53+s22+$0x0], $0xffff;
	v61 =	vor.u32 $0x7, v36  }
0x1f2: {  	v39 =	vmul.f32 v41, v39;
	v44 =	vld.idx.msk [tilespmem:v57+s3+$0x0], $0xffff;
	v37 =	vmul.f32 v37, v33;
	v40 =	vadd.f32 $0.0e+00, v40  }
0x1f3: {  	v55 =	vor.u32 $0x9, v36;
	v53 =	vmul.f32 v56, v43;
	v46 =	vld.idx.msk [tilespmem:v60+s3+$0x0], $0xffff  }
0x1f4: {  	v57 =	vor.u32 $0xA, v35;
	v41 =	vld.idx.msk [tilespmem:v62+s3+$0x0], $0xffff;
	v39 =	vmul.f32 v39, v32;
	v37 =	vadd.f32 v37, v40  }
0x1f5: {  	v62 =	vld.idx.msk [tilespmem:v63+s22+$0x0], $0xffff;
	v63 =	vor.u32 $0xB, v36;
	v56 =	vmul.f32 v53, v31  }
0x1f6: {  	v38 =	vmul.f32 v59, v45;
	v58 =	vld.idx.msk [tilespmem:v61+s22+$0x0], $0xffff;
	v59 =	vor.u32 $0xA, v36;
	v37 =	vadd.f32 v39, v37  }
0x1f7: {  	v42 =	vld.idx.msk [tilespmem:v42+s3+$0x0], $0xffff;
	v60 =	vmul.f32 v48, v47;
	v43 =	vor.u32 $0xC, v35;
	v61 =	vor.u32 $0xB, v35  }
0x1f8: {  	v53 =	vmul.f32 v54, v44;
	v44 =	vld.idx.msk [tilespmem:v55+s22+$0x0], $0xffff;
	v38 =	vmul.f32 v38, v30;
	v37 =	vadd.f32 v56, v37  }
0x1f9: {  	v49 =	vor.u32 $0xC, v36;
	v52 =	vmul.f32 v60, v29;
	v40 =	vld.idx.msk [tilespmem:v57+s3+$0x0], $0xffff  }
0x1fa: {  	v60 =	vmul.f32 v62, v41;
	v62 =	vld.idx.msk [tilespmem:v63+s22+$0x0], $0xffff;
	v56 =	vor.u32 $0xD, v35;
	v37 =	vadd.f32 v38, v37  }
0x1fb: {  	v55 =	vmul.f32 v58, v46;
	v57 =	vld.idx.msk [tilespmem:v59+s22+$0x0], $0xffff;
	v58 =	vor.u32 $0xD, v36  }
0x1fc: {  	v54 =	vmul.f32 v53, v28;
	v47 =	vld.idx.msk [tilespmem:v61+s3+$0x0], $0xffff;
	v61 =	vor.u32 $0xE, v35;
	v37 =	vadd.f32 v52, v37  }
0x1fd: {  	v63 =	vor.u32 $0xE, v36;
	v43 =	vld.idx.msk [tilespmem:v43+s3+$0x0], $0xffff;
	v53 =	vmul.f32 v44, v42  }
0x1fe: {  	v42 =	vor.u32 $0xF, v35;
	v44 =	vld.idx.msk [tilespmem:v49+s22+$0x0], $0xffff;
	v59 =	vmul.f32 v55, v27;
	v37 =	vadd.f32 v54, v37  }
0x1ff: {  	v49 =	vor.u32 $0xF, v36;
	v52 =	vmul.f32 v60, v26;
	v45 =	vld.idx.msk [tilespmem:v56+s3+$0x0], $0xffff  }
0x200: {  	v55 =	vmul.f32 v57, v40;
	v56 =	vor.u32 $0x10, v35;
	v57 =	vld.idx.msk [tilespmem:v58+s22+$0x0], $0xffff;
	v37 =	vadd.f32 v59, v37  }
0x201: {  	v58 =	vor.u32 $0x10, v36;
	v41 =	vld.idx.msk [tilespmem:v61+s3+$0x0], $0xffff  }
0x202: {  	v60 =	vmul.f32 v62, v47;
	v62 =	vld.idx.msk [tilespmem:v63+s22+$0x0], $0xffff;
	v54 =	vmul.f32 v53, v25;
	v37 =	vadd.f32 v52, v37  }
0x203: {  	v61 =	vor.u32 $0x11, v35;
	v63 =	vor.u32 $0x11, v36;
	v42 =	vld.idx.msk [tilespmem:v42+s3+$0x0], $0xffff  }
0x204: {  	v53 =	vmul.f32 v44, v43;
	v44 =	vld.idx.msk [tilespmem:v49+s22+$0x0], $0xffff;
	v59 =	vmul.f32 v55, v24;
	v37 =	vadd.f32 v54, v37  }
0x205: {  	v43 =	vor.u32 $0x12, v35;
	v52 =	vmul.f32 v60, v23;
	v40 =	vld.idx.msk [tilespmem:v56+s3+$0x0], $0xffff  }
0x206: {  	v55 =	vmul.f32 v57, v45;
	v56 =	vor.u32 $0x13, v35;
	v57 =	vld.idx.msk [tilespmem:v58+s22+$0x0], $0xffff;
	v37 =	vadd.f32 v59, v37  }
0x207: {  	v58 =	vor.u32 $0x13, v36  }
0x208: {  	v49 =	vor.u32 $0x12, v36;
	v47 =	vld.idx.msk [tilespmem:v61+s3+$0x0], $0xffff;
	v54 =	vmul.f32 v53, v22;
	v37 =	vadd.f32 v52, v37  }
0x209: {  	v60 =	vmul.f32 v62, v41;
	v62 =	vld.idx.msk [tilespmem:v63+s22+$0x0], $0xffff  }
0x20a: {  	v61 =	vor.u32 $0x14, v35;
	v43 =	vld.idx.msk [tilespmem:v43+s3+$0x0], $0xffff;
	v59 =	vmul.f32 v55, v21;
	v37 =	vadd.f32 v54, v37  }
0x20b: {  	v63 =	vor.u32 $0x14, v36;
	v53 =	vmul.f32 v44, v42;
	v45 =	vld.idx.msk [tilespmem:v56+s3+$0x0], $0xffff;
	v56 =	vmul.f32 v57, v40  }
0x20c: {  	v57 =	vor.u32 $0x16, v35;
	v58 =	vld.idx.msk [tilespmem:v58+s22+$0x0], $0xffff;
	v52 =	vmul.f32 v60, v20;
	v37 =	vadd.f32 v59, v37  }
0x20d: {  	v42 =	vor.u32 $0x15, v35;
	v54 =	vld.idx.msk [tilespmem:v49+s22+$0x0], $0xffff  }
0x20e: {  	v55 =	vmul.f32 v53, v19;
	v49 =	vor.u32 $0x15, v36;
	v37 =	vadd.f32 v52, v37  }
0x20f: {  	v50 =	vor.u32 $0x16, v36;
	v41 =	vld.idx.msk [tilespmem:v61+s3+$0x0], $0xffff;
	v61 =	vor.u32 $0x17, v35  }
0x210: {  	v60 =	vmul.f32 v62, v47;
	v62 =	vld.idx.msk [tilespmem:v63+s22+$0x0], $0xffff;
	v59 =	vmul.f32 v56, v18;
	v37 =	vadd.f32 v55, v37  }
0x211: {  	v63 =	vor.u32 $0x17, v36;
	v40 =	vld.idx.msk [tilespmem:v57+s3+$0x0], $0xffff;
	v57 =	vmul.f32 v58, v45;
	v58 =	vor.u32 $0x19, v35  }
0x212: {  	v42 =	vld.idx.msk [tilespmem:v42+s3+$0x0], $0xffff;
	v52 =	vmul.f32 v60, v17;
	v53 =	vmul.f32 v54, v43;
	v37 =	vadd.f32 v59, v37  }
0x213: {  	v54 =	vor.u32 $0x18, v35;
	v55 =	vld.idx.msk [tilespmem:v49+s22+$0x0], $0xffff  }
0x214: {  	v47 =	vld.idx.msk [tilespmem:v61+s3+$0x0], $0xffff;
	v49 =	vor.u32 $0x18, v36;
	v56 =	vmul.f32 v53, v16;
	v37 =	vadd.f32 v52, v37  }
0x215: {  	v61 =	vmul.f32 v62, v41;
	v62 =	vor.u32 $0x1A, v35;
	v59 =	vld.idx.msk [tilespmem:v50+s22+$0x0], $0xffff  }
0x216: {  	v63 =	vld.idx.msk [tilespmem:v63+s22+$0x0], $0xffff;
	v60 =	vmul.f32 v57, v15;
	v50 =	vor.u32 $0x19, v36;
	v37 =	vadd.f32 v56, v37  }
0x217: {  	v51 =	vor.u32 $0x1A, v36;
	v45 =	vld.idx.msk [tilespmem:v58+s3+$0x0], $0xffff  }
0x218: {  	v43 =	vld.idx.msk [tilespmem:v54+s3+$0x0], $0xffff;
	v54 =	vmul.f32 v61, v14;
	v55 =	vmul.f32 v55, v42;
	v37 =	vadd.f32 v60, v37  }
0x219: {  	v57 =	vld.idx.msk [tilespmem:v49+s22+$0x0], $0xffff;
	v49 =	vor.u32 $0x1B, v36;
	v56 =	vor.u32 $0x1B, v35  }
0x21a: {  	v41 =	vld.idx.msk [tilespmem:v62+s3+$0x0], $0xffff;
	v58 =	vmul.f32 v55, v13;
	v59 =	vmul.f32 v59, v40;
	v37 =	vadd.f32 v54, v37  }
0x21b: {  	v62 =	vmul.f32 v63, v47;
	v46 =	vld.idx.msk [tilespmem:v50+s22+$0x0], $0xffff;
	v60 =	vor.u32 $0x1C, v35  }
0x21c: {  	v50 =	vor.u32 $0x1C, v36;
	v61 =	vmul.f32 v59, v12;
	v37 =	vadd.f32 v58, v37  }
0x21d: {  	v48 =	vld.idx.msk [tilespmem:v51+s22+$0x0], $0xffff;
	v63 =	vor.u32 $0x1D, v35;
	v55 =	vmul.f32 v62, v11  }
0x21e: {  	v54 =	vor.u32 $0x1D, v36;
	v42 =	vld.idx.msk [tilespmem:v56+s3+$0x0], $0xffff;
	v56 =	vmul.f32 v57, v43;
	v37 =	vadd.f32 v61, v37  }
0x21f: {  	v59 =	vor.u32 $0x1E, v36;
	v57 =	vor.u32 $0x1E, v35;
	v58 =	vld.idx.msk [tilespmem:v49+s22+$0x0], $0xffff  }
0x220: {  	v40 =	vld.idx.msk [tilespmem:v60+s3+$0x0], $0xffff;
	v60 =	vmul.f32 v56, v10;
	v61 =	vmul.f32 v46, v45;
	v37 =	vadd.f32 v55, v37  }
0x221: {  	v36 =	vor.u32 $0x1F, v36;
	v35 =	vor.u32 $0x1F, v35;
	v62 =	vld.idx.msk [tilespmem:v50+s22+$0x0], $0xffff  }
0x222: {  	v63 =	vld.idx.msk [tilespmem:v63+s3+$0x0], $0xffff;
	v50 =	vmul.f32 v48, v41;
	v47 =	vmul.f32 v61, v9;
	v37 =	vadd.f32 v60, v37  }
0x223: {  	v52 =	vld.idx.msk [tilespmem:v54+s22+$0x0], $0xffff  }
0x224: {  	v53 =	vmul.f32 v50, v8;
	v43 =	vld.idx.msk [tilespmem:v57+s3+$0x0], $0xffff;
	v54 =	vmul.f32 v58, v42;
	v37 =	vadd.f32 v47, v37  }
0x225: {  	v55 =	vld.idx.msk [tilespmem:v59+s22+$0x0], $0xffff  }
0x226: {  	v36 =	vld.idx.msk [tilespmem:v36+s22+$0x0], $0xffff;
	v57 =	vmul.f32 v62, v40;
	v56 =	vmul.f32 v54, v7;
	v37 =	vadd.f32 v53, v37  }
0x227: {  	v35 =	vld.idx.msk [tilespmem:v35+s3+$0x0], $0xffff  }
0x228: {  	v58 =	vmul.f32 v57, v6;
	v59 =	vmul.f32 v52, v63;
	v37 =	vadd.f32 v56, v37;
	_ =	sdelay $0x1  }
0x229: {  	v61 =	vmul.f32 v55, v43;
	v60 =	vmul.f32 v59, v5;
	v37 =	vadd.f32 v58, v37;
	_ =	sdelay $0x1  }
0x22a: {  	v35 =	vmul.f32 v36, v35;
	v62 =	vmul.f32 v61, v4;
	v37 =	vadd.f32 v60, v37;
	_ =	sdelay $0x1  }
0x22b: {  	v35 =	vmul.f32 v35, v3;
	v63 =	vadd.f32 v62, v37;
	_ =	sdelay $0x1  }
0x22c: {  	v35 =	vadd.f32 v35, v63;
	_ =	sdelay $0x1  }
0x22d: {  	v35 =	vadd.f32 v35, v2;
	_ =	sdelay $0x1  }
0x22e: {  	v35 =	vsub.f32 $0.0e+00, v35;
	_ =	sdelay $0x1  }
0x22f: {  	v35 =	vmul.f32 $1.442695020e+00, v35;
	_ =	sdelay $0x1  }
0x230: {  	(erf) = vpow2.f32 v35;
	_ =	sdelay $0x8  }
0x231: {  	v35 =	vpop (erf)  }
0x232: {  	v35 =	vadd.f32 $1.000000000e+00, v35;
	_ =	sdelay $0x1  }
0x233: {  	(erf) = vrcp.f32 v35;
	_ =	sdelay $0x7  }
0x234: {  	s30 =	simm.s32 $0x110;
	s29 =	simm.s32 $0x10  }
0x235: {  	s30 =	sand.u32 $0x180, s30;
	s25 =	simm.s32 $0x19B80;
	s31 =	sand.u32 $0x70, s29;
	v35 =	vpop (erf)  }
0x236: {  	s31 =	sor.u32 s31, s30;
	[tilespmem:s25+$0x0] =	vst v35  }
0x237: {  	v35 =	vld [tilespmem:s31+$0x0];
	_ =	sdelay $0x1  }
0x238: {  	s30 =	simm.s32 $0x20  }
.LBB2_6:
0x239: {  	p0 =	sne.s32 s30, $0xF0  }
0x23a: {  	v36 =	vor.u32 s29, v1;
	s29 =	smov.u32 s30  }
0x23b: {  	vm0 =	vgt.s32 v35, $0xF3FFF;
	v37 =	vadd.s32 $0x7F0C000, v35;
	vm1 =	vgt.s32 v35, $0xB6FFF;
	v38 =	vld [tilespmem:s31+$0x200]  }
0x23c: {  	vm2 =	vgt.s32 v35, $0x3CFFF;
	vm3 =	vgt.s32 v35, $0x79FFF;
	v37 =	vshrl.u32 v37, $0x2  }
0x23d: {  	v39 =	vsel vm2, $0x1, v0;
	v40 =	vsel vm3, $0x1, v0;
	v37 =	vadd.s32 $0x100, v37  }
0x23e: {  	v39 =	vadd.s32 v40, v39;
	v40 =	vsel vm1, $0x1, v0;
	v37 =	vsel vm0, v37, v36  }
0x23f: {  	v39 =	vadd.s32 v40, v39;
	v37 =	vshll.u32 v37, $0x7  }
0x240: {  	v35 =	vsel vm0, v35, v39;
	vm0 =	vgt.s32 v38, $0x3CFFF;
	vm1 =	vgt.s32 v38, $0x79FFF  }
0x241: {  	v39 =	vsel vm0, $0x1, v0;
	v40 =	vsel vm1, $0x1, v0;
	vm0 =	vgt.s32 v38, $0xB6FFF  }
0x242: {  	v41 =	vadd.s32 $0x7F0C000, v38;
	v39 =	vadd.s32 v40, v39;
	v40 =	vsel vm0, $0x1, v0  }
0x243: {  	v41 =	vshrl.u32 v41, $0x2;
	vm0 =	vgt.s32 v38, $0xF3FFF;
	v39 =	vadd.s32 v40, v39  }
0x244: {  	v35 =	vshll.u32 v35, $0x5;
	v40 =	vadd.s32 $0x100, v41;
	v38 =	vsel vm0, v38, v39  }
0x245: {  	v35 =	vand.u32 $0x60, v35;
	v39 =	vsel vm0, v40, v36;
	v38 =	vshll.u32 v38, $0x5  }
0x246: {  	v36 =	vor.u32 v37, v35;
	v37 =	vshll.u32 v39, $0x7;
	v35 =	vand.u32 $0x60, v38  }
0x247: {  	v35 =	vor.u32 v37, v35  }
0x248: {  	v37 =	vor.u32 $0x1, v36  }
0x249: {  	v38 =	vor.u32 $0x1, v35  }
0x24a: {  	v39 =	vor.u32 $0x2, v36  }
0x24b: {  	v41 =	vor.u32 $0x2, v35;
	v40 =	vld.idx.msk [tilespmem:v36+s3+$0x0], $0xffff  }
0x24c: {  	v43 =	vor.u32 $0x3, v36;
	v42 =	vld.idx.msk [tilespmem:v35+s22+$0x0], $0xffff  }
0x24d: {  	v44 =	vor.u32 $0x3, v35;
	v37 =	vld.idx.msk [tilespmem:v37+s3+$0x0], $0xffff  }
0x24e: {  	v45 =	vor.u32 $0x4, v36;
	v38 =	vld.idx.msk [tilespmem:v38+s22+$0x0], $0xffff  }
0x24f: {  	v46 =	vor.u32 $0x4, v35;
	v39 =	vld.idx.msk [tilespmem:v39+s3+$0x0], $0xffff  }
0x250: {  	v47 =	vor.u32 $0x5, v36;
	v41 =	vld.idx.msk [tilespmem:v41+s22+$0x0], $0xffff  }
0x251: {  	v48 =	vor.u32 $0x5, v35;
	v43 =	vld.idx.msk [tilespmem:v43+s3+$0x0], $0xffff  }
0x252: {  	v40 =	vmul.f32 v42, v40;
	v42 =	vld.idx.msk [tilespmem:v44+s22+$0x0], $0xffff;
	v44 =	vor.u32 $0x6, v36  }
0x253: {  	v49 =	vor.u32 $0x6, v35;
	v45 =	vld.idx.msk [tilespmem:v45+s3+$0x0], $0xffff  }
0x254: {  	v40 =	vmul.f32 v40, v34;
	v37 =	vmul.f32 v38, v37;
	v38 =	vld.idx.msk [tilespmem:v46+s22+$0x0], $0xffff;
	v46 =	vor.u32 $0x7, v36  }
0x255: {  	v51 =	vor.u32 $0x8, v36;
	v50 =	vor.u32 $0x7, v35;
	v47 =	vld.idx.msk [tilespmem:v47+s3+$0x0], $0xffff  }
0x256: {  	v40 =	vadd.f32 $0.0e+00, v40;
	v37 =	vmul.f32 v37, v33;
	v39 =	vmul.f32 v41, v39;
	v41 =	vld.idx.msk [tilespmem:v48+s22+$0x0], $0xffff  }
0x257: {  	v52 =	vor.u32 $0x9, v36;
	v48 =	vor.u32 $0x8, v35;
	v44 =	vld.idx.msk [tilespmem:v44+s3+$0x0], $0xffff  }
0x258: {  	v37 =	vadd.f32 v37, v40;
	v39 =	vmul.f32 v39, v32;
	v40 =	vmul.f32 v42, v43;
	v42 =	vld.idx.msk [tilespmem:v49+s22+$0x0], $0xffff  }
0x259: {  	v49 =	vor.u32 $0xA, v36;
	v43 =	vld.idx.msk [tilespmem:v46+s3+$0x0], $0xffff;
	v46 =	vor.u32 $0x9, v35  }
0x25a: {  	v37 =	vadd.f32 v39, v37;
	v39 =	vmul.f32 v40, v31;
	v38 =	vmul.f32 v38, v45;
	v40 =	vld.idx.msk [tilespmem:v50+s22+$0x0], $0xffff  }
0x25b: {  	v50 =	vor.u32 $0xA, v35;
	v45 =	vld.idx.msk [tilespmem:v51+s3+$0x0], $0xffff;
	v51 =	vor.u32 $0xB, v36  }
0x25c: {  	v37 =	vadd.f32 v39, v37;
	v38 =	vmul.f32 v38, v30;
	v39 =	vmul.f32 v41, v47;
	v41 =	vld.idx.msk [tilespmem:v48+s22+$0x0], $0xffff  }
0x25d: {  	v48 =	vor.u32 $0xB, v35;
	v47 =	vld.idx.msk [tilespmem:v52+s3+$0x0], $0xffff;
	v52 =	vor.u32 $0xC, v36  }
0x25e: {  	v37 =	vadd.f32 v38, v37;
	v38 =	vmul.f32 v39, v29;
	v39 =	vmul.f32 v42, v44;
	v42 =	vld.idx.msk [tilespmem:v46+s22+$0x0], $0xffff  }
0x25f: {  	v46 =	vor.u32 $0xC, v35;
	v44 =	vld.idx.msk [tilespmem:v49+s3+$0x0], $0xffff;
	v49 =	vor.u32 $0xD, v36  }
0x260: {  	v37 =	vadd.f32 v38, v37;
	v38 =	vmul.f32 v39, v28;
	v39 =	vmul.f32 v40, v43;
	v40 =	vld.idx.msk [tilespmem:v50+s22+$0x0], $0xffff  }
0x261: {  	v50 =	vor.u32 $0xD, v35;
	v43 =	vld.idx.msk [tilespmem:v51+s3+$0x0], $0xffff;
	v51 =	vor.u32 $0xE, v36  }
0x262: {  	v37 =	vadd.f32 v38, v37;
	v38 =	vmul.f32 v39, v27;
	v39 =	vmul.f32 v41, v45;
	v41 =	vld.idx.msk [tilespmem:v48+s22+$0x0], $0xffff  }
0x263: {  	v48 =	vor.u32 $0xE, v35;
	v45 =	vld.idx.msk [tilespmem:v52+s3+$0x0], $0xffff;
	v52 =	vor.u32 $0xF, v36  }
0x264: {  	v37 =	vadd.f32 v38, v37;
	v38 =	vmul.f32 v39, v26;
	v39 =	vmul.f32 v42, v47;
	v42 =	vld.idx.msk [tilespmem:v46+s22+$0x0], $0xffff  }
0x265: {  	v47 =	vor.u32 $0xF, v35;
	v46 =	vld.idx.msk [tilespmem:v49+s3+$0x0], $0xffff;
	v49 =	vor.u32 $0x10, v36  }
0x266: {  	v37 =	vadd.f32 v38, v37;
	v38 =	vmul.f32 v39, v25;
	v39 =	vmul.f32 v40, v44;
	v40 =	vld.idx.msk [tilespmem:v50+s22+$0x0], $0xffff  }
0x267: {  	v50 =	vor.u32 $0x10, v35;
	v44 =	vld.idx.msk [tilespmem:v51+s3+$0x0], $0xffff;
	v51 =	vor.u32 $0x11, v36  }
0x268: {  	v37 =	vadd.f32 v38, v37;
	v38 =	vmul.f32 v39, v24;
	v39 =	vmul.f32 v41, v43;
	v41 =	vld.idx.msk [tilespmem:v48+s22+$0x0], $0xffff  }
0x269: {  	v48 =	vor.u32 $0x11, v35;
	v43 =	vld.idx.msk [tilespmem:v52+s3+$0x0], $0xffff;
	v52 =	vor.u32 $0x12, v36  }
0x26a: {  	v37 =	vadd.f32 v38, v37;
	v38 =	vmul.f32 v39, v23;
	v39 =	vmul.f32 v42, v45;
	v42 =	vld.idx.msk [tilespmem:v47+s22+$0x0], $0xffff  }
0x26b: {  	v47 =	vor.u32 $0x12, v35;
	v45 =	vld.idx.msk [tilespmem:v49+s3+$0x0], $0xffff;
	v49 =	vor.u32 $0x13, v36  }
0x26c: {  	v37 =	vadd.f32 v38, v37;
	v38 =	vmul.f32 v39, v22;
	v39 =	vmul.f32 v40, v46;
	v40 =	vld.idx.msk [tilespmem:v50+s22+$0x0], $0xffff  }
0x26d: {  	v50 =	vor.u32 $0x13, v35;
	v46 =	vld.idx.msk [tilespmem:v51+s3+$0x0], $0xffff;
	v51 =	vor.u32 $0x14, v36  }
0x26e: {  	v37 =	vadd.f32 v38, v37;
	v38 =	vmul.f32 v39, v21;
	v39 =	vmul.f32 v41, v44;
	v41 =	vld.idx.msk [tilespmem:v48+s22+$0x0], $0xffff  }
0x26f: {  	v48 =	vor.u32 $0x14, v35;
	v44 =	vld.idx.msk [tilespmem:v52+s3+$0x0], $0xffff;
	v52 =	vor.u32 $0x15, v36  }
0x270: {  	v37 =	vadd.f32 v38, v37;
	v38 =	vmul.f32 v39, v20;
	v39 =	vmul.f32 v42, v43;
	v42 =	vld.idx.msk [tilespmem:v47+s22+$0x0], $0xffff  }
0x271: {  	v47 =	vor.u32 $0x15, v35;
	v43 =	vld.idx.msk [tilespmem:v49+s3+$0x0], $0xffff;
	v49 =	vor.u32 $0x16, v36  }
0x272: {  	v37 =	vadd.f32 v38, v37;
	v38 =	vmul.f32 v39, v19;
	v39 =	vmul.f32 v40, v45;
	v40 =	vld.idx.msk [tilespmem:v50+s22+$0x0], $0xffff  }
0x273: {  	v50 =	vor.u32 $0x16, v35;
	v45 =	vld.idx.msk [tilespmem:v51+s3+$0x0], $0xffff;
	v51 =	vor.u32 $0x17, v36  }
0x274: {  	v37 =	vadd.f32 v38, v37;
	v38 =	vmul.f32 v39, v18;
	v39 =	vmul.f32 v41, v46;
	v41 =	vld.idx.msk [tilespmem:v48+s22+$0x0], $0xffff  }
0x275: {  	v48 =	vor.u32 $0x17, v35;
	v46 =	vld.idx.msk [tilespmem:v52+s3+$0x0], $0xffff;
	v52 =	vor.u32 $0x18, v36  }
0x276: {  	v37 =	vadd.f32 v38, v37;
	v38 =	vmul.f32 v39, v17;
	v39 =	vmul.f32 v42, v44;
	v42 =	vld.idx.msk [tilespmem:v47+s22+$0x0], $0xffff  }
0x277: {  	v47 =	vor.u32 $0x18, v35;
	v44 =	vld.idx.msk [tilespmem:v49+s3+$0x0], $0xffff;
	v49 =	vor.u32 $0x19, v36  }
0x278: {  	v37 =	vadd.f32 v38, v37;
	v38 =	vmul.f32 v39, v16;
	v39 =	vmul.f32 v40, v43;
	v40 =	vld.idx.msk [tilespmem:v50+s22+$0x0], $0xffff  }
0x279: {  	v50 =	vor.u32 $0x19, v35;
	v43 =	vld.idx.msk [tilespmem:v51+s3+$0x0], $0xffff;
	v51 =	vor.u32 $0x1A, v36  }
0x27a: {  	v37 =	vadd.f32 v38, v37;
	v38 =	vmul.f32 v39, v15;
	v39 =	vmul.f32 v41, v45;
	v41 =	vld.idx.msk [tilespmem:v48+s22+$0x0], $0xffff  }
0x27b: {  	v48 =	vor.u32 $0x1A, v35;
	v45 =	vld.idx.msk [tilespmem:v52+s3+$0x0], $0xffff;
	v52 =	vor.u32 $0x1B, v36  }
0x27c: {  	v37 =	vadd.f32 v38, v37;
	v38 =	vmul.f32 v39, v14;
	v39 =	vmul.f32 v42, v46;
	v42 =	vld.idx.msk [tilespmem:v47+s22+$0x0], $0xffff  }
0x27d: {  	v47 =	vor.u32 $0x1B, v35;
	v46 =	vld.idx.msk [tilespmem:v49+s3+$0x0], $0xffff;
	v49 =	vor.u32 $0x1C, v36  }
0x27e: {  	v37 =	vadd.f32 v38, v37;
	v38 =	vmul.f32 v39, v13;
	v39 =	vmul.f32 v40, v44;
	v40 =	vld.idx.msk [tilespmem:v50+s22+$0x0], $0xffff  }
0x27f: {  	v50 =	vor.u32 $0x1C, v35;
	v44 =	vld.idx.msk [tilespmem:v51+s3+$0x0], $0xffff;
	v51 =	vor.u32 $0x1D, v36  }
0x280: {  	v37 =	vadd.f32 v38, v37;
	v38 =	vmul.f32 v39, v12;
	v39 =	vmul.f32 v41, v43;
	v41 =	vld.idx.msk [tilespmem:v48+s22+$0x0], $0xffff  }
0x281: {  	v48 =	vor.u32 $0x1D, v35;
	v43 =	vld.idx.msk [tilespmem:v52+s3+$0x0], $0xffff;
	v52 =	vor.u32 $0x1E, v36  }
0x282: {  	v37 =	vadd.f32 v38, v37;
	v38 =	vmul.f32 v39, v11;
	v39 =	vmul.f32 v42, v45;
	v42 =	vld.idx.msk [tilespmem:v47+s22+$0x0], $0xffff  }
0x283: {  	v36 =	vor.u32 $0x1F, v36;
	v47 =	vor.u32 $0x1E, v35;
	v45 =	vld.idx.msk [tilespmem:v49+s3+$0x0], $0xffff  }
0x284: {  	v37 =	vadd.f32 v38, v37;
	v38 =	vmul.f32 v39, v10;
	v39 =	vmul.f32 v40, v46;
	v40 =	vld.idx.msk [tilespmem:v50+s22+$0x0], $0xffff  }
0x285: {  	v35 =	vor.u32 $0x1F, v35;
	v46 =	vld.idx.msk [tilespmem:v51+s3+$0x0], $0xffff  }
0x286: {  	v37 =	vadd.f32 v38, v37;
	v38 =	vmul.f32 v39, v9;
	v39 =	vmul.f32 v41, v44;
	v41 =	vld.idx.msk [tilespmem:v48+s22+$0x0], $0xffff  }
0x287: {  	v44 =	vld.idx.msk [tilespmem:v52+s3+$0x0], $0xffff  }
0x288: {  	v37 =	vadd.f32 v38, v37;
	v38 =	vmul.f32 v39, v8;
	v39 =	vmul.f32 v42, v43;
	v42 =	vld.idx.msk [tilespmem:v47+s22+$0x0], $0xffff  }
0x289: {  	v36 =	vld.idx.msk [tilespmem:v36+s3+$0x0], $0xffff  }
0x28a: {  	v37 =	vadd.f32 v38, v37;
	v38 =	vmul.f32 v39, v7;
	v39 =	vmul.f32 v40, v45;
	v35 =	vld.idx.msk [tilespmem:v35+s22+$0x0], $0xffff;
	_ =	sdelay $0x1  }
0x28b: {  	v37 =	vadd.f32 v38, v37;
	v38 =	vmul.f32 v39, v6;
	v39 =	vmul.f32 v41, v46;
	_ =	sdelay $0x1  }
0x28c: {  	v37 =	vadd.f32 v38, v37;
	v38 =	vmul.f32 v39, v5;
	v39 =	vmul.f32 v42, v44;
	_ =	sdelay $0x1  }
0x28d: {  	v37 =	vadd.f32 v38, v37;
	v38 =	vmul.f32 v39, v4;
	v35 =	vmul.f32 v35, v36;
	_ =	sdelay $0x1  }
0x28e: {  	v36 =	vadd.f32 v38, v37;
	v35 =	vmul.f32 v35, v3;
	_ =	sdelay $0x1  }
0x28f: {  	v35 =	vadd.f32 v35, v36;
	_ =	sdelay $0x1  }
0x290: {  	v35 =	vadd.f32 v35, v2;
	_ =	sdelay $0x1  }
0x291: {  	v35 =	vsub.f32 $0.0e+00, v35;
	_ =	sdelay $0x1  }
0x292: {  	v35 =	vmul.f32 $1.442695020e+00, v35;
	_ =	sdelay $0x1  }
0x293: {  	(erf) = vpow2.f32 v35;
	_ =	sdelay $0x8  }
0x294: {  	v35 =	vpop (erf)  }
0x295: {  	v35 =	vadd.f32 $1.000000000e+00, v35;
	_ =	sdelay $0x1  }
0x296: {  	(erf) = vrcp.f32 v35;
	_ =	sdelay $0x7  }
0x297: {  	s0 =	sand.u32 $0x70, s30;
	s31 =	sadd.s32 $0x100, s30  }
.Ltmp2:
0x298: {  	s25 =	sadd.s32 $0x10, s25;
	s31 =	sand.u32 $0x180, s31;
	v35 =	vpop (erf);
	(pc) =	sbr.rel @p0 .LBB2_6-.Ltmp2, $3  }
0x299: {  	s31 =	sor.u32 s0, s31;
	[tilespmem:s25+$0x0] =	vst v35  }
0x29a: {  	v35 =	vld [tilespmem:s31+$0x0];
	_ =	sdelay $0x1  }
0x29b: {  	s30 =	sadd.s32 $0x10, s30  }
0x29c: {  	_ = 	snop  }
0x29d: {  	v38 =	vld [tilespmem:s31+$0x200]  }
0x29e: {  	v36 =	vor.u32 s29, v1;
	vm0 =	vgt.s32 v35, $0xF3FFF;
	v37 =	vadd.s32 $0x7F0C000, v35  }
0x29f: {  	vm1 =	vgt.s32 v35, $0xB6FFF;
	vm2 =	vgt.s32 v35, $0x3CFFF;
	vm3 =	vgt.s32 v35, $0x79FFF  }
0x2a0: {  	v37 =	vshrl.u32 v37, $0x2;
	v39 =	vsel vm2, $0x1, v0;
	v40 =	vsel vm3, $0x1, v0  }
0x2a1: {  	v45 =	vsel vm1, $0x1, v0;
	v37 =	vadd.s32 $0x100, v37;
	v39 =	vadd.s32 v40, v39  }
0x2a2: {  	v37 =	vsel vm0, v37, v36;
	v39 =	vadd.s32 v45, v39;
	vm12 =	vgt.s32 v38, $0x3CFFF  }
0x2a3: {  	vm13 =	vgt.s32 v38, $0x79FFF;
	vm14 =	vgt.s32 v38, $0xB6FFF;
	v41 =	vadd.s32 $0x7F0C000, v38  }
0x2a4: {  	vm15 =	vgt.s32 v38, $0xF3FFF;
	v47 =	vsel vm12, $0x1, v0;
	v48 =	vsel vm13, $0x1, v0  }
0x2a5: {  	v46 =	vsel vm0, v35, v39;
	v49 =	vsel vm14, $0x1, v0;
	v39 =	vadd.s32 v48, v47  }
0x2a6: {  	v37 =	vshll.u32 v37, $0x7;
	v41 =	vshrl.u32 v41, $0x2;
	v39 =	vadd.s32 v49, v39  }
0x2a7: {  	v35 =	vshll.u32 v46, $0x5;
	v50 =	vadd.s32 $0x100, v41;
	v38 =	vsel vm15, v38, v39  }
0x2a8: {  	v36 =	vsel vm15, v50, v36;
	v35 =	vand.u32 $0x60, v35;
	v38 =	vshll.u32 v38, $0x5  }
0x2a9: {  	v35 =	vor.u32 v37, v35;
	v36 =	vshll.u32 v36, $0x7;
	v51 =	vand.u32 $0x60, v38  }
0x2aa: {  	v36 =	vor.u32 v36, v51  }
0x2ab: {  	v52 =	vor.u32 $0x1, v35  }
0x2ac: {  	v53 =	vor.u32 $0x1, v36  }
0x2ad: {  	v54 =	vor.u32 $0x2, v35  }
0x2ae: {  	v56 =	vor.u32 $0x2, v36;
	v55 =	vld.idx.msk [tilespmem:v35+s3+$0x0], $0xffff  }
0x2af: {  	v43 =	vor.u32 $0x3, v35;
	v42 =	vld.idx.msk [tilespmem:v36+s22+$0x0], $0xffff  }
0x2b0: {  	v44 =	vor.u32 $0x3, v36;
	v37 =	vld.idx.msk [tilespmem:v52+s3+$0x0], $0xffff  }
0x2b1: {  	v45 =	vor.u32 $0x4, v35;
	v38 =	vld.idx.msk [tilespmem:v53+s22+$0x0], $0xffff  }
0x2b2: {  	v46 =	vor.u32 $0x4, v36;
	v39 =	vld.idx.msk [tilespmem:v54+s3+$0x0], $0xffff  }
0x2b3: {  	v47 =	vor.u32 $0x5, v35;
	v41 =	vld.idx.msk [tilespmem:v56+s22+$0x0], $0xffff  }
0x2b4: {  	v48 =	vor.u32 $0x5, v36;
	v43 =	vld.idx.msk [tilespmem:v43+s3+$0x0], $0xffff;
	v40 =	vmul.f32 v42, v55  }
0x2b5: {  	v58 =	vor.u32 $0x6, v35;
	v57 =	vld.idx.msk [tilespmem:v44+s22+$0x0], $0xffff  }
0x2b6: {  	v49 =	vor.u32 $0x6, v36;
	v45 =	vld.idx.msk [tilespmem:v45+s3+$0x0], $0xffff;
	v37 =	vmul.f32 v38, v37;
	v34 =	vmul.f32 v40, v34  }
0x2b7: {  	v60 =	vor.u32 $0x7, v35;
	v61 =	vor.u32 $0x7, v36;
	v59 =	vld.idx.msk [tilespmem:v46+s22+$0x0], $0xffff  }
0x2b8: {  	v47 =	vld.idx.msk [tilespmem:v47+s3+$0x0], $0xffff;
	v62 =	vmul.f32 v41, v39;
	v33 =	vmul.f32 v37, v33;
	v34 =	vadd.f32 $0.0e+00, v34  }
0x2b9: {  	v63 =	vor.u32 $0x8, v35;
	v52 =	vld.idx.msk [tilespmem:v48+s22+$0x0], $0xffff;
	v53 =	vor.u32 $0x8, v36  }
0x2ba: {  	v44 =	vld.idx.msk [tilespmem:v58+s3+$0x0], $0xffff;
	v54 =	vmul.f32 v57, v43;
	v32 =	vmul.f32 v62, v32;
	v33 =	vadd.f32 v33, v34  }
0x2bb: {  	v56 =	vld.idx.msk [tilespmem:v49+s22+$0x0], $0xffff;
	v55 =	vor.u32 $0x9, v35;
	v57 =	vor.u32 $0x9, v36  }
0x2bc: {  	v58 =	vmul.f32 v59, v45;
	v40 =	vld.idx.msk [tilespmem:v60+s3+$0x0], $0xffff;
	v31 =	vmul.f32 v54, v31;
	v32 =	vadd.f32 v32, v33  }
0x2bd: {  	v59 =	vor.u32 $0xA, v35;
	v60 =	vld.idx.msk [tilespmem:v61+s22+$0x0], $0xffff;
	v61 =	vor.u32 $0xA, v36  }
0x2be: {  	v39 =	vld.idx.msk [tilespmem:v63+s3+$0x0], $0xffff;
	v30 =	vmul.f32 v58, v30;
	v62 =	vmul.f32 v52, v47;
	v31 =	vadd.f32 v31, v32  }
0x2bf: {  	v49 =	vor.u32 $0xB, v36;
	v63 =	vor.u32 $0xB, v35;
	v48 =	vld.idx.msk [tilespmem:v53+s22+$0x0], $0xffff  }
0x2c0: {  	v50 =	vmul.f32 v56, v44;
	v37 =	vld.idx.msk [tilespmem:v55+s3+$0x0], $0xffff;
	v29 =	vmul.f32 v62, v29;
	v30 =	vadd.f32 v30, v31  }
0x2c1: {  	v51 =	vor.u32 $0xC, v35;
	v53 =	vor.u32 $0xC, v36;
	v52 =	vld.idx.msk [tilespmem:v57+s22+$0x0], $0xffff  }
0x2c2: {  	v28 =	vmul.f32 v50, v28;
	v34 =	vld.idx.msk [tilespmem:v59+s3+$0x0], $0xffff;
	v54 =	vmul.f32 v60, v40;
	v29 =	vadd.f32 v29, v30  }
0x2c3: {  	v55 =	vor.u32 $0xD, v35;
	v57 =	vor.u32 $0xD, v36;
	v56 =	vld.idx.msk [tilespmem:v61+s22+$0x0], $0xffff  }
0x2c4: {  	v58 =	vmul.f32 v48, v39;
	v60 =	vld.idx.msk [tilespmem:v49+s22+$0x0], $0xffff;
	v27 =	vmul.f32 v54, v27;
	v28 =	vadd.f32 v28, v29  }
0x2c5: {  	v59 =	vor.u32 $0xE, v35;
	v61 =	vor.u32 $0xE, v36;
	v33 =	vld.idx.msk [tilespmem:v63+s3+$0x0], $0xffff  }
0x2c6: {  	v45 =	vld.idx.msk [tilespmem:v53+s22+$0x0], $0xffff;
	v26 =	vmul.f32 v58, v26;
	v62 =	vmul.f32 v52, v37;
	v27 =	vadd.f32 v27, v28  }
0x2c7: {  	v46 =	vor.u32 $0xF, v36;
	v63 =	vor.u32 $0xF, v35;
	v32 =	vld.idx.msk [tilespmem:v51+s3+$0x0], $0xffff  }
0x2c8: {  	v49 =	vld.idx.msk [tilespmem:v57+s22+$0x0], $0xffff;
	v47 =	vmul.f32 v56, v34;
	v25 =	vmul.f32 v62, v25;
	v26 =	vadd.f32 v26, v27  }
0x2c9: {  	v50 =	vor.u32 $0x10, v36;
	v48 =	vor.u32 $0x10, v35;
	v31 =	vld.idx.msk [tilespmem:v55+s3+$0x0], $0xffff  }
0x2ca: {  	v53 =	vld.idx.msk [tilespmem:v61+s22+$0x0], $0xffff;
	v51 =	vmul.f32 v60, v33;
	v24 =	vmul.f32 v47, v24;
	v25 =	vadd.f32 v25, v26  }
0x2cb: {  	v54 =	vor.u32 $0x11, v36;
	v52 =	vor.u32 $0x11, v35;
	v30 =	vld.idx.msk [tilespmem:v59+s3+$0x0], $0xffff  }
0x2cc: {  	v57 =	vld.idx.msk [tilespmem:v46+s22+$0x0], $0xffff;
	v23 =	vmul.f32 v51, v23;
	v55 =	vmul.f32 v45, v32;
	v24 =	vadd.f32 v24, v25  }
0x2cd: {  	v58 =	vor.u32 $0x12, v36;
	v56 =	vor.u32 $0x12, v35;
	v29 =	vld.idx.msk [tilespmem:v63+s3+$0x0], $0xffff  }
0x2ce: {  	v61 =	vld.idx.msk [tilespmem:v50+s22+$0x0], $0xffff;
	v22 =	vmul.f32 v55, v22;
	v59 =	vmul.f32 v49, v31;
	v23 =	vadd.f32 v23, v24  }
0x2cf: {  	v60 =	vor.u32 $0x13, v35;
	v62 =	vor.u32 $0x13, v36;
	v28 =	vld.idx.msk [tilespmem:v48+s3+$0x0], $0xffff  }
0x2d0: {  	v40 =	vld.idx.msk [tilespmem:v54+s22+$0x0], $0xffff;
	v21 =	vmul.f32 v59, v21;
	v63 =	vmul.f32 v53, v30;
	v22 =	vadd.f32 v22, v23  }
0x2d1: {  	v38 =	vor.u32 $0x14, v35;
	v41 =	vor.u32 $0x14, v36;
	v27 =	vld.idx.msk [tilespmem:v52+s3+$0x0], $0xffff  }
0x2d2: {  	v44 =	vld.idx.msk [tilespmem:v58+s22+$0x0], $0xffff;
	v20 =	vmul.f32 v63, v20;
	v42 =	vmul.f32 v57, v29;
	v21 =	vadd.f32 v21, v22  }
0x2d3: {  	v43 =	vor.u32 $0x15, v35;
	v45 =	vor.u32 $0x15, v36;
	v26 =	vld.idx.msk [tilespmem:v56+s3+$0x0], $0xffff  }
0x2d4: {  	v48 =	vld.idx.msk [tilespmem:v62+s22+$0x0], $0xffff;
	v19 =	vmul.f32 v42, v19;
	v46 =	vmul.f32 v61, v28;
	v20 =	vadd.f32 v20, v21  }
0x2d5: {  	v47 =	vor.u32 $0x16, v35;
	v49 =	vor.u32 $0x16, v36;
	v25 =	vld.idx.msk [tilespmem:v60+s3+$0x0], $0xffff  }
0x2d6: {  	v52 =	vld.idx.msk [tilespmem:v41+s22+$0x0], $0xffff;
	v18 =	vmul.f32 v46, v18;
	v50 =	vmul.f32 v40, v27;
	v19 =	vadd.f32 v19, v20  }
0x2d7: {  	v51 =	vor.u32 $0x17, v35;
	v53 =	vor.u32 $0x17, v36;
	v24 =	vld.idx.msk [tilespmem:v38+s3+$0x0], $0xffff  }
0x2d8: {  	v56 =	vld.idx.msk [tilespmem:v45+s22+$0x0], $0xffff;
	v17 =	vmul.f32 v50, v17;
	v54 =	vmul.f32 v44, v26;
	v18 =	vadd.f32 v18, v19  }
0x2d9: {  	v55 =	vor.u32 $0x18, v35;
	v57 =	vor.u32 $0x18, v36;
	v23 =	vld.idx.msk [tilespmem:v43+s3+$0x0], $0xffff  }
0x2da: {  	v60 =	vld.idx.msk [tilespmem:v49+s22+$0x0], $0xffff;
	v16 =	vmul.f32 v54, v16;
	v58 =	vmul.f32 v48, v25;
	v17 =	vadd.f32 v17, v18  }
0x2db: {  	v59 =	vor.u32 $0x19, v35;
	v61 =	vor.u32 $0x19, v36;
	v22 =	vld.idx.msk [tilespmem:v47+s3+$0x0], $0xffff  }
0x2dc: {  	v31 =	vld.idx.msk [tilespmem:v53+s22+$0x0], $0xffff;
	v15 =	vmul.f32 v58, v15;
	v62 =	vmul.f32 v52, v24;
	v16 =	vadd.f32 v16, v17  }
0x2dd: {  	v32 =	vor.u32 $0x1A, v36;
	v63 =	vor.u32 $0x1A, v35;
	v21 =	vld.idx.msk [tilespmem:v51+s3+$0x0], $0xffff  }
0x2de: {  	v37 =	vld.idx.msk [tilespmem:v57+s22+$0x0], $0xffff;
	v14 =	vmul.f32 v62, v14;
	v33 =	vmul.f32 v56, v23;
	v15 =	vadd.f32 v15, v16  }
0x2df: {  	v34 =	vor.u32 $0x1B, v35;
	v38 =	vor.u32 $0x1B, v36;
	v20 =	vld.idx.msk [tilespmem:v55+s3+$0x0], $0xffff  }
0x2e0: {  	v41 =	vld.idx.msk [tilespmem:v61+s22+$0x0], $0xffff;
	v13 =	vmul.f32 v33, v13;
	v39 =	vmul.f32 v60, v22;
	v14 =	vadd.f32 v14, v15  }
0x2e1: {  	v42 =	vor.u32 $0x1C, v36;
	v40 =	vor.u32 $0x1C, v35;
	v19 =	vld.idx.msk [tilespmem:v59+s3+$0x0], $0xffff  }
0x2e2: {  	v45 =	vld.idx.msk [tilespmem:v32+s22+$0x0], $0xffff;
	v12 =	vmul.f32 v39, v12;
	v43 =	vmul.f32 v31, v21;
	v13 =	vadd.f32 v13, v14  }
0x2e3: {  	v46 =	vor.u32 $0x1D, v36;
	v44 =	vor.u32 $0x1D, v35;
	v18 =	vld.idx.msk [tilespmem:v63+s3+$0x0], $0xffff  }
0x2e4: {  	v49 =	vld.idx.msk [tilespmem:v38+s22+$0x0], $0xffff;
	v11 =	vmul.f32 v43, v11;
	v47 =	vmul.f32 v37, v20;
	v12 =	vadd.f32 v12, v13  }
0x2e5: {  	v50 =	vor.u32 $0x1E, v36;
	v48 =	vor.u32 $0x1E, v35;
	v17 =	vld.idx.msk [tilespmem:v34+s3+$0x0], $0xffff  }
0x2e6: {  	v53 =	vld.idx.msk [tilespmem:v42+s22+$0x0], $0xffff;
	v10 =	vmul.f32 v47, v10;
	v51 =	vmul.f32 v41, v19;
	v11 =	vadd.f32 v11, v12  }
0x2e7: {  	v54 =	vor.u32 $0x1F, v36;
	v52 =	vor.u32 $0x1F, v35;
	v16 =	vld.idx.msk [tilespmem:v40+s3+$0x0], $0xffff  }
0x2e8: {  	v56 =	vld.idx.msk [tilespmem:v46+s22+$0x0], $0xffff;
	v9 =	vmul.f32 v51, v9;
	v55 =	vmul.f32 v45, v18;
	v10 =	vadd.f32 v10, v11  }
0x2e9: {  	v15 =	vld.idx.msk [tilespmem:v44+s3+$0x0], $0xffff  }
0x2ea: {  	v58 =	vld.idx.msk [tilespmem:v50+s22+$0x0], $0xffff;
	v8 =	vmul.f32 v55, v8;
	v57 =	vmul.f32 v49, v17;
	v9 =	vadd.f32 v9, v10  }
0x2eb: {  	v14 =	vld.idx.msk [tilespmem:v48+s3+$0x0], $0xffff  }
0x2ec: {  	v60 =	vld.idx.msk [tilespmem:v54+s22+$0x0], $0xffff;
	v7 =	vmul.f32 v57, v7;
	v59 =	vmul.f32 v53, v16;
	v8 =	vadd.f32 v8, v9  }
0x2ed: {  	v13 =	vld.idx.msk [tilespmem:v52+s3+$0x0], $0xffff  }
0x2ee: {  	v6 =	vmul.f32 v59, v6;
	v61 =	vmul.f32 v56, v15;
	v7 =	vadd.f32 v7, v8;
	_ =	sdelay $0x1  }
0x2ef: {  	v5 =	vmul.f32 v61, v5;
	v62 =	vmul.f32 v58, v14;
	v6 =	vadd.f32 v6, v7;
	_ =	sdelay $0x1  }
0x2f0: {  	v4 =	vmul.f32 v62, v4;
	v63 =	vmul.f32 v60, v13;
	v5 =	vadd.f32 v5, v6;
	_ =	sdelay $0x1  }
0x2f1: {  	v3 =	vmul.f32 v63, v3;
	v4 =	vadd.f32 v4, v5;
	_ =	sdelay $0x1  }
0x2f2: {  	v3 =	vadd.f32 v3, v4;
	_ =	sdelay $0x1  }
0x2f3: {  	v2 =	vadd.f32 v3, v2;
	_ =	sdelay $0x1  }
0x2f4: {  	v2 =	vsub.f32 $0.0e+00, v2;
	_ =	sdelay $0x1  }
0x2f5: {  	v2 =	vmul.f32 $1.442695020e+00, v2;
	_ =	sdelay $0x1  }
0x2f6: {  	(erf) = vpow2.f32 v2;
	_ =	sdelay $0x8  }
0x2f7: {  	v2 =	vpop (erf)  }
0x2f8: {  	v2 =	vadd.f32 $1.000000000e+00, v2;
	_ =	sdelay $0x1  }
0x2f9: {  	(erf) = vrcp.f32 v2;
	_ =	sdelay $0x7  }
0x2fa: {  	s23 =	sadd.s32 $0x1, s23  }
0x2fb: {  	s0 =	sadd.s32 $0x10, s25;
	p0 =	sne.s32 s23, s18;
	v2 =	vpop (erf)  }
.Ltmp3:
0x2fc: {  	[tilespmem:s0+$0x0] =	vst v2;
	(pc) =	sbr.rel @p0 .LBB2_1-.Ltmp3, $4  }
0x2fd: {  	[hbm4b:s17+s1] =	stream.linear.scatter [tilespmem:s20], [sflag:$0x2], $0x200, $0x38;
	[tilespmem:$0x19C80] =	vst v63  }
0x2fe: {  	_ =	swait.ge [sflag:s19], $0x200  }
0x2ff: {  	[sflag:s19] =	ssyncset.done $0x0  }
0x300: {  	[sflag:s19] =	ssyncadd.s32 $0xFFFFFE00  }
0x301: {  	_ =	sfence.sel $0x180000  }
0x302: {  	[bflag:$0x0] =	sbarrier.arrive $0xFFFF  }
0x303: {  	_ =	strace $0x90000047  }
0x304: {  	s0 =	stileid.u32;
	[bflag:$0x2] =	sbarrier.arrive $0xFFFF  }
0x305: {  	p0 =	sne.s32 s0, $0x0;
	s0 =	rddreg [dreg:$0x4]  }
0x306: {  	s0 =	sadd.s32 @!p0 $0x100000, s0  }
0x307: {  	[sflag:s0] =	ssyncadd.tile.s32 @!p0 $0x1;
	_ =	shalt  }
.Lfunc_end2:
_tile_overlayer_lowered:
.L_overlay_start_2:
0x308: {  	(tag) =	ssettag $0x2  }
0x309: {  	s0 =	rddreg [dreg:$0x0];
	s2 =	stileid.u32  }
0x30a: {  	s1 =	rddreg [dreg:$0x1];
	p0 =	sne.s32 s2, $0x0  }
0x30b: {  	s3 =	rddreg [dreg:$0x2];
	[bflag:$0x3] =	sbarrier.arrive $0xFFFF;
	s2 =	simm.s32 @!p0 $0x1C02  }
0x30c: {  	[timem:s3], [sflag:s2] =	dma.local @!p0 [hbm:s0], s1  }
0x30d: {  	s0 =	simm.s32 @!p0 $0x2  }
0x30e: {  	_ =	swait.ge @!p0 [sflag:s0], s1  }
0x30f: {  	s1 =	ssub.s32 @!p0 $0x0, s1;
	[sflag:s0] =	ssyncset.done @!p0 $0x0  }
0x310: {  	[sflag:s0] =	ssyncadd.s32 @!p0 s1  }
0x311: {  	[bflag:$0x3] =	sbarrier.arrive $0xFFFF  }
0x312: {  	_ =	shalt  }

</sc_bundles>
